<compile_context>
chip_gen: v7x
topology: tpu7x:2x2x1
jax: 0.10.2.dev20260603
libtpu: 0.0.44.dev20260713+nightly
codegen_flags: <defaults>
</compile_context>

<pallas_src>
import functools

import jax
import jax.numpy as jnp
import numpy as np
from jax import lax
from jax.experimental import pallas as pl
from jax.experimental.pallas import tpu as pltpu
from jax.experimental.pallas import tpu_sc as plsc

B = 4
C = 256
L = 512
E = 1024
HID = 32
CAP = 4
NSLOT = E * B * CAP
TRASH = NSLOT
XROWS = NSLOT + 8

_INV_SQRT2 = np.float32(1.0 / np.sqrt(2.0))
_ATT_SCALE = np.float32(1.0 / np.sqrt(32.0))


def _gelu(v):
    return 0.5 * v * (1.0 + lax.erf(v * _INV_SQRT2))


def _dot_hi(a, b):
    return jnp.dot(a, b, preferred_element_type=jnp.float32,
                   precision=lax.Precision.HIGHEST)


def _dot_d(a, b):
    return jnp.dot(a, b, preferred_element_type=jnp.float32)



def _group_norm(x, gamma, beta):
    b, c, l = x.shape
    xr = x.reshape(b, 32, c // 32, l)
    mean = xr.mean(axis=(2, 3), keepdims=True)
    var = xr.var(axis=(2, 3), keepdims=True)
    xr = (xr - mean) / jnp.sqrt(var + 1e-5)
    x = xr.reshape(b, c, l)
    return x * gamma[None, :, None] + beta[None, :, None]


def _conv_body(x_ref, w_ref, b_ref, out_ref):
    x2d = x_ref[0]
    nc = x2d.shape[0]
    zc = jnp.zeros((nc, 1), jnp.float32)
    xr = jnp.concatenate([zc, x2d[:, :-1]], axis=1)
    xl = jnp.concatenate([x2d[:, 1:], zc], axis=1)
    out_ref[0] = (_dot_d(w_ref[0], xr) + _dot_d(w_ref[1], x2d)
                  + _dot_d(w_ref[2], xl) + b_ref[...])


def _run_conv(x, w, b):
    co = w.shape[0]
    ci = w.shape[1]
    w3 = jnp.moveaxis(w, 2, 0)
    return pl.pallas_call(
        _conv_body,
        grid=(B,),
        in_specs=[pl.BlockSpec((1, ci, L), lambda i: (i, 0, 0)),
                  pl.BlockSpec((3, co, ci), lambda i: (0, 0, 0)),
                  pl.BlockSpec((co, 1), lambda i: (0, 0))],
        out_specs=pl.BlockSpec((1, co, L), lambda i: (i, 0, 0)),
        out_shape=jax.ShapeDtypeStruct((B, co, L), jnp.float32),
    )(x, w3, b.reshape(co, 1))


def _attn_body(x_ref, aw1_ref, ab1_ref, aw2_ref, ab2_ref, out_ref):
    y = x_ref[0].T
    qkv = _dot_d(y, aw1_ref[...]) + ab1_ref[...]
    outs = []
    for h in range(8):
        q = qkv[:, h * 32:h * 32 + 32]
        k = qkv[:, 256 + h * 32:256 + h * 32 + 32]
        v = qkv[:, 512 + h * 32:512 + h * 32 + 32]
        s = _dot_d(q, k.T) * _ATT_SCALE
        s = s - s.max(axis=-1, keepdims=True)
        e = jnp.exp(s)
        outs.append(_dot_d(e, v) / e.sum(axis=-1, keepdims=True))
    iota_r = lax.broadcasted_iota(jnp.int32, (32, C), 0)
    iota_c = lax.broadcasted_iota(jnp.int32, (32, C), 1)
    o = jnp.zeros((L, C), jnp.float32)
    for h in range(8):
        sel = ((iota_c % 8 == h) & (iota_c // 8 == iota_r)).astype(jnp.float32)
        o = o + _dot_hi(outs[h], sel)
    o = _dot_d(o, aw2_ref[...]) + ab2_ref[...]
    out_ref[0] = o.T


def _run_attn(x, pa):
    w1p = pa['w1'].reshape(32, 8, 3, C).transpose(2, 1, 0, 3).reshape(768, C).T
    b1p = pa['b1'].reshape(32, 8, 3).transpose(2, 1, 0).reshape(1, 768)
    w2t = pa['w2'].T
    b2p = pa['b2'].reshape(1, C)
    return pl.pallas_call(
        _attn_body,
        grid=(B,),
        in_specs=[pl.BlockSpec((1, C, L), lambda i: (i, 0, 0)),
                  pl.BlockSpec((C, 768), lambda i: (0, 0)),
                  pl.BlockSpec((1, 768), lambda i: (0, 0)),
                  pl.BlockSpec((C, C), lambda i: (0, 0)),
                  pl.BlockSpec((1, C), lambda i: (0, 0))],
        out_specs=pl.BlockSpec((1, C, L), lambda i: (i, 0, 0)),
        out_shape=jax.ShapeDtypeStruct((B, C, L), jnp.float32),
    )(x, w1p, b1p, w2t, b2p)


def _gelu_x(v):
    return jax.nn.gelu(v, approximate=False)


def _res_block(x, emb, p):
    x = x + emb
    r = _run_conv(_gelu_x(_group_norm(x, p['gn1_w'], p['gn1_b'])),
                  p['conv1_w'], p['conv1_b'])
    r = _run_conv(_gelu_x(_group_norm(r, p['gn2_w'], p['gn2_b'])),
                  p['conv2_w'], p['conv2_b'])
    return r + x


def _run_front(x, emb, params):
    x = _res_block(x, emb, params['rb1'])
    x = _run_attn(x, params['attn'])
    x = _res_block(x, emb, params['rb2'])
    return x



def _gating_body(x_ref, wg_ref, s1_ref, s2_ref, sg1_ref, sg2_ref,
                 g1_ref, g2_ref, loss_ref):
    iota_e = lax.broadcasted_iota(jnp.int32, (C, E), 1)
    ltri = (lax.broadcasted_iota(jnp.int32, (C, C), 0)
            >= lax.broadcasted_iota(jnp.int32, (C, C), 1)).astype(jnp.float32)
    capf = np.float32(CAP)
    loss_acc = jnp.zeros((1, 1), jnp.float32)
    for b in range(B):
        logits = _dot_d(x_ref[b], wg_ref[...])
        m = logits.max(axis=-1, keepdims=True)
        ex = jnp.exp(logits - m)
        raw = ex / ex.sum(axis=-1, keepdims=True)
        gate1 = raw.max(axis=-1, keepdims=True)
        idx1 = jnp.where(raw >= gate1, iota_e, E).min(axis=-1, keepdims=True)
        mask1 = (iota_e == idx1).astype(jnp.float32)
        gwo = raw * (1.0 - mask1)
        gate2 = gwo.max(axis=-1, keepdims=True)
        idx2 = jnp.where(gwo >= gate2, iota_e, E).min(axis=-1, keepdims=True)
        mask2 = (iota_e == idx2).astype(jnp.float32)
        denom = gate1 + gate2 + 1e-9
        g1n = gate1 / denom
        g2n = gate2 / denom
        density1 = mask1.sum(axis=0, keepdims=True) * np.float32(1.0 / C)
        proxy = raw.sum(axis=0, keepdims=True) * np.float32(1.0 / C)
        loss_acc = loss_acc + jnp.dot(proxy, density1.T,
                                      preferred_element_type=jnp.float32)
        cum1 = jnp.dot(ltri, mask1, preferred_element_type=jnp.float32)
        pos1m = (cum1 - mask1) * mask1
        pos1 = pos1m.sum(axis=-1, keepdims=True)
        mask1c = mask1 * (pos1m < capf).astype(jnp.float32)
        m1count = mask1c.sum(axis=0, keepdims=True)
        m1flat = mask1c.sum(axis=-1, keepdims=True)
        g1 = g1n * m1flat
        cum2 = jnp.dot(ltri, mask2, preferred_element_type=jnp.float32)
        pos2m = ((cum2 - mask2) + m1count) * mask2
        mask2c = mask2 * (pos2m < capf).astype(jnp.float32)
        m2flat = mask2c.sum(axis=-1, keepdims=True)
        pos2 = pos2m.sum(axis=-1, keepdims=True)
        g2 = g2n * m2flat
        s1 = idx1 * (B * CAP) + (b * CAP) + pos1.astype(jnp.int32)
        s2 = idx2 * (B * CAP) + (b * CAP) + pos2.astype(jnp.int32)
        v1 = g1 != 0.0
        v2 = g2 != 0.0
        s1v = jnp.where(v1, s1, TRASH)
        s2v = jnp.where(v2, s2, TRASH)
        s1_ref[b] = s1v.reshape(1, C)
        s2_ref[b] = s2v.reshape(1, C)
        sg1_ref[b] = jnp.minimum(s1v, NSLOT - 1).reshape(1, C)
        sg2_ref[b] = jnp.minimum(s2v, NSLOT - 1).reshape(1, C)
        g1_ref[b] = g1.reshape(1, C)
        g2_ref[b] = g2.reshape(1, C)
    loss_ref[...] = loss_acc * np.float32(float(E * E) / (B * E) * 0.01)


def _run_gating(x2, w_gating):
    outs = pl.pallas_call(
        _gating_body,
        out_shape=(jax.ShapeDtypeStruct((B, 1, C), jnp.int32),
                   jax.ShapeDtypeStruct((B, 1, C), jnp.int32),
                   jax.ShapeDtypeStruct((B, 1, C), jnp.int32),
                   jax.ShapeDtypeStruct((B, 1, C), jnp.int32),
                   jax.ShapeDtypeStruct((B, 1, C), jnp.float32),
                   jax.ShapeDtypeStruct((B, 1, C), jnp.float32),
                   jax.ShapeDtypeStruct((1, 1), jnp.float32)),
    )(x2, w_gating)
    return outs



def _sc_info():
    info = plsc.get_sparse_core_info()
    return info.num_cores, info.num_subcores


def _make_sc_scatter():
    nc, ns = _sc_info()
    nw = nc * ns
    rows_per = (B * C) // nw
    mesh = plsc.VectorSubcoreMesh(core_axis_name="c", subcore_axis_name="s")

    @functools.partial(
        pl.kernel, mesh=mesh,
        out_type=jax.ShapeDtypeStruct((XROWS, L), jnp.float32),
        scratch_types=[pltpu.VMEM((rows_per,), jnp.int32),
                       pltpu.VMEM((rows_per,), jnp.int32),
                       pltpu.VMEM((rows_per, L), jnp.float32),
                       pltpu.SemaphoreType.DMA],
    )
    def scatter_k(x_hbm, s1_hbm, s2_hbm, out_hbm, idx1_v, idx2_v, rows_v, sem):
        wid = lax.axis_index("s") * nc + lax.axis_index("c")
        base = wid * rows_per
        pltpu.sync_copy(s1_hbm.at[pl.ds(base, rows_per)], idx1_v)
        pltpu.sync_copy(s2_hbm.at[pl.ds(base, rows_per)], idx2_v)
        pltpu.sync_copy(x_hbm.at[pl.ds(base, rows_per)], rows_v)
        pltpu.async_copy(rows_v, out_hbm.at[idx1_v], sem).wait()
        pltpu.async_copy(rows_v, out_hbm.at[idx2_v], sem).wait()

    return scatter_k


def _make_sc_gather():
    nc, ns = _sc_info()
    nw = nc * ns
    rows_per = (B * C) // nw
    mesh = plsc.VectorSubcoreMesh(core_axis_name="c", subcore_axis_name="s")

    @functools.partial(
        pl.kernel, mesh=mesh,
        out_type=(jax.ShapeDtypeStruct((B * C, L), jnp.float32),
                  jax.ShapeDtypeStruct((B * C, L), jnp.float32)),
        scratch_types=[pltpu.VMEM((rows_per,), jnp.int32),
                       pltpu.VMEM((rows_per,), jnp.int32),
                       pltpu.VMEM((rows_per, L), jnp.float32),
                       pltpu.VMEM((rows_per, L), jnp.float32),
                       pltpu.SemaphoreType.DMA],
    )
    def gather_k(eo_hbm, s1_hbm, s2_hbm, a_hbm, b_hbm,
                 idx1_v, idx2_v, rows1_v, rows2_v, sem):
        wid = lax.axis_index("s") * nc + lax.axis_index("c")
        base = wid * rows_per
        pltpu.sync_copy(s1_hbm.at[pl.ds(base, rows_per)], idx1_v)
        pltpu.sync_copy(s2_hbm.at[pl.ds(base, rows_per)], idx2_v)
        pltpu.async_copy(eo_hbm.at[idx1_v], rows1_v, sem).wait()
        pltpu.async_copy(eo_hbm.at[idx2_v], rows2_v, sem).wait()
        pltpu.sync_copy(rows1_v, a_hbm.at[pl.ds(base, rows_per)])
        pltpu.sync_copy(rows2_v, b_hbm.at[pl.ds(base, rows_per)])

    return gather_k



ECHUNK = 32


def _experts_body(x_ref, w1_ref, w2_ref, out_ref):
    xb = x_ref[...].reshape(ECHUNK, B * CAP, L)
    h = lax.dot_general(xb, w1_ref[...],
                        (((2,), (1,)), ((0,), (0,))),
                        preferred_element_type=jnp.float32)
    h = _gelu(h)
    o = lax.dot_general(h, w2_ref[...],
                        (((2,), (1,)), ((0,), (0,))),
                        preferred_element_type=jnp.float32)
    out_ref[...] = o.reshape(ECHUNK * B * CAP, L)


def _run_experts(xe, w1, w2):
    return pl.pallas_call(
        _experts_body,
        grid=(E // ECHUNK,),
        in_specs=[pl.BlockSpec((ECHUNK * B * CAP, L), lambda i: (i, 0)),
                  pl.BlockSpec((ECHUNK, L, HID), lambda i: (i, 0, 0)),
                  pl.BlockSpec((ECHUNK, HID, L), lambda i: (i, 0, 0))],
        out_specs=pl.BlockSpec((ECHUNK * B * CAP, L), lambda i: (i, 0)),
        out_shape=jax.ShapeDtypeStruct((NSLOT, L), jnp.float32),
    )(xe, w1, w2)



def _tail_body(a_ref, b_ref, g1_ref, g2_ref, cw_ref, cb_ref, y_ref, xm_ref):
    a = a_ref[0].astype(jnp.bfloat16).astype(jnp.float32)
    bv = b_ref[0].astype(jnp.bfloat16).astype(jnp.float32)
    g1 = g1_ref[0].T.astype(jnp.bfloat16).astype(jnp.float32)
    g2 = g2_ref[0].T.astype(jnp.bfloat16).astype(jnp.float32)
    xm = (jnp.where(g1 != 0.0, g1 * a, 0.0)
          + jnp.where(g2 != 0.0, g2 * bv, 0.0))
    xm_ref[0] = xm

    xb = xm
    zc = jnp.zeros((C, 1), jnp.float32)
    xr = jnp.concatenate([zc, xb[:, :-1]], axis=1)
    xl = jnp.concatenate([xb[:, 1:], zc], axis=1)
    yc = (jnp.dot(cw_ref[0], xr, preferred_element_type=jnp.float32)
          + jnp.dot(cw_ref[1], xb, preferred_element_type=jnp.float32)
          + jnp.dot(cw_ref[2], xl, preferred_element_type=jnp.float32)
          + cb_ref[...])
    neg = np.float32(-np.inf)
    ninf = jnp.full((2 * C, 1), neg, jnp.float32)
    ycr = jnp.concatenate([ninf, yc[:, :-1]], axis=1)
    ycl = jnp.concatenate([yc[:, 1:], ninf], axis=1)
    wfull = jnp.maximum(jnp.maximum(ycr, yc), ycl)
    sel = (lax.broadcasted_iota(jnp.int32, (L, C), 0)
           == 2 * lax.broadcasted_iota(jnp.int32, (L, C), 1)).astype(jnp.float32)
    y_ref[0] = _dot_hi(wfull, sel)


def _run_tail(a_f, b_f, g1, g2, conv_w3, conv_b):
    full = lambda s: pl.BlockSpec(s, lambda i: (0,) * len(s))
    return pl.pallas_call(
        _tail_body,
        grid=(B,),
        in_specs=[pl.BlockSpec((1, C, L), lambda i: (i, 0, 0)),
                  pl.BlockSpec((1, C, L), lambda i: (i, 0, 0)),
                  pl.BlockSpec((1, 1, C), lambda i: (i, 0, 0)),
                  pl.BlockSpec((1, 1, C), lambda i: (i, 0, 0)),
                  full((3, 2 * C, C)),
                  full((2 * C, 1))],
        out_specs=(pl.BlockSpec((1, 2 * C, C), lambda i: (i, 0, 0)),
                   pl.BlockSpec((1, C, L), lambda i: (i, 0, 0))),
        out_shape=(jax.ShapeDtypeStruct((B, 2 * C, C), jnp.float32),
                   jax.ShapeDtypeStruct((B, C, L), jnp.float32)),
    )(a_f, b_f, g1, g2, conv_w3, conv_b)



def _pack_bf16_rows(x_bf):
    shp = x_bf.shape
    return lax.bitcast_convert_type(
        x_bf.reshape(shp[:-1] + (shp[-1] // 2, 2)), jnp.float32)


def _unpack_bf16_rows(x_f32):
    shp = x_f32.shape
    return lax.bitcast_convert_type(x_f32, jnp.bfloat16).reshape(
        shp[:-1] + (shp[-1] * 2,))


def kernel(x, embeddings, params):
    x2 = _run_front(x, embeddings, params)

    s1, s2, sg1, sg2, g1, g2, loss = _run_gating(x2, params['w_gating'])
    aux = loss.reshape(())

    scatter_k = _make_sc_scatter()
    xe = scatter_k(x2.reshape(B * C, L), s1.reshape(B * C), s2.reshape(B * C))

    eo = _run_experts(xe, params['moe_w1'], params['moe_w2'])

    gather_k = _make_sc_gather()
    a_f, b_f = gather_k(eo, sg1.reshape(B * C), sg2.reshape(B * C))

    conv_w3 = jnp.moveaxis(params['conv_w'], 2, 0)
    conv_b = params['conv_b'].reshape(2 * C, 1)
    y, xm = _run_tail(a_f.reshape(B, C, L), b_f.reshape(B, C, L), g1, g2,
                      conv_w3, conv_b)
    return (y, xm, aux)

# --- scband reference (transcript-rebuilt; emitter-appended) ---
"""Pipeline reference for scband-unet-layer-50663434224179 (READ-ONLY COPY).

The authoritative reference and input builder live on the scoring server;
editing this copy changes nothing except your own understanding.
"""

import jax, jax.numpy as jnp
import numpy as np

B = 4
C = 256
NUM_GROUPS = 32
NUM_HEADS = 8
SIZE = 512
NUM_EXPERTS = 2 * SIZE
HIDDEN = NUM_HEADS * 4
MIN_EXPERT_CAPACITY = 4
LOSS_COEF = 0.01

def gelu(x):
    return jax.nn.gelu(x, approximate=False)

def group_norm(x, gamma, beta):
    b, c, l = x.shape
    g = NUM_GROUPS
    xr = x.reshape(b, g, c // g, l)
    mean = xr.mean(axis=(2, 3), keepdims=True)
    var = xr.var(axis=(2, 3), keepdims=True)
    xr = (xr - mean) / jnp.sqrt(var + 1e-5)
    x = xr.reshape(b, c, l)
    return x * gamma[None, :, None] + beta[None, :, None]

def conv1d(x, w, b):
    y = jax.lax.conv_general_dilated(x, w, (1,), ((1, 1),), dimension_numbers=('NCH', 'OIH', 'NCH'))
    return y + b[None, :, None]

def res_block(x, emb, p):
    x = x + emb[:, :x.shape[1], :]
    r = conv1d(gelu(group_norm(x, p['gn1_w'], p['gn1_b'])), p['conv1_w'], p['conv1_b'])
    r = conv1d(gelu(group_norm(r, p['gn2_w'], p['gn2_b'])), p['conv2_w'], p['conv2_b'])
    return r + x

def attention(x, p):
    b, c, l = x.shape
    h = NUM_HEADS
    dh = c // h
    y = jnp.swapaxes(x, 1, 2)
    y = y @ p['w1'].T + p['b1']
    y = y.reshape(b, l, dh, h, 3)
    y = jnp.transpose(y, (4, 0, 3, 1, 2))
    q, k, v = y[0], y[1], y[2]
    att = jax.nn.softmax(jnp.einsum('bhqc,bhkc->bhqk', q, k) * np.float32(1.0 / np.sqrt(dh)), axis=-1)
    o = jnp.einsum('bhqk,bhkc->bhqc', att, v)
    o = jnp.transpose(o, (0, 2, 3, 1)).reshape(b, l, c)
    o = o @ p['w2'].T + p['b2']
    return jnp.swapaxes(o, 1, 2)

def top2_gating(x, w_gating):
    b, n, d = x.shape
    e = NUM_EXPERTS
    raw_gates = jax.nn.softmax(jnp.einsum('bnd,de->bne', x, w_gating), axis=-1)
    index_1 = jnp.argmax(raw_gates, axis=-1)
    gate_1 = jnp.max(raw_gates, axis=-1)
    mask_1 = jax.nn.one_hot(index_1, e, dtype=raw_gates.dtype)
    density_1_proxy = raw_gates
    gates_wo_1 = raw_gates * (1.0 - mask_1)
    index_2 = jnp.argmax(gates_wo_1, axis=-1)
    gate_2 = jnp.max(gates_wo_1, axis=-1)
    mask_2 = jax.nn.one_hot(index_2, e, dtype=raw_gates.dtype)
    denom = gate_1 + gate_2 + 1e-9
    gate_1 = gate_1 / denom
    gate_2 = gate_2 / denom
    density_1 = mask_1.mean(axis=-2)
    density_1_proxy = density_1_proxy.mean(axis=-2)
    loss = (density_1_proxy * density_1).mean() * float(e * e)
    expert_capacity = max(min(n, int((n * 2.0) / e)), MIN_EXPERT_CAPACITY)
    cap_f = float(expert_capacity)
    pos_1 = (jnp.cumsum(mask_1, axis=-2) - mask_1) * mask_1
    mask_1 = mask_1 * (pos_1 < cap_f).astype(mask_1.dtype)
    mask_1_count = mask_1.sum(axis=-2, keepdims=True)
    mask_1_flat = mask_1.sum(axis=-1)
    pos_1 = pos_1.sum(axis=-1)
    gate_1 = gate_1 * mask_1_flat
    pos_2 = (jnp.cumsum(mask_2, axis=-2) - mask_2) + mask_1_count
    pos_2 = pos_2 * mask_2
    mask_2 = mask_2 * (pos_2 < cap_f).astype(mask_2.dtype)
    mask_2_flat = mask_2.sum(axis=-1)
    pos_2 = pos_2.sum(axis=-1)
    combine = (gate_1[..., None, None] * mask_1_flat[..., None, None] * jax.nn.one_hot(index_1, e, dtype=raw_gates.dtype)[..., None] * jax.nn.one_hot(pos_1.astype(jnp.int32), expert_capacity, dtype=raw_gates.dtype)[..., None, :] + gate_2[..., None, None] * mask_2_flat[..., None, None] * jax.nn.one_hot(index_2, e, dtype=raw_gates.dtype)[..., None] * jax.nn.one_hot(pos_2.astype(jnp.int32), expert_capacity, dtype=raw_gates.dtype)[..., None, :])
    dispatch = (combine != 0).astype(combine.dtype)
    return dispatch, combine, loss

def moe(x, w_gating, w1, w2):
    b, n, d = x.shape
    dispatch, combine, loss = top2_gating(x, w_gating)
    expert_inputs = jnp.einsum('bnd,bnec->ebcd', x, dispatch)
    e, bb, cc, _ = expert_inputs.shape
    ei = expert_inputs.reshape(e, -1, d)
    hidden = gelu(jnp.einsum('end,edh->enh', ei, w1))
    eo = jnp.einsum('enh,ehd->end', hidden, w2)
    eo = eo.reshape(e, bb, cc, d)
    out = jnp.einsum('ebcd,bnec->bnd', eo, combine)
    return out, loss * LOSS_COEF

def maxpool1d(x):
    return jax.lax.reduce_window(x, -jnp.inf, jax.lax.max, (1, 1, 3), (1, 1, 2), ((0, 0), (0, 0), (1, 1)))

def unet_layer(x, embeddings, params):
    x = res_block(x, embeddings, params['rb1'])
    x = attention(x, params['attn'])
    x = res_block(x, embeddings, params['rb2'])
    x, aux = moe(x, params['w_gating'], params['moe_w1'], params['moe_w2'])
    y = maxpool1d(conv1d(x, params['conv_w'], params['conv_b']))
    return (y, x, aux)

def setup_inputs(seed: int = 0):
    key = jax.random.key(seed)
    ks = jax.random.split(key, 16)
    def nrm(i, shape, s=0.02):
        return jax.random.normal(ks[i], shape, dtype=jnp.float32) * s
    def rb(i0):
        return {'gn1_w': jnp.ones((C,), jnp.float32), 'gn1_b': jnp.zeros((C,), jnp.float32), 'conv1_w': nrm(i0, (C, C, 3)), 'conv1_b': jnp.zeros((C,), jnp.float32), 'gn2_w': jnp.ones((C,), jnp.float32), 'gn2_b': jnp.zeros((C,), jnp.float32), 'conv2_w': nrm(i0 + 1, (C, C, 3)), 'conv2_b': jnp.zeros((C,), jnp.float32)}
    params = {'rb1': rb(2), 'rb2': rb(4), 'attn': {'w1': nrm(6, (3 * C, C)), 'b1': jnp.zeros((3 * C,), jnp.float32), 'w2': nrm(7, (C, C)), 'b2': jnp.zeros((C,), jnp.float32)}, 'w_gating': jax.random.normal(ks[8], (SIZE, NUM_EXPERTS), dtype=jnp.float32), 'moe_w1': nrm(9, (NUM_EXPERTS, SIZE, HIDDEN)), 'moe_w2': nrm(10, (NUM_EXPERTS, HIDDEN, SIZE)), 'conv_w': nrm(11, (2 * C, C, 3)), 'conv_b': jnp.zeros((2 * C,), jnp.float32)}
    x = jax.random.normal(ks[0], (B, C, SIZE), dtype=jnp.float32)
    embeddings = jax.random.normal(ks[1], (B, C, SIZE), dtype=jnp.float32)
    return {'x': x, 'embeddings': embeddings, 'params': params}

def reference(x, embeddings, params):
    return unet_layer(x, embeddings, params)

if __name__ == "__main__":
    import jax
    _d = setup_inputs()
    print(jax.jit(kernel)(*tuple(_d.values())))

</pallas_src>

<mosaic_0001>
#map = affine_map<(d0, d1) -> (0, 0)>
#map1 = affine_map<(d0, d1) -> (0)>
module attributes {stable_mosaic.version = 14 : i64} {
  func.func @gather_k(%arg0: i32, %arg1: i32, %arg2: memref<16384x512xf32, #tpu.memory_space<hbm>>, %arg3: memref<1024xi32, #tpu.memory_space<hbm>>, %arg4: memref<1024xi32, #tpu.memory_space<hbm>>, %arg5: memref<1024x512xf32, #tpu.memory_space<hbm>>, %arg6: memref<1024x512xf32, #tpu.memory_space<hbm>>, %arg7: memref<32xi32, #tpu.memory_space<vmem>>, %arg8: memref<32xi32, #tpu.memory_space<vmem>>, %arg9: memref<32x512xf32, #tpu.memory_space<vmem>>, %arg10: memref<32x512xf32, #tpu.memory_space<vmem>>, %arg11: memref<!tpu.dma_semaphore, #tpu.memory_space<semaphore_mem>>) attributes {dimension_semantics = [#tpu.dimension_semantics<core_parallel>, #tpu.dimension_semantics<subcore_parallel>], iteration_bounds = array<i64: 2, 16>, scalar_prefetch = 0 : i64, scratch_operands = 5 : i64, tpu.core_type = #tpu.core_type<sc_vector_subcore>, window_params = [{transform_indices = #map}, {transform_indices = #map1}, {transform_indices = #map1}, {transform_indices = #map}, {transform_indices = #map}]} {
    %mul3A = arith.constant 2 : i32
    %mul3A_0 = arith.muli %arg1, %mul3A : i32
    %add3A = arith.addi %mul3A_0, %arg0 : i32
    %mul3A_1 = arith.constant 32 : i32
    %mul3A_2 = arith.muli %add3A, %mul3A_1 : i32
    "tpu.region"() ({
      %run_scoped3A = tpu.sem_alloc : memref<!tpu.dma_semaphore, #tpu.memory_space<semaphore_mem>>
      %dma_start3A_13 = tpu.memref_slice %arg3[%mul3A_2] : memref<1024xi32, #tpu.memory_space<hbm>> -> memref<32xi32, #tpu.memory_space<hbm>>
      %dma_start3A_14 = tpu.memref_slice %arg3[%mul3A_2] : memref<1024xi32, #tpu.memory_space<hbm>> -> memref<32xi32, #tpu.memory_space<hbm>>
      tpu.enqueue_dma source(%dma_start3A_14 : memref<32xi32, #tpu.memory_space<hbm>>) target(%arg7 : memref<32xi32, #tpu.memory_space<vmem>>) target_semaphore(%run_scoped3A : memref<!tpu.dma_semaphore, #tpu.memory_space<semaphore_mem>>)
      %dma_wait3A_15 = tpu.memref_slice %arg3[%mul3A_2] : memref<1024xi32, #tpu.memory_space<hbm>> -> memref<32xi32, #tpu.memory_space<hbm>>
      %dma_wait3A_16 = tpu.memref_slice %arg3[%mul3A_2] : memref<1024xi32, #tpu.memory_space<hbm>> -> memref<32xi32, #tpu.memory_space<hbm>>
      tpu.wait_dma2 semaphore(%run_scoped3A : memref<!tpu.dma_semaphore, #tpu.memory_space<semaphore_mem>>) src(%dma_wait3A_16 : memref<32xi32, #tpu.memory_space<hbm>>) dst(%arg7 : memref<32xi32, #tpu.memory_space<vmem>>)
      tpu.yield
    }) : () -> ()
    "tpu.region"() ({
      %run_scoped3A = tpu.sem_alloc : memref<!tpu.dma_semaphore, #tpu.memory_space<semaphore_mem>>
      %dma_start3A_13 = tpu.memref_slice %arg4[%mul3A_2] : memref<1024xi32, #tpu.memory_space<hbm>> -> memref<32xi32, #tpu.memory_space<hbm>>
      %dma_start3A_14 = tpu.memref_slice %arg4[%mul3A_2] : memref<1024xi32, #tpu.memory_space<hbm>> -> memref<32xi32, #tpu.memory_space<hbm>>
      tpu.enqueue_dma source(%dma_start3A_14 : memref<32xi32, #tpu.memory_space<hbm>>) target(%arg8 : memref<32xi32, #tpu.memory_space<vmem>>) target_semaphore(%run_scoped3A : memref<!tpu.dma_semaphore, #tpu.memory_space<semaphore_mem>>)
      %dma_wait3A_15 = tpu.memref_slice %arg4[%mul3A_2] : memref<1024xi32, #tpu.memory_space<hbm>> -> memref<32xi32, #tpu.memory_space<hbm>>
      %dma_wait3A_16 = tpu.memref_slice %arg4[%mul3A_2] : memref<1024xi32, #tpu.memory_space<hbm>> -> memref<32xi32, #tpu.memory_space<hbm>>
      tpu.wait_dma2 semaphore(%run_scoped3A : memref<!tpu.dma_semaphore, #tpu.memory_space<semaphore_mem>>) src(%dma_wait3A_16 : memref<32xi32, #tpu.memory_space<hbm>>) dst(%arg8 : memref<32xi32, #tpu.memory_space<vmem>>)
      tpu.yield
    }) : () -> ()
    %dma_start3A = arith.constant 0 : i32
    %dma_start3A_3 = arith.constant 0 : i32
    %dma_start3A_4 = tpu.memref_slice %arg2[%dma_start3A, %dma_start3A_3] : memref<16384x512xf32, #tpu.memory_space<hbm>> -> memref<16384x512xf32, #tpu.memory_space<hbm>>
    tpu.enqueue_indirect_dma source(%dma_start3A_4 : memref<16384x512xf32, #tpu.memory_space<hbm>>) target(%arg9 : memref<32x512xf32, #tpu.memory_space<vmem>>) offsets(%arg7 : memref<32xi32, #tpu.memory_space<vmem>>) semaphore(%arg11 : memref<!tpu.dma_semaphore, #tpu.memory_space<semaphore_mem>>)
    %dma_wait3A = arith.constant 0 : i32
    %dma_wait3A_5 = arith.constant 0 : i32
    %dma_wait3A_6 = tpu.memref_slice %arg2[%dma_wait3A, %dma_wait3A_5] : memref<16384x512xf32, #tpu.memory_space<hbm>> -> memref<16384x512xf32, #tpu.memory_space<hbm>>
    tpu.wait_indirect_dma semaphore(%arg11 : memref<!tpu.dma_semaphore, #tpu.memory_space<semaphore_mem>>) src(%dma_wait3A_6 : memref<16384x512xf32, #tpu.memory_space<hbm>>) dst(%arg9 : memref<32x512xf32, #tpu.memory_space<vmem>>)
    %dma_start3A_7 = arith.constant 0 : i32
    %dma_start3A_8 = arith.constant 0 : i32
    %dma_start3A_9 = tpu.memref_slice %arg2[%dma_start3A_7, %dma_start3A_8] : memref<16384x512xf32, #tpu.memory_space<hbm>> -> memref<16384x512xf32, #tpu.memory_space<hbm>>
    tpu.enqueue_indirect_dma source(%dma_start3A_9 : memref<16384x512xf32, #tpu.memory_space<hbm>>) target(%arg10 : memref<32x512xf32, #tpu.memory_space<vmem>>) offsets(%arg8 : memref<32xi32, #tpu.memory_space<vmem>>) semaphore(%arg11 : memref<!tpu.dma_semaphore, #tpu.memory_space<semaphore_mem>>)
    %dma_wait3A_10 = arith.constant 0 : i32
    %dma_wait3A_11 = arith.constant 0 : i32
    %dma_wait3A_12 = tpu.memref_slice %arg2[%dma_wait3A_10, %dma_wait3A_11] : memref<16384x512xf32, #tpu.memory_space<hbm>> -> memref<16384x512xf32, #tpu.memory_space<hbm>>
    tpu.wait_indirect_dma semaphore(%arg11 : memref<!tpu.dma_semaphore, #tpu.memory_space<semaphore_mem>>) src(%dma_wait3A_12 : memref<16384x512xf32, #tpu.memory_space<hbm>>) dst(%arg10 : memref<32x512xf32, #tpu.memory_space<vmem>>)
    "tpu.region"() ({
      %run_scoped3A = tpu.sem_alloc : memref<!tpu.dma_semaphore, #tpu.memory_space<semaphore_mem>>
      %dma_start3A_13 = arith.constant 0 : i32
      %dma_start3A_14 = tpu.memref_slice %arg5[%mul3A_2, %dma_start3A_13] : memref<1024x512xf32, #tpu.memory_space<hbm>> -> memref<32x512xf32, #tpu.memory_space<hbm>>
      %dma_start3A_15 = arith.constant 0 : i32
      %dma_start3A_16 = tpu.memref_slice %arg5[%mul3A_2, %dma_start3A_15] : memref<1024x512xf32, #tpu.memory_space<hbm>> -> memref<32x512xf32, #tpu.memory_space<hbm>>
      tpu.enqueue_dma source(%arg9 : memref<32x512xf32, #tpu.memory_space<vmem>>) target(%dma_start3A_16 : memref<32x512xf32, #tpu.memory_space<hbm>>) target_semaphore(%run_scoped3A : memref<!tpu.dma_semaphore, #tpu.memory_space<semaphore_mem>>)
      %dma_wait3A_17 = arith.constant 0 : i32
      %dma_wait3A_18 = tpu.memref_slice %arg5[%mul3A_2, %dma_wait3A_17] : memref<1024x512xf32, #tpu.memory_space<hbm>> -> memref<32x512xf32, #tpu.memory_space<hbm>>
      %dma_wait3A_19 = arith.constant 0 : i32
      %dma_wait3A_20 = tpu.memref_slice %arg5[%mul3A_2, %dma_wait3A_19] : memref<1024x512xf32, #tpu.memory_space<hbm>> -> memref<32x512xf32, #tpu.memory_space<hbm>>
      tpu.wait_dma2 semaphore(%run_scoped3A : memref<!tpu.dma_semaphore, #tpu.memory_space<semaphore_mem>>) src(%arg9 : memref<32x512xf32, #tpu.memory_space<vmem>>) dst(%dma_wait3A_20 : memref<32x512xf32, #tpu.memory_space<hbm>>)
      tpu.yield
    }) : () -> ()
    "tpu.region"() ({
      %run_scoped3A = tpu.sem_alloc : memref<!tpu.dma_semaphore, #tpu.memory_space<semaphore_mem>>
      %dma_start3A_13 = arith.constant 0 : i32
      %dma_start3A_14 = tpu.memref_slice %arg6[%mul3A_2, %dma_start3A_13] : memref<1024x512xf32, #tpu.memory_space<hbm>> -> memref<32x512xf32, #tpu.memory_space<hbm>>
      %dma_start3A_15 = arith.constant 0 : i32
      %dma_start3A_16 = tpu.memref_slice %arg6[%mul3A_2, %dma_start3A_15] : memref<1024x512xf32, #tpu.memory_space<hbm>> -> memref<32x512xf32, #tpu.memory_space<hbm>>
      tpu.enqueue_dma source(%arg10 : memref<32x512xf32, #tpu.memory_space<vmem>>) target(%dma_start3A_16 : memref<32x512xf32, #tpu.memory_space<hbm>>) target_semaphore(%run_scoped3A : memref<!tpu.dma_semaphore, #tpu.memory_space<semaphore_mem>>)
      %dma_wait3A_17 = arith.constant 0 : i32
      %dma_wait3A_18 = tpu.memref_slice %arg6[%mul3A_2, %dma_wait3A_17] : memref<1024x512xf32, #tpu.memory_space<hbm>> -> memref<32x512xf32, #tpu.memory_space<hbm>>
      %dma_wait3A_19 = arith.constant 0 : i32
      %dma_wait3A_20 = tpu.memref_slice %arg6[%mul3A_2, %dma_wait3A_19] : memref<1024x512xf32, #tpu.memory_space<hbm>> -> memref<32x512xf32, #tpu.memory_space<hbm>>
      tpu.wait_dma2 semaphore(%run_scoped3A : memref<!tpu.dma_semaphore, #tpu.memory_space<semaphore_mem>>) src(%arg10 : memref<32x512xf32, #tpu.memory_space<vmem>>) dst(%dma_wait3A_20 : memref<32x512xf32, #tpu.memory_space<hbm>>)
      tpu.yield
    }) : () -> ()
    return
  }
}

#map = affine_map<(d0, d1) -> (0, 0)>
#map1 = affine_map<(d0, d1) -> (0)>
module attributes {stable_mosaic.version = 14 : i64} {
  func.func @scatter_k(%arg0: i32, %arg1: i32, %arg2: memref<1024x512xf32, #tpu.memory_space<hbm>>, %arg3: memref<1024xi32, #tpu.memory_space<hbm>>, %arg4: memref<1024xi32, #tpu.memory_space<hbm>>, %arg5: memref<16392x512xf32, #tpu.memory_space<hbm>>, %arg6: memref<32xi32, #tpu.memory_space<vmem>>, %arg7: memref<32xi32, #tpu.memory_space<vmem>>, %arg8: memref<32x512xf32, #tpu.memory_space<vmem>>, %arg9: memref<!tpu.dma_semaphore, #tpu.memory_space<semaphore_mem>>) attributes {dimension_semantics = [#tpu.dimension_semantics<core_parallel>, #tpu.dimension_semantics<subcore_parallel>], iteration_bounds = array<i64: 2, 16>, scalar_prefetch = 0 : i64, scratch_operands = 4 : i64, tpu.core_type = #tpu.core_type<sc_vector_subcore>, window_params = [{transform_indices = #map}, {transform_indices = #map1}, {transform_indices = #map1}, {transform_indices = #map}]} {
    %mul3A = arith.constant 2 : i32
    %mul3A_0 = arith.muli %arg1, %mul3A : i32
    %add3A = arith.addi %mul3A_0, %arg0 : i32
    %mul3A_1 = arith.constant 32 : i32
    %mul3A_2 = arith.muli %add3A, %mul3A_1 : i32
    "tpu.region"() ({
      %run_scoped3A = tpu.sem_alloc : memref<!tpu.dma_semaphore, #tpu.memory_space<semaphore_mem>>
      %dma_start3A_13 = tpu.memref_slice %arg3[%mul3A_2] : memref<1024xi32, #tpu.memory_space<hbm>> -> memref<32xi32, #tpu.memory_space<hbm>>
      %dma_start3A_14 = tpu.memref_slice %arg3[%mul3A_2] : memref<1024xi32, #tpu.memory_space<hbm>> -> memref<32xi32, #tpu.memory_space<hbm>>
      tpu.enqueue_dma source(%dma_start3A_14 : memref<32xi32, #tpu.memory_space<hbm>>) target(%arg6 : memref<32xi32, #tpu.memory_space<vmem>>) target_semaphore(%run_scoped3A : memref<!tpu.dma_semaphore, #tpu.memory_space<semaphore_mem>>)
      %dma_wait3A_15 = tpu.memref_slice %arg3[%mul3A_2] : memref<1024xi32, #tpu.memory_space<hbm>> -> memref<32xi32, #tpu.memory_space<hbm>>
      %dma_wait3A_16 = tpu.memref_slice %arg3[%mul3A_2] : memref<1024xi32, #tpu.memory_space<hbm>> -> memref<32xi32, #tpu.memory_space<hbm>>
      tpu.wait_dma2 semaphore(%run_scoped3A : memref<!tpu.dma_semaphore, #tpu.memory_space<semaphore_mem>>) src(%dma_wait3A_16 : memref<32xi32, #tpu.memory_space<hbm>>) dst(%arg6 : memref<32xi32, #tpu.memory_space<vmem>>)
      tpu.yield
    }) : () -> ()
    "tpu.region"() ({
      %run_scoped3A = tpu.sem_alloc : memref<!tpu.dma_semaphore, #tpu.memory_space<semaphore_mem>>
      %dma_start3A_13 = tpu.memref_slice %arg4[%mul3A_2] : memref<1024xi32, #tpu.memory_space<hbm>> -> memref<32xi32, #tpu.memory_space<hbm>>
      %dma_start3A_14 = tpu.memref_slice %arg4[%mul3A_2] : memref<1024xi32, #tpu.memory_space<hbm>> -> memref<32xi32, #tpu.memory_space<hbm>>
      tpu.enqueue_dma source(%dma_start3A_14 : memref<32xi32, #tpu.memory_space<hbm>>) target(%arg7 : memref<32xi32, #tpu.memory_space<vmem>>) target_semaphore(%run_scoped3A : memref<!tpu.dma_semaphore, #tpu.memory_space<semaphore_mem>>)
      %dma_wait3A_15 = tpu.memref_slice %arg4[%mul3A_2] : memref<1024xi32, #tpu.memory_space<hbm>> -> memref<32xi32, #tpu.memory_space<hbm>>
      %dma_wait3A_16 = tpu.memref_slice %arg4[%mul3A_2] : memref<1024xi32, #tpu.memory_space<hbm>> -> memref<32xi32, #tpu.memory_space<hbm>>
      tpu.wait_dma2 semaphore(%run_scoped3A : memref<!tpu.dma_semaphore, #tpu.memory_space<semaphore_mem>>) src(%dma_wait3A_16 : memref<32xi32, #tpu.memory_space<hbm>>) dst(%arg7 : memref<32xi32, #tpu.memory_space<vmem>>)
      tpu.yield
    }) : () -> ()
    "tpu.region"() ({
      %run_scoped3A = tpu.sem_alloc : memref<!tpu.dma_semaphore, #tpu.memory_space<semaphore_mem>>
      %dma_start3A_13 = arith.constant 0 : i32
      %dma_start3A_14 = tpu.memref_slice %arg2[%mul3A_2, %dma_start3A_13] : memref<1024x512xf32, #tpu.memory_space<hbm>> -> memref<32x512xf32, #tpu.memory_space<hbm>>
      %dma_start3A_15 = arith.constant 0 : i32
      %dma_start3A_16 = tpu.memref_slice %arg2[%mul3A_2, %dma_start3A_15] : memref<1024x512xf32, #tpu.memory_space<hbm>> -> memref<32x512xf32, #tpu.memory_space<hbm>>
      tpu.enqueue_dma source(%dma_start3A_16 : memref<32x512xf32, #tpu.memory_space<hbm>>) target(%arg8 : memref<32x512xf32, #tpu.memory_space<vmem>>) target_semaphore(%run_scoped3A : memref<!tpu.dma_semaphore, #tpu.memory_space<semaphore_mem>>)
      %dma_wait3A_17 = arith.constant 0 : i32
      %dma_wait3A_18 = tpu.memref_slice %arg2[%mul3A_2, %dma_wait3A_17] : memref<1024x512xf32, #tpu.memory_space<hbm>> -> memref<32x512xf32, #tpu.memory_space<hbm>>
      %dma_wait3A_19 = arith.constant 0 : i32
      %dma_wait3A_20 = tpu.memref_slice %arg2[%mul3A_2, %dma_wait3A_19] : memref<1024x512xf32, #tpu.memory_space<hbm>> -> memref<32x512xf32, #tpu.memory_space<hbm>>
      tpu.wait_dma2 semaphore(%run_scoped3A : memref<!tpu.dma_semaphore, #tpu.memory_space<semaphore_mem>>) src(%dma_wait3A_20 : memref<32x512xf32, #tpu.memory_space<hbm>>) dst(%arg8 : memref<32x512xf32, #tpu.memory_space<vmem>>)
      tpu.yield
    }) : () -> ()
    %dma_start3A = arith.constant 0 : i32
    %dma_start3A_3 = arith.constant 0 : i32
    %dma_start3A_4 = tpu.memref_slice %arg5[%dma_start3A, %dma_start3A_3] : memref<16392x512xf32, #tpu.memory_space<hbm>> -> memref<16392x512xf32, #tpu.memory_space<hbm>>
    tpu.enqueue_indirect_dma source(%arg8 : memref<32x512xf32, #tpu.memory_space<vmem>>) target(%dma_start3A_4 : memref<16392x512xf32, #tpu.memory_space<hbm>>) offsets(%arg6 : memref<32xi32, #tpu.memory_space<vmem>>) semaphore(%arg9 : memref<!tpu.dma_semaphore, #tpu.memory_space<semaphore_mem>>)
    %dma_wait3A = arith.constant 0 : i32
    %dma_wait3A_5 = arith.constant 0 : i32
    %dma_wait3A_6 = tpu.memref_slice %arg5[%dma_wait3A, %dma_wait3A_5] : memref<16392x512xf32, #tpu.memory_space<hbm>> -> memref<16392x512xf32, #tpu.memory_space<hbm>>
    tpu.wait_indirect_dma semaphore(%arg9 : memref<!tpu.dma_semaphore, #tpu.memory_space<semaphore_mem>>) src(%arg8 : memref<32x512xf32, #tpu.memory_space<vmem>>) dst(%dma_wait3A_6 : memref<16392x512xf32, #tpu.memory_space<hbm>>)
    %dma_start3A_7 = arith.constant 0 : i32
    %dma_start3A_8 = arith.constant 0 : i32
    %dma_start3A_9 = tpu.memref_slice %arg5[%dma_start3A_7, %dma_start3A_8] : memref<16392x512xf32, #tpu.memory_space<hbm>> -> memref<16392x512xf32, #tpu.memory_space<hbm>>
    tpu.enqueue_indirect_dma source(%arg8 : memref<32x512xf32, #tpu.memory_space<vmem>>) target(%dma_start3A_9 : memref<16392x512xf32, #tpu.memory_space<hbm>>) offsets(%arg7 : memref<32xi32, #tpu.memory_space<vmem>>) semaphore(%arg9 : memref<!tpu.dma_semaphore, #tpu.memory_space<semaphore_mem>>)
    %dma_wait3A_10 = arith.constant 0 : i32
    %dma_wait3A_11 = arith.constant 0 : i32
    %dma_wait3A_12 = tpu.memref_slice %arg5[%dma_wait3A_10, %dma_wait3A_11] : memref<16392x512xf32, #tpu.memory_space<hbm>> -> memref<16392x512xf32, #tpu.memory_space<hbm>>
    tpu.wait_indirect_dma semaphore(%arg9 : memref<!tpu.dma_semaphore, #tpu.memory_space<semaphore_mem>>) src(%arg8 : memref<32x512xf32, #tpu.memory_space<vmem>>) dst(%dma_wait3A_12 : memref<16392x512xf32, #tpu.memory_space<hbm>>)
    return
  }
}

module attributes {stable_mosaic.version = 14 : i64} {
  func.func @_conv_body(%arg0: i32, %arg1: memref<1x256x512xf32, #tpu.memory_space<vmem>>, %arg2: memref<3x256x256xf32, #tpu.memory_space<vmem>>, %arg3: memref<256x1xf32, #tpu.memory_space<vmem>>, %arg4: memref<1x256x512xf32, #tpu.memory_space<vmem>>) attributes {dimension_semantics = [#tpu.dimension_semantics<arbitrary>], iteration_bounds = array<i64: 4>, scalar_prefetch = 0 : i64, scratch_operands = 0 : i64, tpu.core_type = #tpu.core_type<tc>, window_params = [{transform_indices = @transform_0, window_bounds = array<i64: 1, 256, 512>}, {pipeline_mode = #tpu.pipeline_mode<synchronous>, transform_indices = @transform_1, window_bounds = array<i64: 3, 256, 256>}, {pipeline_mode = #tpu.pipeline_mode<synchronous>, transform_indices = @transform_2, window_bounds = array<i64: 256, 1>}, {transform_indices = @transform_3, window_bounds = array<i64: 1, 256, 512>}]} {
    %get3A = arith.constant 0 : index
    %get3A_0 = arith.constant 0 : index
    %get3A_1 = arith.constant 0 : index
    %get3A_2 = vector.load %arg1[%get3A, %get3A_0, %get3A_1] : memref<1x256x512xf32, #tpu.memory_space<vmem>>, vector<1x256x512xf32>
    %get3A_3 = vector.shape_cast %get3A_2 : vector<1x256x512xf32> to vector<256x512xf32>
    %broadcast_in_dim3A = arith.constant 0.000000e+00 : f32
    %broadcast_in_dim3A_4 = vector.broadcast %broadcast_in_dim3A : f32 to vector<256x1xf32>
    %slice3A = vector.extract_strided_slice %get3A_3 {offsets = [0, 0], sizes = [256, 511], strides = [1, 1]} : vector<256x512xf32> to vector<256x511xf32>
    %concatenate3A = tpu.concatenate %broadcast_in_dim3A_4, %slice3A in 1 : vector<256x1xf32>, vector<256x511xf32> -> vector<256x512xf32>
    %slice3A_5 = vector.extract_strided_slice %get3A_3 {offsets = [0, 1], sizes = [256, 511], strides = [1, 1]} : vector<256x512xf32> to vector<256x511xf32>
    %concatenate3A_6 = tpu.concatenate %slice3A_5, %broadcast_in_dim3A_4 in 1 : vector<256x511xf32>, vector<256x1xf32> -> vector<256x512xf32>
    %get3A_7 = arith.constant 0 : index
    %get3A_8 = arith.constant 0 : index
    %get3A_9 = arith.constant 0 : index
    %get3A_10 = vector.load %arg2[%get3A_7, %get3A_8, %get3A_9] : memref<3x256x256xf32, #tpu.memory_space<vmem>>, vector<1x256x256xf32>
    %get3A_11 = vector.shape_cast %get3A_10 : vector<1x256x256xf32> to vector<256x256xf32>
    %dot_general3A = arith.constant dense<0.000000e+00> : vector<256x512xf32>
    %dot_general3A_12 = tpu.matmul %get3A_11, %concatenate3A, %dot_general3A {dimension_numbers = #tpu.dot_dimension_numbers<[1], [0], [0], [1], [0, 0, 1, 1], [], []>, transpose_lhs_hint = false} : vector<256x256xf32>, vector<256x512xf32>, vector<256x512xf32> -> vector<256x512xf32>
    %get3A_13 = arith.constant 1 : index
    %get3A_14 = arith.constant 0 : index
    %get3A_15 = arith.constant 0 : index
    %get3A_16 = vector.load %arg2[%get3A_13, %get3A_14, %get3A_15] : memref<3x256x256xf32, #tpu.memory_space<vmem>>, vector<1x256x256xf32>
    %get3A_17 = vector.shape_cast %get3A_16 : vector<1x256x256xf32> to vector<256x256xf32>
    %dot_general3A_18 = arith.constant dense<0.000000e+00> : vector<256x512xf32>
    %dot_general3A_19 = tpu.matmul %get3A_17, %get3A_3, %dot_general3A_18 {dimension_numbers = #tpu.dot_dimension_numbers<[1], [0], [0], [1], [0, 0, 1, 1], [], []>, transpose_lhs_hint = false} : vector<256x256xf32>, vector<256x512xf32>, vector<256x512xf32> -> vector<256x512xf32>
    %add3A = arith.addf %dot_general3A_12, %dot_general3A_19 : vector<256x512xf32>
    %get3A_20 = arith.constant 2 : index
    %get3A_21 = arith.constant 0 : index
    %get3A_22 = arith.constant 0 : index
    %get3A_23 = vector.load %arg2[%get3A_20, %get3A_21, %get3A_22] : memref<3x256x256xf32, #tpu.memory_space<vmem>>, vector<1x256x256xf32>
    %get3A_24 = vector.shape_cast %get3A_23 : vector<1x256x256xf32> to vector<256x256xf32>
    %dot_general3A_25 = arith.constant dense<0.000000e+00> : vector<256x512xf32>
    %dot_general3A_26 = tpu.matmul %get3A_24, %concatenate3A_6, %dot_general3A_25 {dimension_numbers = #tpu.dot_dimension_numbers<[1], [0], [0], [1], [0, 0, 1, 1], [], []>, transpose_lhs_hint = false} : vector<256x256xf32>, vector<256x512xf32>, vector<256x512xf32> -> vector<256x512xf32>
    %add3A_27 = arith.addf %add3A, %dot_general3A_26 : vector<256x512xf32>
    %get3A_28 = arith.constant 0 : index
    %get3A_29 = arith.constant 0 : index
    %get3A_30 = vector.load %arg3[%get3A_28, %get3A_29] : memref<256x1xf32, #tpu.memory_space<vmem>>, vector<256x1xf32>
    %add3A_31 = vector.broadcast %get3A_30 : vector<256x1xf32> to vector<256x512xf32>
    %add3A_32 = arith.addf %add3A_27, %add3A_31 : vector<256x512xf32>
    %swap3A = arith.constant 0 : index
    %swap3A_33 = arith.constant 0 : index
    %swap3A_34 = arith.constant 0 : index
    %swap3A_35 = vector.load %arg4[%swap3A, %swap3A_33, %swap3A_34] : memref<1x256x512xf32, #tpu.memory_space<vmem>>, vector<1x256x512xf32>
    %swap3A_36 = vector.shape_cast %swap3A_35 : vector<1x256x512xf32> to vector<256x512xf32>
    %swap3A_37 = vector.shape_cast %add3A_32 : vector<256x512xf32> to vector<1x256x512xf32>
    tpu.vector_store %arg4[%swap3A, %swap3A_33, %swap3A_34], %swap3A_37 {strides = array<i32>} : memref<1x256x512xf32, #tpu.memory_space<vmem>>, vector<1x256x512xf32>,
    return
  }
  func.func @transform_0(%arg0: i32) -> (i32, i32, i32) {
    %c0_i32 = arith.constant 0 : i32
    %c0_i32_0 = arith.constant 0 : i32
    %c0_i32_1 = arith.constant 0 : i32
    return %arg0, %c0_i32, %c0_i32_0 : i32, i32, i32
  }
  func.func @transform_1(%arg0: i32) -> (i32, i32, i32) {
    %c0_i32 = arith.constant 0 : i32
    %c0_i32_0 = arith.constant 0 : i32
    %c0_i32_1 = arith.constant 0 : i32
    %c0_i32_2 = arith.constant 0 : i32
    return %c0_i32, %c0_i32_0, %c0_i32_1 : i32, i32, i32
  }
  func.func @transform_2(%arg0: i32) -> (i32, i32) {
    %c0_i32 = arith.constant 0 : i32
    %c0_i32_0 = arith.constant 0 : i32
    %c0_i32_1 = arith.constant 0 : i32
    return %c0_i32, %c0_i32_0 : i32, i32
  }
  func.func @transform_3(%arg0: i32) -> (i32, i32, i32) {
    %c0_i32 = arith.constant 0 : i32
    %c0_i32_0 = arith.constant 0 : i32
    %c0_i32_1 = arith.constant 0 : i32
    return %arg0, %c0_i32, %c0_i32_0 : i32, i32, i32
  }
}

module attributes {stable_mosaic.version = 14 : i64} {
  func.func @_attn_body(%arg0: i32, %arg1: memref<1x256x512xf32, #tpu.memory_space<vmem>>, %arg2: memref<256x768xf32, #tpu.memory_space<vmem>>, %arg3: memref<1x768xf32, #tpu.memory_space<vmem>>, %arg4: memref<256x256xf32, #tpu.memory_space<vmem>>, %arg5: memref<1x256xf32, #tpu.memory_space<vmem>>, %arg6: memref<1x256x512xf32, #tpu.memory_space<vmem>>) attributes {dimension_semantics = [#tpu.dimension_semantics<arbitrary>], iteration_bounds = array<i64: 4>, scalar_prefetch = 0 : i64, scratch_operands = 0 : i64, tpu.core_type = #tpu.core_type<tc>, window_params = [{transform_indices = @transform_0, window_bounds = array<i64: 1, 256, 512>}, {pipeline_mode = #tpu.pipeline_mode<synchronous>, transform_indices = @transform_1, window_bounds = array<i64: 256, 768>}, {pipeline_mode = #tpu.pipeline_mode<synchronous>, transform_indices = @transform_2, window_bounds = array<i64: 1, 768>}, {pipeline_mode = #tpu.pipeline_mode<synchronous>, transform_indices = @transform_3, window_bounds = array<i64: 256, 256>}, {pipeline_mode = #tpu.pipeline_mode<synchronous>, transform_indices = @transform_4, window_bounds = array<i64: 1, 256>}, {transform_indices = @transform_5, window_bounds = array<i64: 1, 256, 512>}]} {
    %get3A = arith.constant 0 : index
    %get3A_0 = arith.constant 0 : index
    %get3A_1 = arith.constant 0 : index
    %get3A_2 = vector.load %arg1[%get3A, %get3A_0, %get3A_1] : memref<1x256x512xf32, #tpu.memory_space<vmem>>, vector<1x256x512xf32>
    %get3A_3 = vector.shape_cast %get3A_2 : vector<1x256x512xf32> to vector<256x512xf32>
    %transpose3A = tpu.transpose %get3A_3, [1, 0] : vector<256x512xf32> -> vector<512x256xf32>
    %get3A_4 = arith.constant 0 : index
    %get3A_5 = arith.constant 0 : index
    %get3A_6 = vector.load %arg2[%get3A_4, %get3A_5] : memref<256x768xf32, #tpu.memory_space<vmem>>, vector<256x768xf32>
    %dot_general3A = arith.constant dense<0.000000e+00> : vector<512x768xf32>
    %dot_general3A_7 = tpu.matmul %transpose3A, %get3A_6, %dot_general3A {dimension_numbers = #tpu.dot_dimension_numbers<[1], [0], [0], [1], [0, 0, 1, 1], [], []>, transpose_lhs_hint = false} : vector<512x256xf32>, vector<256x768xf32>, vector<512x768xf32> -> vector<512x768xf32>
    %get3A_8 = arith.constant 0 : index
    %get3A_9 = arith.constant 0 : index
    %get3A_10 = vector.load %arg3[%get3A_8, %get3A_9] : memref<1x768xf32, #tpu.memory_space<vmem>>, vector<1x768xf32>
    %add3A = vector.broadcast %get3A_10 : vector<1x768xf32> to vector<512x768xf32>
    %add3A_11 = arith.addf %dot_general3A_7, %add3A : vector<512x768xf32>
    %slice3A = vector.extract_strided_slice %add3A_11 {offsets = [0, 0], sizes = [512, 32], strides = [1, 1]} : vector<512x768xf32> to vector<512x32xf32>
    %slice3A_12 = vector.extract_strided_slice %add3A_11 {offsets = [0, 256], sizes = [512, 32], strides = [1, 1]} : vector<512x768xf32> to vector<512x32xf32>
    %slice3A_13 = vector.extract_strided_slice %add3A_11 {offsets = [0, 512], sizes = [512, 32], strides = [1, 1]} : vector<512x768xf32> to vector<512x32xf32>
    %transpose3A_14 = tpu.transpose %slice3A_12, [1, 0] : vector<512x32xf32> -> vector<32x512xf32>
    %dot_general3A_15 = arith.constant dense<0.000000e+00> : vector<512x512xf32>
    %dot_general3A_16 = tpu.matmul %slice3A, %transpose3A_14, %dot_general3A_15 {dimension_numbers = #tpu.dot_dimension_numbers<[1], [0], [0], [1], [0, 0, 1, 1], [], []>, transpose_lhs_hint = false} : vector<512x32xf32>, vector<32x512xf32>, vector<512x512xf32> -> vector<512x512xf32>
    %mul3A = arith.constant 0.176776692 : f32
    %mul3A_17 = vector.broadcast %mul3A : f32 to vector<512x512xf32>
    %mul3A_18 = arith.mulf %dot_general3A_16, %mul3A_17 : vector<512x512xf32>
    %reduce_max3A = arith.constant dense<0xFF800000> : vector<512xf32>
    %reduce_max3A_19 = vector.multi_reduction <maximumf>, %mul3A_18, %reduce_max3A [1] : vector<512x512xf32> to vector<512xf32>
    %broadcast_in_dim3A = vector.shape_cast %reduce_max3A_19 : vector<512xf32> to vector<512x1xf32>
    %sub3A = vector.broadcast %broadcast_in_dim3A : vector<512x1xf32> to vector<512x512xf32>
    %sub3A_20 = arith.subf %mul3A_18, %sub3A : vector<512x512xf32>
    %exp3A = math.exp %sub3A_20 : vector<512x512xf32>
    %dot_general3A_21 = arith.constant dense<0.000000e+00> : vector<512x32xf32>
    %dot_general3A_22 = tpu.matmul %exp3A, %slice3A_13, %dot_general3A_21 {dimension_numbers = #tpu.dot_dimension_numbers<[1], [0], [0], [1], [0, 0, 1, 1], [], []>, transpose_lhs_hint = false} : vector<512x512xf32>, vector<512x32xf32>, vector<512x32xf32> -> vector<512x32xf32>
    %reduce_sum3A = arith.constant dense<0.000000e+00> : vector<512xf32>
    %reduce_sum3A_23 = vector.multi_reduction <add>, %exp3A, %reduce_sum3A [1] : vector<512x512xf32> to vector<512xf32>
    %broadcast_in_dim3A_24 = vector.shape_cast %reduce_sum3A_23 : vector<512xf32> to vector<512x1xf32>
    %div3A = vector.broadcast %broadcast_in_dim3A_24 : vector<512x1xf32> to vector<512x32xf32>
    %div3A_25 = arith.divf %dot_general3A_22, %div3A : vector<512x32xf32>
    %slice3A_26 = vector.extract_strided_slice %add3A_11 {offsets = [0, 32], sizes = [512, 32], strides = [1, 1]} : vector<512x768xf32> to vector<512x32xf32>
    %slice3A_27 = vector.extract_strided_slice %add3A_11 {offsets = [0, 288], sizes = [512, 32], strides = [1, 1]} : vector<512x768xf32> to vector<512x32xf32>
    %slice3A_28 = vector.extract_strided_slice %add3A_11 {offsets = [0, 544], sizes = [512, 32], strides = [1, 1]} : vector<512x768xf32> to vector<512x32xf32>
    %transpose3A_29 = tpu.transpose %slice3A_27, [1, 0] : vector<512x32xf32> -> vector<32x512xf32>
    %dot_general3A_30 = arith.constant dense<0.000000e+00> : vector<512x512xf32>
    %dot_general3A_31 = tpu.matmul %slice3A_26, %transpose3A_29, %dot_general3A_30 {dimension_numbers = #tpu.dot_dimension_numbers<[1], [0], [0], [1], [0, 0, 1, 1], [], []>, transpose_lhs_hint = false} : vector<512x32xf32>, vector<32x512xf32>, vector<512x512xf32> -> vector<512x512xf32>
    %mul3A_32 = arith.constant 0.176776692 : f32
    %mul3A_33 = vector.broadcast %mul3A_32 : f32 to vector<512x512xf32>
    %mul3A_34 = arith.mulf %dot_general3A_31, %mul3A_33 : vector<512x512xf32>
    %reduce_max3A_35 = arith.constant dense<0xFF800000> : vector<512xf32>
    %reduce_max3A_36 = vector.multi_reduction <maximumf>, %mul3A_34, %reduce_max3A_35 [1] : vector<512x512xf32> to vector<512xf32>
    %broadcast_in_dim3A_37 = vector.shape_cast %reduce_max3A_36 : vector<512xf32> to vector<512x1xf32>
    %sub3A_38 = vector.broadcast %broadcast_in_dim3A_37 : vector<512x1xf32> to vector<512x512xf32>
    %sub3A_39 = arith.subf %mul3A_34, %sub3A_38 : vector<512x512xf32>
    %exp3A_40 = math.exp %sub3A_39 : vector<512x512xf32>
    %dot_general3A_41 = arith.constant dense<0.000000e+00> : vector<512x32xf32>
    %dot_general3A_42 = tpu.matmul %exp3A_40, %slice3A_28, %dot_general3A_41 {dimension_numbers = #tpu.dot_dimension_numbers<[1], [0], [0], [1], [0, 0, 1, 1], [], []>, transpose_lhs_hint = false} : vector<512x512xf32>, vector<512x32xf32>, vector<512x32xf32> -> vector<512x32xf32>
    %reduce_sum3A_43 = arith.constant dense<0.000000e+00> : vector<512xf32>
    %reduce_sum3A_44 = vector.multi_reduction <add>, %exp3A_40, %reduce_sum3A_43 [1] : vector<512x512xf32> to vector<512xf32>
    %broadcast_in_dim3A_45 = vector.shape_cast %reduce_sum3A_44 : vector<512xf32> to vector<512x1xf32>
    %div3A_46 = vector.broadcast %broadcast_in_dim3A_45 : vector<512x1xf32> to vector<512x32xf32>
    %div3A_47 = arith.divf %dot_general3A_42, %div3A_46 : vector<512x32xf32>
    %slice3A_48 = vector.extract_strided_slice %add3A_11 {offsets = [0, 64], sizes = [512, 32], strides = [1, 1]} : vector<512x768xf32> to vector<512x32xf32>
    %slice3A_49 = vector.extract_strided_slice %add3A_11 {offsets = [0, 320], sizes = [512, 32], strides = [1, 1]} : vector<512x768xf32> to vector<512x32xf32>
    %slice3A_50 = vector.extract_strided_slice %add3A_11 {offsets = [0, 576], sizes = [512, 32], strides = [1, 1]} : vector<512x768xf32> to vector<512x32xf32>
    %transpose3A_51 = tpu.transpose %slice3A_49, [1, 0] : vector<512x32xf32> -> vector<32x512xf32>
    %dot_general3A_52 = arith.constant dense<0.000000e+00> : vector<512x512xf32>
    %dot_general3A_53 = tpu.matmul %slice3A_48, %transpose3A_51, %dot_general3A_52 {dimension_numbers = #tpu.dot_dimension_numbers<[1], [0], [0], [1], [0, 0, 1, 1], [], []>, transpose_lhs_hint = false} : vector<512x32xf32>, vector<32x512xf32>, vector<512x512xf32> -> vector<512x512xf32>
    %mul3A_54 = arith.constant 0.176776692 : f32
    %mul3A_55 = vector.broadcast %mul3A_54 : f32 to vector<512x512xf32>
    %mul3A_56 = arith.mulf %dot_general3A_53, %mul3A_55 : vector<512x512xf32>
    %reduce_max3A_57 = arith.constant dense<0xFF800000> : vector<512xf32>
    %reduce_max3A_58 = vector.multi_reduction <maximumf>, %mul3A_56, %reduce_max3A_57 [1] : vector<512x512xf32> to vector<512xf32>
    %broadcast_in_dim3A_59 = vector.shape_cast %reduce_max3A_58 : vector<512xf32> to vector<512x1xf32>
    %sub3A_60 = vector.broadcast %broadcast_in_dim3A_59 : vector<512x1xf32> to vector<512x512xf32>
    %sub3A_61 = arith.subf %mul3A_56, %sub3A_60 : vector<512x512xf32>
    %exp3A_62 = math.exp %sub3A_61 : vector<512x512xf32>
    %dot_general3A_63 = arith.constant dense<0.000000e+00> : vector<512x32xf32>
    %dot_general3A_64 = tpu.matmul %exp3A_62, %slice3A_50, %dot_general3A_63 {dimension_numbers = #tpu.dot_dimension_numbers<[1], [0], [0], [1], [0, 0, 1, 1], [], []>, transpose_lhs_hint = false} : vector<512x512xf32>, vector<512x32xf32>, vector<512x32xf32> -> vector<512x32xf32>
    %reduce_sum3A_65 = arith.constant dense<0.000000e+00> : vector<512xf32>
    %reduce_sum3A_66 = vector.multi_reduction <add>, %exp3A_62, %reduce_sum3A_65 [1] : vector<512x512xf32> to vector<512xf32>
    %broadcast_in_dim3A_67 = vector.shape_cast %reduce_sum3A_66 : vector<512xf32> to vector<512x1xf32>
    %div3A_68 = vector.broadcast %broadcast_in_dim3A_67 : vector<512x1xf32> to vector<512x32xf32>
    %div3A_69 = arith.divf %dot_general3A_64, %div3A_68 : vector<512x32xf32>
    %slice3A_70 = vector.extract_strided_slice %add3A_11 {offsets = [0, 96], sizes = [512, 32], strides = [1, 1]} : vector<512x768xf32> to vector<512x32xf32>
    %slice3A_71 = vector.extract_strided_slice %add3A_11 {offsets = [0, 352], sizes = [512, 32], strides = [1, 1]} : vector<512x768xf32> to vector<512x32xf32>
    %slice3A_72 = vector.extract_strided_slice %add3A_11 {offsets = [0, 608], sizes = [512, 32], strides = [1, 1]} : vector<512x768xf32> to vector<512x32xf32>
    %transpose3A_73 = tpu.transpose %slice3A_71, [1, 0] : vector<512x32xf32> -> vector<32x512xf32>
    %dot_general3A_74 = arith.constant dense<0.000000e+00> : vector<512x512xf32>
    %dot_general3A_75 = tpu.matmul %slice3A_70, %transpose3A_73, %dot_general3A_74 {dimension_numbers = #tpu.dot_dimension_numbers<[1], [0], [0], [1], [0, 0, 1, 1], [], []>, transpose_lhs_hint = false} : vector<512x32xf32>, vector<32x512xf32>, vector<512x512xf32> -> vector<512x512xf32>
    %mul3A_76 = arith.constant 0.176776692 : f32
    %mul3A_77 = vector.broadcast %mul3A_76 : f32 to vector<512x512xf32>
    %mul3A_78 = arith.mulf %dot_general3A_75, %mul3A_77 : vector<512x512xf32>
    %reduce_max3A_79 = arith.constant dense<0xFF800000> : vector<512xf32>
    %reduce_max3A_80 = vector.multi_reduction <maximumf>, %mul3A_78, %reduce_max3A_79 [1] : vector<512x512xf32> to vector<512xf32>
    %broadcast_in_dim3A_81 = vector.shape_cast %reduce_max3A_80 : vector<512xf32> to vector<512x1xf32>
    %sub3A_82 = vector.broadcast %broadcast_in_dim3A_81 : vector<512x1xf32> to vector<512x512xf32>
    %sub3A_83 = arith.subf %mul3A_78, %sub3A_82 : vector<512x512xf32>
    %exp3A_84 = math.exp %sub3A_83 : vector<512x512xf32>
    %dot_general3A_85 = arith.constant dense<0.000000e+00> : vector<512x32xf32>
    %dot_general3A_86 = tpu.matmul %exp3A_84, %slice3A_72, %dot_general3A_85 {dimension_numbers = #tpu.dot_dimension_numbers<[1], [0], [0], [1], [0, 0, 1, 1], [], []>, transpose_lhs_hint = false} : vector<512x512xf32>, vector<512x32xf32>, vector<512x32xf32> -> vector<512x32xf32>
    %reduce_sum3A_87 = arith.constant dense<0.000000e+00> : vector<512xf32>
    %reduce_sum3A_88 = vector.multi_reduction <add>, %exp3A_84, %reduce_sum3A_87 [1] : vector<512x512xf32> to vector<512xf32>
    %broadcast_in_dim3A_89 = vector.shape_cast %reduce_sum3A_88 : vector<512xf32> to vector<512x1xf32>
    %div3A_90 = vector.broadcast %broadcast_in_dim3A_89 : vector<512x1xf32> to vector<512x32xf32>
    %div3A_91 = arith.divf %dot_general3A_86, %div3A_90 : vector<512x32xf32>
    %slice3A_92 = vector.extract_strided_slice %add3A_11 {offsets = [0, 128], sizes = [512, 32], strides = [1, 1]} : vector<512x768xf32> to vector<512x32xf32>
    %slice3A_93 = vector.extract_strided_slice %add3A_11 {offsets = [0, 384], sizes = [512, 32], strides = [1, 1]} : vector<512x768xf32> to vector<512x32xf32>
    %slice3A_94 = vector.extract_strided_slice %add3A_11 {offsets = [0, 640], sizes = [512, 32], strides = [1, 1]} : vector<512x768xf32> to vector<512x32xf32>
    %transpose3A_95 = tpu.transpose %slice3A_93, [1, 0] : vector<512x32xf32> -> vector<32x512xf32>
    %dot_general3A_96 = arith.constant dense<0.000000e+00> : vector<512x512xf32>
    %dot_general3A_97 = tpu.matmul %slice3A_92, %transpose3A_95, %dot_general3A_96 {dimension_numbers = #tpu.dot_dimension_numbers<[1], [0], [0], [1], [0, 0, 1, 1], [], []>, transpose_lhs_hint = false} : vector<512x32xf32>, vector<32x512xf32>, vector<512x512xf32> -> vector<512x512xf32>
    %mul3A_98 = arith.constant 0.176776692 : f32
    %mul3A_99 = vector.broadcast %mul3A_98 : f32 to vector<512x512xf32>
    %mul3A_100 = arith.mulf %dot_general3A_97, %mul3A_99 : vector<512x512xf32>
    %reduce_max3A_101 = arith.constant dense<0xFF800000> : vector<512xf32>
    %reduce_max3A_102 = vector.multi_reduction <maximumf>, %mul3A_100, %reduce_max3A_101 [1] : vector<512x512xf32> to vector<512xf32>
    %broadcast_in_dim3A_103 = vector.shape_cast %reduce_max3A_102 : vector<512xf32> to vector<512x1xf32>
    %sub3A_104 = vector.broadcast %broadcast_in_dim3A_103 : vector<512x1xf32> to vector<512x512xf32>
    %sub3A_105 = arith.subf %mul3A_100, %sub3A_104 : vector<512x512xf32>
    %exp3A_106 = math.exp %sub3A_105 : vector<512x512xf32>
    %dot_general3A_107 = arith.constant dense<0.000000e+00> : vector<512x32xf32>
    %dot_general3A_108 = tpu.matmul %exp3A_106, %slice3A_94, %dot_general3A_107 {dimension_numbers = #tpu.dot_dimension_numbers<[1], [0], [0], [1], [0, 0, 1, 1], [], []>, transpose_lhs_hint = false} : vector<512x512xf32>, vector<512x32xf32>, vector<512x32xf32> -> vector<512x32xf32>
    %reduce_sum3A_109 = arith.constant dense<0.000000e+00> : vector<512xf32>
    %reduce_sum3A_110 = vector.multi_reduction <add>, %exp3A_106, %reduce_sum3A_109 [1] : vector<512x512xf32> to vector<512xf32>
    %broadcast_in_dim3A_111 = vector.shape_cast %reduce_sum3A_110 : vector<512xf32> to vector<512x1xf32>
    %div3A_112 = vector.broadcast %broadcast_in_dim3A_111 : vector<512x1xf32> to vector<512x32xf32>
    %div3A_113 = arith.divf %dot_general3A_108, %div3A_112 : vector<512x32xf32>
    %slice3A_114 = vector.extract_strided_slice %add3A_11 {offsets = [0, 160], sizes = [512, 32], strides = [1, 1]} : vector<512x768xf32> to vector<512x32xf32>
    %slice3A_115 = vector.extract_strided_slice %add3A_11 {offsets = [0, 416], sizes = [512, 32], strides = [1, 1]} : vector<512x768xf32> to vector<512x32xf32>
    %slice3A_116 = vector.extract_strided_slice %add3A_11 {offsets = [0, 672], sizes = [512, 32], strides = [1, 1]} : vector<512x768xf32> to vector<512x32xf32>
    %transpose3A_117 = tpu.transpose %slice3A_115, [1, 0] : vector<512x32xf32> -> vector<32x512xf32>
    %dot_general3A_118 = arith.constant dense<0.000000e+00> : vector<512x512xf32>
    %dot_general3A_119 = tpu.matmul %slice3A_114, %transpose3A_117, %dot_general3A_118 {dimension_numbers = #tpu.dot_dimension_numbers<[1], [0], [0], [1], [0, 0, 1, 1], [], []>, transpose_lhs_hint = false} : vector<512x32xf32>, vector<32x512xf32>, vector<512x512xf32> -> vector<512x512xf32>
    %mul3A_120 = arith.constant 0.176776692 : f32
    %mul3A_121 = vector.broadcast %mul3A_120 : f32 to vector<512x512xf32>
    %mul3A_122 = arith.mulf %dot_general3A_119, %mul3A_121 : vector<512x512xf32>
    %reduce_max3A_123 = arith.constant dense<0xFF800000> : vector<512xf32>
    %reduce_max3A_124 = vector.multi_reduction <maximumf>, %mul3A_122, %reduce_max3A_123 [1] : vector<512x512xf32> to vector<512xf32>
    %broadcast_in_dim3A_125 = vector.shape_cast %reduce_max3A_124 : vector<512xf32> to vector<512x1xf32>
    %sub3A_126 = vector.broadcast %broadcast_in_dim3A_125 : vector<512x1xf32> to vector<512x512xf32>
    %sub3A_127 = arith.subf %mul3A_122, %sub3A_126 : vector<512x512xf32>
    %exp3A_128 = math.exp %sub3A_127 : vector<512x512xf32>
    %dot_general3A_129 = arith.constant dense<0.000000e+00> : vector<512x32xf32>
    %dot_general3A_130 = tpu.matmul %exp3A_128, %slice3A_116, %dot_general3A_129 {dimension_numbers = #tpu.dot_dimension_numbers<[1], [0], [0], [1], [0, 0, 1, 1], [], []>, transpose_lhs_hint = false} : vector<512x512xf32>, vector<512x32xf32>, vector<512x32xf32> -> vector<512x32xf32>
    %reduce_sum3A_131 = arith.constant dense<0.000000e+00> : vector<512xf32>
    %reduce_sum3A_132 = vector.multi_reduction <add>, %exp3A_128, %reduce_sum3A_131 [1] : vector<512x512xf32> to vector<512xf32>
    %broadcast_in_dim3A_133 = vector.shape_cast %reduce_sum3A_132 : vector<512xf32> to vector<512x1xf32>
    %div3A_134 = vector.broadcast %broadcast_in_dim3A_133 : vector<512x1xf32> to vector<512x32xf32>
    %div3A_135 = arith.divf %dot_general3A_130, %div3A_134 : vector<512x32xf32>
    %slice3A_136 = vector.extract_strided_slice %add3A_11 {offsets = [0, 192], sizes = [512, 32], strides = [1, 1]} : vector<512x768xf32> to vector<512x32xf32>
    %slice3A_137 = vector.extract_strided_slice %add3A_11 {offsets = [0, 448], sizes = [512, 32], strides = [1, 1]} : vector<512x768xf32> to vector<512x32xf32>
    %slice3A_138 = vector.extract_strided_slice %add3A_11 {offsets = [0, 704], sizes = [512, 32], strides = [1, 1]} : vector<512x768xf32> to vector<512x32xf32>
    %transpose3A_139 = tpu.transpose %slice3A_137, [1, 0] : vector<512x32xf32> -> vector<32x512xf32>
    %dot_general3A_140 = arith.constant dense<0.000000e+00> : vector<512x512xf32>
    %dot_general3A_141 = tpu.matmul %slice3A_136, %transpose3A_139, %dot_general3A_140 {dimension_numbers = #tpu.dot_dimension_numbers<[1], [0], [0], [1], [0, 0, 1, 1], [], []>, transpose_lhs_hint = false} : vector<512x32xf32>, vector<32x512xf32>, vector<512x512xf32> -> vector<512x512xf32>
    %mul3A_142 = arith.constant 0.176776692 : f32
    %mul3A_143 = vector.broadcast %mul3A_142 : f32 to vector<512x512xf32>
    %mul3A_144 = arith.mulf %dot_general3A_141, %mul3A_143 : vector<512x512xf32>
    %reduce_max3A_145 = arith.constant dense<0xFF800000> : vector<512xf32>
    %reduce_max3A_146 = vector.multi_reduction <maximumf>, %mul3A_144, %reduce_max3A_145 [1] : vector<512x512xf32> to vector<512xf32>
    %broadcast_in_dim3A_147 = vector.shape_cast %reduce_max3A_146 : vector<512xf32> to vector<512x1xf32>
    %sub3A_148 = vector.broadcast %broadcast_in_dim3A_147 : vector<512x1xf32> to vector<512x512xf32>
    %sub3A_149 = arith.subf %mul3A_144, %sub3A_148 : vector<512x512xf32>
    %exp3A_150 = math.exp %sub3A_149 : vector<512x512xf32>
    %dot_general3A_151 = arith.constant dense<0.000000e+00> : vector<512x32xf32>
    %dot_general3A_152 = tpu.matmul %exp3A_150, %slice3A_138, %dot_general3A_151 {dimension_numbers = #tpu.dot_dimension_numbers<[1], [0], [0], [1], [0, 0, 1, 1], [], []>, transpose_lhs_hint = false} : vector<512x512xf32>, vector<512x32xf32>, vector<512x32xf32> -> vector<512x32xf32>
    %reduce_sum3A_153 = arith.constant dense<0.000000e+00> : vector<512xf32>
    %reduce_sum3A_154 = vector.multi_reduction <add>, %exp3A_150, %reduce_sum3A_153 [1] : vector<512x512xf32> to vector<512xf32>
    %broadcast_in_dim3A_155 = vector.shape_cast %reduce_sum3A_154 : vector<512xf32> to vector<512x1xf32>
    %div3A_156 = vector.broadcast %broadcast_in_dim3A_155 : vector<512x1xf32> to vector<512x32xf32>
    %div3A_157 = arith.divf %dot_general3A_152, %div3A_156 : vector<512x32xf32>
    %slice3A_158 = vector.extract_strided_slice %add3A_11 {offsets = [0, 224], sizes = [512, 32], strides = [1, 1]} : vector<512x768xf32> to vector<512x32xf32>
    %slice3A_159 = vector.extract_strided_slice %add3A_11 {offsets = [0, 480], sizes = [512, 32], strides = [1, 1]} : vector<512x768xf32> to vector<512x32xf32>
    %slice3A_160 = vector.extract_strided_slice %add3A_11 {offsets = [0, 736], sizes = [512, 32], strides = [1, 1]} : vector<512x768xf32> to vector<512x32xf32>
    %transpose3A_161 = tpu.transpose %slice3A_159, [1, 0] : vector<512x32xf32> -> vector<32x512xf32>
    %dot_general3A_162 = arith.constant dense<0.000000e+00> : vector<512x512xf32>
    %dot_general3A_163 = tpu.matmul %slice3A_158, %transpose3A_161, %dot_general3A_162 {dimension_numbers = #tpu.dot_dimension_numbers<[1], [0], [0], [1], [0, 0, 1, 1], [], []>, transpose_lhs_hint = false} : vector<512x32xf32>, vector<32x512xf32>, vector<512x512xf32> -> vector<512x512xf32>
    %mul3A_164 = arith.constant 0.176776692 : f32
    %mul3A_165 = vector.broadcast %mul3A_164 : f32 to vector<512x512xf32>
    %mul3A_166 = arith.mulf %dot_general3A_163, %mul3A_165 : vector<512x512xf32>
    %reduce_max3A_167 = arith.constant dense<0xFF800000> : vector<512xf32>
    %reduce_max3A_168 = vector.multi_reduction <maximumf>, %mul3A_166, %reduce_max3A_167 [1] : vector<512x512xf32> to vector<512xf32>
    %broadcast_in_dim3A_169 = vector.shape_cast %reduce_max3A_168 : vector<512xf32> to vector<512x1xf32>
    %sub3A_170 = vector.broadcast %broadcast_in_dim3A_169 : vector<512x1xf32> to vector<512x512xf32>
    %sub3A_171 = arith.subf %mul3A_166, %sub3A_170 : vector<512x512xf32>
    %exp3A_172 = math.exp %sub3A_171 : vector<512x512xf32>
    %dot_general3A_173 = arith.constant dense<0.000000e+00> : vector<512x32xf32>
    %dot_general3A_174 = tpu.matmul %exp3A_172, %slice3A_160, %dot_general3A_173 {dimension_numbers = #tpu.dot_dimension_numbers<[1], [0], [0], [1], [0, 0, 1, 1], [], []>, transpose_lhs_hint = false} : vector<512x512xf32>, vector<512x32xf32>, vector<512x32xf32> -> vector<512x32xf32>
    %reduce_sum3A_175 = arith.constant dense<0.000000e+00> : vector<512xf32>
    %reduce_sum3A_176 = vector.multi_reduction <add>, %exp3A_172, %reduce_sum3A_175 [1] : vector<512x512xf32> to vector<512xf32>
    %broadcast_in_dim3A_177 = vector.shape_cast %reduce_sum3A_176 : vector<512xf32> to vector<512x1xf32>
    %div3A_178 = vector.broadcast %broadcast_in_dim3A_177 : vector<512x1xf32> to vector<512x32xf32>
    %div3A_179 = arith.divf %dot_general3A_174, %div3A_178 : vector<512x32xf32>
    %iota3A = tpu.iota {dimensions = array<i32: 0>} : vector<32x256xi32>
    %iota3A_180 = tpu.iota {dimensions = array<i32: 1>} : vector<32x256xi32>
    %broadcast_in_dim3A_181 = arith.constant 0.000000e+00 : f32
    %broadcast_in_dim3A_182 = vector.broadcast %broadcast_in_dim3A_181 : f32 to vector<512x256xf32>
    %jit3A = arith.constant 8 : i32
    %eq3A = arith.constant 0 : i32
    %eq3A_183 = arith.cmpi eq, %jit3A, %eq3A : i32
    %jit3A_184 = arith.constant 1 : i32
    %select_n3A = arith.select %eq3A_183, %jit3A_184, %jit3A : i32
    %rem3A = vector.broadcast %select_n3A : i32 to vector<32x256xi32>
    %rem3A_185 = arith.remsi %iota3A_180, %rem3A : vector<32x256xi32>
    %ne3A = arith.constant 0 : i32
    %ne3A_186 = vector.broadcast %ne3A : i32 to vector<32x256xi32>
    %ne3A_187 = arith.cmpi ne, %rem3A_185, %ne3A_186 : vector<32x256xi32>
    %lt3A = arith.constant 0 : i32
    %lt3A_188 = vector.broadcast %lt3A : i32 to vector<32x256xi32>
    %lt3A_189 = arith.cmpi slt, %rem3A_185, %lt3A_188 : vector<32x256xi32>
    %lt3A_190 = arith.constant 0 : i32
    %lt3A_191 = arith.cmpi slt, %select_n3A, %lt3A_190 : i32
    %ne3A_192 = vector.broadcast %lt3A_191 : i1 to vector<32x256xi1>
    %ne3A_193 = vector.broadcast %ne3A_192 : vector<32x256xi1> to vector<32x256xi1>
    %ne3A_194 = arith.xori %lt3A_189, %ne3A_193 : vector<32x256xi1>
    %and3A = arith.andi %ne3A_194, %ne3A_187 : vector<32x256xi1>
    %add3A_195 = vector.broadcast %select_n3A : i32 to vector<32x256xi32>
    %add3A_196 = arith.addi %rem3A_185, %add3A_195 : vector<32x256xi32>
    %select_n3A_197 = arith.select %and3A, %add3A_196, %rem3A_185 : vector<32x256xi1>, vector<32x256xi32>
    %eq3A_198 = arith.constant 0 : i32
    %eq3A_199 = vector.broadcast %eq3A_198 : i32 to vector<32x256xi32>
    %eq3A_200 = arith.cmpi eq, %select_n3A_197, %eq3A_199 : vector<32x256xi32>
    %jit3A_201 = arith.constant 8 : i32
    %div3A_202 = vector.broadcast %jit3A_201 : i32 to vector<32x256xi32>
    %div3A_203 = arith.divsi %iota3A_180, %div3A_202 : vector<32x256xi32>
    %sign3A = arith.constant 0 : i32
    %sign3A_204 = vector.broadcast %sign3A : i32 to vector<32x256xi32>
    %sign3A_205 = arith.cmpi sgt, %iota3A_180, %sign3A_204 : vector<32x256xi32>
    %sign3A_206 = arith.extui %sign3A_205 : vector<32x256xi1> to vector<32x256xi32>
    %sign3A_207 = arith.constant 0 : i32
    %sign3A_208 = vector.broadcast %sign3A_207 : i32 to vector<32x256xi32>
    %sign3A_209 = arith.cmpi slt, %iota3A_180, %sign3A_208 : vector<32x256xi32>
    %sign3A_210 = arith.extui %sign3A_209 : vector<32x256xi1> to vector<32x256xi32>
    %sign3A_211 = arith.subi %sign3A_206, %sign3A_210 : vector<32x256xi32>
    %sign3A_212 = arith.constant 0 : i32
    %sign3A_213 = arith.cmpi sgt, %jit3A_201, %sign3A_212 : i32
    %sign3A_214 = arith.extui %sign3A_213 : i1 to i32
    %sign3A_215 = arith.constant 0 : i32
    %sign3A_216 = arith.cmpi slt, %jit3A_201, %sign3A_215 : i32
    %sign3A_217 = arith.extui %sign3A_216 : i1 to i32
    %sign3A_218 = arith.subi %sign3A_214, %sign3A_217 : i32
    %ne3A_219 = vector.broadcast %sign3A_218 : i32 to vector<32x256xi32>
    %ne3A_220 = arith.cmpi ne, %sign3A_211, %ne3A_219 : vector<32x256xi32>
    %rem3A_221 = vector.broadcast %jit3A_201 : i32 to vector<32x256xi32>
    %rem3A_222 = arith.remsi %iota3A_180, %rem3A_221 : vector<32x256xi32>
    %ne3A_223 = arith.constant 0 : i32
    %ne3A_224 = vector.broadcast %ne3A_223 : i32 to vector<32x256xi32>
    %ne3A_225 = arith.cmpi ne, %rem3A_222, %ne3A_224 : vector<32x256xi32>
    %and3A_226 = arith.andi %ne3A_220, %ne3A_225 : vector<32x256xi1>
    %sub3A_227 = arith.constant 1 : i32
    %sub3A_228 = vector.broadcast %sub3A_227 : i32 to vector<32x256xi32>
    %sub3A_229 = arith.subi %div3A_203, %sub3A_228 : vector<32x256xi32>
    %select_n3A_230 = arith.select %and3A_226, %sub3A_229, %div3A_203 : vector<32x256xi1>, vector<32x256xi32>
    %eq3A_231 = arith.cmpi eq, %select_n3A_230, %iota3A : vector<32x256xi32>
    %and3A_232 = arith.andi %eq3A_200, %eq3A_231 : vector<32x256xi1>
    %convert_element_type3A = arith.extui %and3A_232 : vector<32x256xi1> to vector<32x256xi32>
    %convert_element_type3A_233 = arith.sitofp %convert_element_type3A : vector<32x256xi32> to vector<32x256xf32>
    %dot_general3A_234 = arith.constant dense<0.000000e+00> : vector<512x256xf32>
    %dot_general3A_235 = tpu.matmul %div3A_25, %convert_element_type3A_233, %dot_general3A_234 {dimension_numbers = #tpu.dot_dimension_numbers<[1], [0], [0], [1], [0, 0, 1, 1], [], []>, precision = #tpu.contract_precision<fp32>, transpose_lhs_hint = false} : vector<512x32xf32>, vector<32x256xf32>, vector<512x256xf32> -> vector<512x256xf32>
    %add3A_236 = arith.addf %broadcast_in_dim3A_182, %dot_general3A_235 : vector<512x256xf32>
    %jit3A_237 = arith.constant 8 : i32
    %eq3A_238 = arith.constant 0 : i32
    %eq3A_239 = arith.cmpi eq, %jit3A_237, %eq3A_238 : i32
    %jit3A_240 = arith.constant 1 : i32
    %select_n3A_241 = arith.select %eq3A_239, %jit3A_240, %jit3A_237 : i32
    %rem3A_242 = vector.broadcast %select_n3A_241 : i32 to vector<32x256xi32>
    %rem3A_243 = arith.remsi %iota3A_180, %rem3A_242 : vector<32x256xi32>
    %ne3A_244 = arith.constant 0 : i32
    %ne3A_245 = vector.broadcast %ne3A_244 : i32 to vector<32x256xi32>
    %ne3A_246 = arith.cmpi ne, %rem3A_243, %ne3A_245 : vector<32x256xi32>
    %lt3A_247 = arith.constant 0 : i32
    %lt3A_248 = vector.broadcast %lt3A_247 : i32 to vector<32x256xi32>
    %lt3A_249 = arith.cmpi slt, %rem3A_243, %lt3A_248 : vector<32x256xi32>
    %lt3A_250 = arith.constant 0 : i32
    %lt3A_251 = arith.cmpi slt, %select_n3A_241, %lt3A_250 : i32
    %ne3A_252 = vector.broadcast %lt3A_251 : i1 to vector<32x256xi1>
    %ne3A_253 = vector.broadcast %ne3A_252 : vector<32x256xi1> to vector<32x256xi1>
    %ne3A_254 = arith.xori %lt3A_249, %ne3A_253 : vector<32x256xi1>
    %and3A_255 = arith.andi %ne3A_254, %ne3A_246 : vector<32x256xi1>
    %add3A_256 = vector.broadcast %select_n3A_241 : i32 to vector<32x256xi32>
    %add3A_257 = arith.addi %rem3A_243, %add3A_256 : vector<32x256xi32>
    %select_n3A_258 = arith.select %and3A_255, %add3A_257, %rem3A_243 : vector<32x256xi1>, vector<32x256xi32>
    %eq3A_259 = arith.constant 1 : i32
    %eq3A_260 = vector.broadcast %eq3A_259 : i32 to vector<32x256xi32>
    %eq3A_261 = arith.cmpi eq, %select_n3A_258, %eq3A_260 : vector<32x256xi32>
    %jit3A_262 = arith.constant 8 : i32
    %div3A_263 = vector.broadcast %jit3A_262 : i32 to vector<32x256xi32>
    %div3A_264 = arith.divsi %iota3A_180, %div3A_263 : vector<32x256xi32>
    %sign3A_265 = arith.constant 0 : i32
    %sign3A_266 = vector.broadcast %sign3A_265 : i32 to vector<32x256xi32>
    %sign3A_267 = arith.cmpi sgt, %iota3A_180, %sign3A_266 : vector<32x256xi32>
    %sign3A_268 = arith.extui %sign3A_267 : vector<32x256xi1> to vector<32x256xi32>
    %sign3A_269 = arith.constant 0 : i32
    %sign3A_270 = vector.broadcast %sign3A_269 : i32 to vector<32x256xi32>
    %sign3A_271 = arith.cmpi slt, %iota3A_180, %sign3A_270 : vector<32x256xi32>
    %sign3A_272 = arith.extui %sign3A_271 : vector<32x256xi1> to vector<32x256xi32>
    %sign3A_273 = arith.subi %sign3A_268, %sign3A_272 : vector<32x256xi32>
    %sign3A_274 = arith.constant 0 : i32
    %sign3A_275 = arith.cmpi sgt, %jit3A_262, %sign3A_274 : i32
    %sign3A_276 = arith.extui %sign3A_275 : i1 to i32
    %sign3A_277 = arith.constant 0 : i32
    %sign3A_278 = arith.cmpi slt, %jit3A_262, %sign3A_277 : i32
    %sign3A_279 = arith.extui %sign3A_278 : i1 to i32
    %sign3A_280 = arith.subi %sign3A_276, %sign3A_279 : i32
    %ne3A_281 = vector.broadcast %sign3A_280 : i32 to vector<32x256xi32>
    %ne3A_282 = arith.cmpi ne, %sign3A_273, %ne3A_281 : vector<32x256xi32>
    %rem3A_283 = vector.broadcast %jit3A_262 : i32 to vector<32x256xi32>
    %rem3A_284 = arith.remsi %iota3A_180, %rem3A_283 : vector<32x256xi32>
    %ne3A_285 = arith.constant 0 : i32
    %ne3A_286 = vector.broadcast %ne3A_285 : i32 to vector<32x256xi32>
    %ne3A_287 = arith.cmpi ne, %rem3A_284, %ne3A_286 : vector<32x256xi32>
    %and3A_288 = arith.andi %ne3A_282, %ne3A_287 : vector<32x256xi1>
    %sub3A_289 = arith.constant 1 : i32
    %sub3A_290 = vector.broadcast %sub3A_289 : i32 to vector<32x256xi32>
    %sub3A_291 = arith.subi %div3A_264, %sub3A_290 : vector<32x256xi32>
    %select_n3A_292 = arith.select %and3A_288, %sub3A_291, %div3A_264 : vector<32x256xi1>, vector<32x256xi32>
    %eq3A_293 = arith.cmpi eq, %select_n3A_292, %iota3A : vector<32x256xi32>
    %and3A_294 = arith.andi %eq3A_261, %eq3A_293 : vector<32x256xi1>
    %convert_element_type3A_295 = arith.extui %and3A_294 : vector<32x256xi1> to vector<32x256xi32>
    %convert_element_type3A_296 = arith.sitofp %convert_element_type3A_295 : vector<32x256xi32> to vector<32x256xf32>
    %dot_general3A_297 = arith.constant dense<0.000000e+00> : vector<512x256xf32>
    %dot_general3A_298 = tpu.matmul %div3A_47, %convert_element_type3A_296, %dot_general3A_297 {dimension_numbers = #tpu.dot_dimension_numbers<[1], [0], [0], [1], [0, 0, 1, 1], [], []>, precision = #tpu.contract_precision<fp32>, transpose_lhs_hint = false} : vector<512x32xf32>, vector<32x256xf32>, vector<512x256xf32> -> vector<512x256xf32>
    %add3A_299 = arith.addf %add3A_236, %dot_general3A_298 : vector<512x256xf32>
    %jit3A_300 = arith.constant 8 : i32
    %eq3A_301 = arith.constant 0 : i32
    %eq3A_302 = arith.cmpi eq, %jit3A_300, %eq3A_301 : i32
    %jit3A_303 = arith.constant 1 : i32
    %select_n3A_304 = arith.select %eq3A_302, %jit3A_303, %jit3A_300 : i32
    %rem3A_305 = vector.broadcast %select_n3A_304 : i32 to vector<32x256xi32>
    %rem3A_306 = arith.remsi %iota3A_180, %rem3A_305 : vector<32x256xi32>
    %ne3A_307 = arith.constant 0 : i32
    %ne3A_308 = vector.broadcast %ne3A_307 : i32 to vector<32x256xi32>
    %ne3A_309 = arith.cmpi ne, %rem3A_306, %ne3A_308 : vector<32x256xi32>
    %lt3A_310 = arith.constant 0 : i32
    %lt3A_311 = vector.broadcast %lt3A_310 : i32 to vector<32x256xi32>
    %lt3A_312 = arith.cmpi slt, %rem3A_306, %lt3A_311 : vector<32x256xi32>
    %lt3A_313 = arith.constant 0 : i32
    %lt3A_314 = arith.cmpi slt, %select_n3A_304, %lt3A_313 : i32
    %ne3A_315 = vector.broadcast %lt3A_314 : i1 to vector<32x256xi1>
    %ne3A_316 = vector.broadcast %ne3A_315 : vector<32x256xi1> to vector<32x256xi1>
    %ne3A_317 = arith.xori %lt3A_312, %ne3A_316 : vector<32x256xi1>
    %and3A_318 = arith.andi %ne3A_317, %ne3A_309 : vector<32x256xi1>
    %add3A_319 = vector.broadcast %select_n3A_304 : i32 to vector<32x256xi32>
    %add3A_320 = arith.addi %rem3A_306, %add3A_319 : vector<32x256xi32>
    %select_n3A_321 = arith.select %and3A_318, %add3A_320, %rem3A_306 : vector<32x256xi1>, vector<32x256xi32>
    %eq3A_322 = arith.constant 2 : i32
    %eq3A_323 = vector.broadcast %eq3A_322 : i32 to vector<32x256xi32>
    %eq3A_324 = arith.cmpi eq, %select_n3A_321, %eq3A_323 : vector<32x256xi32>
    %jit3A_325 = arith.constant 8 : i32
    %div3A_326 = vector.broadcast %jit3A_325 : i32 to vector<32x256xi32>
    %div3A_327 = arith.divsi %iota3A_180, %div3A_326 : vector<32x256xi32>
    %sign3A_328 = arith.constant 0 : i32
    %sign3A_329 = vector.broadcast %sign3A_328 : i32 to vector<32x256xi32>
    %sign3A_330 = arith.cmpi sgt, %iota3A_180, %sign3A_329 : vector<32x256xi32>
    %sign3A_331 = arith.extui %sign3A_330 : vector<32x256xi1> to vector<32x256xi32>
    %sign3A_332 = arith.constant 0 : i32
    %sign3A_333 = vector.broadcast %sign3A_332 : i32 to vector<32x256xi32>
    %sign3A_334 = arith.cmpi slt, %iota3A_180, %sign3A_333 : vector<32x256xi32>
    %sign3A_335 = arith.extui %sign3A_334 : vector<32x256xi1> to vector<32x256xi32>
    %sign3A_336 = arith.subi %sign3A_331, %sign3A_335 : vector<32x256xi32>
    %sign3A_337 = arith.constant 0 : i32
    %sign3A_338 = arith.cmpi sgt, %jit3A_325, %sign3A_337 : i32
    %sign3A_339 = arith.extui %sign3A_338 : i1 to i32
    %sign3A_340 = arith.constant 0 : i32
    %sign3A_341 = arith.cmpi slt, %jit3A_325, %sign3A_340 : i32
    %sign3A_342 = arith.extui %sign3A_341 : i1 to i32
    %sign3A_343 = arith.subi %sign3A_339, %sign3A_342 : i32
    %ne3A_344 = vector.broadcast %sign3A_343 : i32 to vector<32x256xi32>
    %ne3A_345 = arith.cmpi ne, %sign3A_336, %ne3A_344 : vector<32x256xi32>
    %rem3A_346 = vector.broadcast %jit3A_325 : i32 to vector<32x256xi32>
    %rem3A_347 = arith.remsi %iota3A_180, %rem3A_346 : vector<32x256xi32>
    %ne3A_348 = arith.constant 0 : i32
    %ne3A_349 = vector.broadcast %ne3A_348 : i32 to vector<32x256xi32>
    %ne3A_350 = arith.cmpi ne, %rem3A_347, %ne3A_349 : vector<32x256xi32>
    %and3A_351 = arith.andi %ne3A_345, %ne3A_350 : vector<32x256xi1>
    %sub3A_352 = arith.constant 1 : i32
    %sub3A_353 = vector.broadcast %sub3A_352 : i32 to vector<32x256xi32>
    %sub3A_354 = arith.subi %div3A_327, %sub3A_353 : vector<32x256xi32>
    %select_n3A_355 = arith.select %and3A_351, %sub3A_354, %div3A_327 : vector<32x256xi1>, vector<32x256xi32>
    %eq3A_356 = arith.cmpi eq, %select_n3A_355, %iota3A : vector<32x256xi32>
    %and3A_357 = arith.andi %eq3A_324, %eq3A_356 : vector<32x256xi1>
    %convert_element_type3A_358 = arith.extui %and3A_357 : vector<32x256xi1> to vector<32x256xi32>
    %convert_element_type3A_359 = arith.sitofp %convert_element_type3A_358 : vector<32x256xi32> to vector<32x256xf32>
    %dot_general3A_360 = arith.constant dense<0.000000e+00> : vector<512x256xf32>
    %dot_general3A_361 = tpu.matmul %div3A_69, %convert_element_type3A_359, %dot_general3A_360 {dimension_numbers = #tpu.dot_dimension_numbers<[1], [0], [0], [1], [0, 0, 1, 1], [], []>, precision = #tpu.contract_precision<fp32>, transpose_lhs_hint = false} : vector<512x32xf32>, vector<32x256xf32>, vector<512x256xf32> -> vector<512x256xf32>
    %add3A_362 = arith.addf %add3A_299, %dot_general3A_361 : vector<512x256xf32>
    %jit3A_363 = arith.constant 8 : i32
    %eq3A_364 = arith.constant 0 : i32
    %eq3A_365 = arith.cmpi eq, %jit3A_363, %eq3A_364 : i32
    %jit3A_366 = arith.constant 1 : i32
    %select_n3A_367 = arith.select %eq3A_365, %jit3A_366, %jit3A_363 : i32
    %rem3A_368 = vector.broadcast %select_n3A_367 : i32 to vector<32x256xi32>
    %rem3A_369 = arith.remsi %iota3A_180, %rem3A_368 : vector<32x256xi32>
    %ne3A_370 = arith.constant 0 : i32
    %ne3A_371 = vector.broadcast %ne3A_370 : i32 to vector<32x256xi32>
    %ne3A_372 = arith.cmpi ne, %rem3A_369, %ne3A_371 : vector<32x256xi32>
    %lt3A_373 = arith.constant 0 : i32
    %lt3A_374 = vector.broadcast %lt3A_373 : i32 to vector<32x256xi32>
    %lt3A_375 = arith.cmpi slt, %rem3A_369, %lt3A_374 : vector<32x256xi32>
    %lt3A_376 = arith.constant 0 : i32
    %lt3A_377 = arith.cmpi slt, %select_n3A_367, %lt3A_376 : i32
    %ne3A_378 = vector.broadcast %lt3A_377 : i1 to vector<32x256xi1>
    %ne3A_379 = vector.broadcast %ne3A_378 : vector<32x256xi1> to vector<32x256xi1>
    %ne3A_380 = arith.xori %lt3A_375, %ne3A_379 : vector<32x256xi1>
    %and3A_381 = arith.andi %ne3A_380, %ne3A_372 : vector<32x256xi1>
    %add3A_382 = vector.broadcast %select_n3A_367 : i32 to vector<32x256xi32>
    %add3A_383 = arith.addi %rem3A_369, %add3A_382 : vector<32x256xi32>
    %select_n3A_384 = arith.select %and3A_381, %add3A_383, %rem3A_369 : vector<32x256xi1>, vector<32x256xi32>
    %eq3A_385 = arith.constant 3 : i32
    %eq3A_386 = vector.broadcast %eq3A_385 : i32 to vector<32x256xi32>
    %eq3A_387 = arith.cmpi eq, %select_n3A_384, %eq3A_386 : vector<32x256xi32>
    %jit3A_388 = arith.constant 8 : i32
    %div3A_389 = vector.broadcast %jit3A_388 : i32 to vector<32x256xi32>
    %div3A_390 = arith.divsi %iota3A_180, %div3A_389 : vector<32x256xi32>
    %sign3A_391 = arith.constant 0 : i32
    %sign3A_392 = vector.broadcast %sign3A_391 : i32 to vector<32x256xi32>
    %sign3A_393 = arith.cmpi sgt, %iota3A_180, %sign3A_392 : vector<32x256xi32>
    %sign3A_394 = arith.extui %sign3A_393 : vector<32x256xi1> to vector<32x256xi32>
    %sign3A_395 = arith.constant 0 : i32
    %sign3A_396 = vector.broadcast %sign3A_395 : i32 to vector<32x256xi32>
    %sign3A_397 = arith.cmpi slt, %iota3A_180, %sign3A_396 : vector<32x256xi32>
    %sign3A_398 = arith.extui %sign3A_397 : vector<32x256xi1> to vector<32x256xi32>
    %sign3A_399 = arith.subi %sign3A_394, %sign3A_398 : vector<32x256xi32>
    %sign3A_400 = arith.constant 0 : i32
    %sign3A_401 = arith.cmpi sgt, %jit3A_388, %sign3A_400 : i32
    %sign3A_402 = arith.extui %sign3A_401 : i1 to i32
    %sign3A_403 = arith.constant 0 : i32
    %sign3A_404 = arith.cmpi slt, %jit3A_388, %sign3A_403 : i32
    %sign3A_405 = arith.extui %sign3A_404 : i1 to i32
    %sign3A_406 = arith.subi %sign3A_402, %sign3A_405 : i32
    %ne3A_407 = vector.broadcast %sign3A_406 : i32 to vector<32x256xi32>
    %ne3A_408 = arith.cmpi ne, %sign3A_399, %ne3A_407 : vector<32x256xi32>
    %rem3A_409 = vector.broadcast %jit3A_388 : i32 to vector<32x256xi32>
    %rem3A_410 = arith.remsi %iota3A_180, %rem3A_409 : vector<32x256xi32>
    %ne3A_411 = arith.constant 0 : i32
    %ne3A_412 = vector.broadcast %ne3A_411 : i32 to vector<32x256xi32>
    %ne3A_413 = arith.cmpi ne, %rem3A_410, %ne3A_412 : vector<32x256xi32>
    %and3A_414 = arith.andi %ne3A_408, %ne3A_413 : vector<32x256xi1>
    %sub3A_415 = arith.constant 1 : i32
    %sub3A_416 = vector.broadcast %sub3A_415 : i32 to vector<32x256xi32>
    %sub3A_417 = arith.subi %div3A_390, %sub3A_416 : vector<32x256xi32>
    %select_n3A_418 = arith.select %and3A_414, %sub3A_417, %div3A_390 : vector<32x256xi1>, vector<32x256xi32>
    %eq3A_419 = arith.cmpi eq, %select_n3A_418, %iota3A : vector<32x256xi32>
    %and3A_420 = arith.andi %eq3A_387, %eq3A_419 : vector<32x256xi1>
    %convert_element_type3A_421 = arith.extui %and3A_420 : vector<32x256xi1> to vector<32x256xi32>
    %convert_element_type3A_422 = arith.sitofp %convert_element_type3A_421 : vector<32x256xi32> to vector<32x256xf32>
    %dot_general3A_423 = arith.constant dense<0.000000e+00> : vector<512x256xf32>
    %dot_general3A_424 = tpu.matmul %div3A_91, %convert_element_type3A_422, %dot_general3A_423 {dimension_numbers = #tpu.dot_dimension_numbers<[1], [0], [0], [1], [0, 0, 1, 1], [], []>, precision = #tpu.contract_precision<fp32>, transpose_lhs_hint = false} : vector<512x32xf32>, vector<32x256xf32>, vector<512x256xf32> -> vector<512x256xf32>
    %add3A_425 = arith.addf %add3A_362, %dot_general3A_424 : vector<512x256xf32>
    %jit3A_426 = arith.constant 8 : i32
    %eq3A_427 = arith.constant 0 : i32
    %eq3A_428 = arith.cmpi eq, %jit3A_426, %eq3A_427 : i32
    %jit3A_429 = arith.constant 1 : i32
    %select_n3A_430 = arith.select %eq3A_428, %jit3A_429, %jit3A_426 : i32
    %rem3A_431 = vector.broadcast %select_n3A_430 : i32 to vector<32x256xi32>
    %rem3A_432 = arith.remsi %iota3A_180, %rem3A_431 : vector<32x256xi32>
    %ne3A_433 = arith.constant 0 : i32
    %ne3A_434 = vector.broadcast %ne3A_433 : i32 to vector<32x256xi32>
    %ne3A_435 = arith.cmpi ne, %rem3A_432, %ne3A_434 : vector<32x256xi32>
    %lt3A_436 = arith.constant 0 : i32
    %lt3A_437 = vector.broadcast %lt3A_436 : i32 to vector<32x256xi32>
    %lt3A_438 = arith.cmpi slt, %rem3A_432, %lt3A_437 : vector<32x256xi32>
    %lt3A_439 = arith.constant 0 : i32
    %lt3A_440 = arith.cmpi slt, %select_n3A_430, %lt3A_439 : i32
    %ne3A_441 = vector.broadcast %lt3A_440 : i1 to vector<32x256xi1>
    %ne3A_442 = vector.broadcast %ne3A_441 : vector<32x256xi1> to vector<32x256xi1>
    %ne3A_443 = arith.xori %lt3A_438, %ne3A_442 : vector<32x256xi1>
    %and3A_444 = arith.andi %ne3A_443, %ne3A_435 : vector<32x256xi1>
    %add3A_445 = vector.broadcast %select_n3A_430 : i32 to vector<32x256xi32>
    %add3A_446 = arith.addi %rem3A_432, %add3A_445 : vector<32x256xi32>
    %select_n3A_447 = arith.select %and3A_444, %add3A_446, %rem3A_432 : vector<32x256xi1>, vector<32x256xi32>
    %eq3A_448 = arith.constant 4 : i32
    %eq3A_449 = vector.broadcast %eq3A_448 : i32 to vector<32x256xi32>
    %eq3A_450 = arith.cmpi eq, %select_n3A_447, %eq3A_449 : vector<32x256xi32>
    %jit3A_451 = arith.constant 8 : i32
    %div3A_452 = vector.broadcast %jit3A_451 : i32 to vector<32x256xi32>
    %div3A_453 = arith.divsi %iota3A_180, %div3A_452 : vector<32x256xi32>
    %sign3A_454 = arith.constant 0 : i32
    %sign3A_455 = vector.broadcast %sign3A_454 : i32 to vector<32x256xi32>
    %sign3A_456 = arith.cmpi sgt, %iota3A_180, %sign3A_455 : vector<32x256xi32>
    %sign3A_457 = arith.extui %sign3A_456 : vector<32x256xi1> to vector<32x256xi32>
    %sign3A_458 = arith.constant 0 : i32
    %sign3A_459 = vector.broadcast %sign3A_458 : i32 to vector<32x256xi32>
    %sign3A_460 = arith.cmpi slt, %iota3A_180, %sign3A_459 : vector<32x256xi32>
    %sign3A_461 = arith.extui %sign3A_460 : vector<32x256xi1> to vector<32x256xi32>
    %sign3A_462 = arith.subi %sign3A_457, %sign3A_461 : vector<32x256xi32>
    %sign3A_463 = arith.constant 0 : i32
    %sign3A_464 = arith.cmpi sgt, %jit3A_451, %sign3A_463 : i32
    %sign3A_465 = arith.extui %sign3A_464 : i1 to i32
    %sign3A_466 = arith.constant 0 : i32
    %sign3A_467 = arith.cmpi slt, %jit3A_451, %sign3A_466 : i32
    %sign3A_468 = arith.extui %sign3A_467 : i1 to i32
    %sign3A_469 = arith.subi %sign3A_465, %sign3A_468 : i32
    %ne3A_470 = vector.broadcast %sign3A_469 : i32 to vector<32x256xi32>
    %ne3A_471 = arith.cmpi ne, %sign3A_462, %ne3A_470 : vector<32x256xi32>
    %rem3A_472 = vector.broadcast %jit3A_451 : i32 to vector<32x256xi32>
    %rem3A_473 = arith.remsi %iota3A_180, %rem3A_472 : vector<32x256xi32>
    %ne3A_474 = arith.constant 0 : i32
    %ne3A_475 = vector.broadcast %ne3A_474 : i32 to vector<32x256xi32>
    %ne3A_476 = arith.cmpi ne, %rem3A_473, %ne3A_475 : vector<32x256xi32>
    %and3A_477 = arith.andi %ne3A_471, %ne3A_476 : vector<32x256xi1>
    %sub3A_478 = arith.constant 1 : i32
    %sub3A_479 = vector.broadcast %sub3A_478 : i32 to vector<32x256xi32>
    %sub3A_480 = arith.subi %div3A_453, %sub3A_479 : vector<32x256xi32>
    %select_n3A_481 = arith.select %and3A_477, %sub3A_480, %div3A_453 : vector<32x256xi1>, vector<32x256xi32>
    %eq3A_482 = arith.cmpi eq, %select_n3A_481, %iota3A : vector<32x256xi32>
    %and3A_483 = arith.andi %eq3A_450, %eq3A_482 : vector<32x256xi1>
    %convert_element_type3A_484 = arith.extui %and3A_483 : vector<32x256xi1> to vector<32x256xi32>
    %convert_element_type3A_485 = arith.sitofp %convert_element_type3A_484 : vector<32x256xi32> to vector<32x256xf32>
    %dot_general3A_486 = arith.constant dense<0.000000e+00> : vector<512x256xf32>
    %dot_general3A_487 = tpu.matmul %div3A_113, %convert_element_type3A_485, %dot_general3A_486 {dimension_numbers = #tpu.dot_dimension_numbers<[1], [0], [0], [1], [0, 0, 1, 1], [], []>, precision = #tpu.contract_precision<fp32>, transpose_lhs_hint = false} : vector<512x32xf32>, vector<32x256xf32>, vector<512x256xf32> -> vector<512x256xf32>
    %add3A_488 = arith.addf %add3A_425, %dot_general3A_487 : vector<512x256xf32>
    %jit3A_489 = arith.constant 8 : i32
    %eq3A_490 = arith.constant 0 : i32
    %eq3A_491 = arith.cmpi eq, %jit3A_489, %eq3A_490 : i32
    %jit3A_492 = arith.constant 1 : i32
    %select_n3A_493 = arith.select %eq3A_491, %jit3A_492, %jit3A_489 : i32
    %rem3A_494 = vector.broadcast %select_n3A_493 : i32 to vector<32x256xi32>
    %rem3A_495 = arith.remsi %iota3A_180, %rem3A_494 : vector<32x256xi32>
    %ne3A_496 = arith.constant 0 : i32
    %ne3A_497 = vector.broadcast %ne3A_496 : i32 to vector<32x256xi32>
    %ne3A_498 = arith.cmpi ne, %rem3A_495, %ne3A_497 : vector<32x256xi32>
    %lt3A_499 = arith.constant 0 : i32
    %lt3A_500 = vector.broadcast %lt3A_499 : i32 to vector<32x256xi32>
    %lt3A_501 = arith.cmpi slt, %rem3A_495, %lt3A_500 : vector<32x256xi32>
    %lt3A_502 = arith.constant 0 : i32
    %lt3A_503 = arith.cmpi slt, %select_n3A_493, %lt3A_502 : i32
    %ne3A_504 = vector.broadcast %lt3A_503 : i1 to vector<32x256xi1>
    %ne3A_505 = vector.broadcast %ne3A_504 : vector<32x256xi1> to vector<32x256xi1>
    %ne3A_506 = arith.xori %lt3A_501, %ne3A_505 : vector<32x256xi1>
    %and3A_507 = arith.andi %ne3A_506, %ne3A_498 : vector<32x256xi1>
    %add3A_508 = vector.broadcast %select_n3A_493 : i32 to vector<32x256xi32>
    %add3A_509 = arith.addi %rem3A_495, %add3A_508 : vector<32x256xi32>
    %select_n3A_510 = arith.select %and3A_507, %add3A_509, %rem3A_495 : vector<32x256xi1>, vector<32x256xi32>
    %eq3A_511 = arith.constant 5 : i32
    %eq3A_512 = vector.broadcast %eq3A_511 : i32 to vector<32x256xi32>
    %eq3A_513 = arith.cmpi eq, %select_n3A_510, %eq3A_512 : vector<32x256xi32>
    %jit3A_514 = arith.constant 8 : i32
    %div3A_515 = vector.broadcast %jit3A_514 : i32 to vector<32x256xi32>
    %div3A_516 = arith.divsi %iota3A_180, %div3A_515 : vector<32x256xi32>
    %sign3A_517 = arith.constant 0 : i32
    %sign3A_518 = vector.broadcast %sign3A_517 : i32 to vector<32x256xi32>
    %sign3A_519 = arith.cmpi sgt, %iota3A_180, %sign3A_518 : vector<32x256xi32>
    %sign3A_520 = arith.extui %sign3A_519 : vector<32x256xi1> to vector<32x256xi32>
    %sign3A_521 = arith.constant 0 : i32
    %sign3A_522 = vector.broadcast %sign3A_521 : i32 to vector<32x256xi32>
    %sign3A_523 = arith.cmpi slt, %iota3A_180, %sign3A_522 : vector<32x256xi32>
    %sign3A_524 = arith.extui %sign3A_523 : vector<32x256xi1> to vector<32x256xi32>
    %sign3A_525 = arith.subi %sign3A_520, %sign3A_524 : vector<32x256xi32>
    %sign3A_526 = arith.constant 0 : i32
    %sign3A_527 = arith.cmpi sgt, %jit3A_514, %sign3A_526 : i32
    %sign3A_528 = arith.extui %sign3A_527 : i1 to i32
    %sign3A_529 = arith.constant 0 : i32
    %sign3A_530 = arith.cmpi slt, %jit3A_514, %sign3A_529 : i32
    %sign3A_531 = arith.extui %sign3A_530 : i1 to i32
    %sign3A_532 = arith.subi %sign3A_528, %sign3A_531 : i32
    %ne3A_533 = vector.broadcast %sign3A_532 : i32 to vector<32x256xi32>
    %ne3A_534 = arith.cmpi ne, %sign3A_525, %ne3A_533 : vector<32x256xi32>
    %rem3A_535 = vector.broadcast %jit3A_514 : i32 to vector<32x256xi32>
    %rem3A_536 = arith.remsi %iota3A_180, %rem3A_535 : vector<32x256xi32>
    %ne3A_537 = arith.constant 0 : i32
    %ne3A_538 = vector.broadcast %ne3A_537 : i32 to vector<32x256xi32>
    %ne3A_539 = arith.cmpi ne, %rem3A_536, %ne3A_538 : vector<32x256xi32>
    %and3A_540 = arith.andi %ne3A_534, %ne3A_539 : vector<32x256xi1>
    %sub3A_541 = arith.constant 1 : i32
    %sub3A_542 = vector.broadcast %sub3A_541 : i32 to vector<32x256xi32>
    %sub3A_543 = arith.subi %div3A_516, %sub3A_542 : vector<32x256xi32>
    %select_n3A_544 = arith.select %and3A_540, %sub3A_543, %div3A_516 : vector<32x256xi1>, vector<32x256xi32>
    %eq3A_545 = arith.cmpi eq, %select_n3A_544, %iota3A : vector<32x256xi32>
    %and3A_546 = arith.andi %eq3A_513, %eq3A_545 : vector<32x256xi1>
    %convert_element_type3A_547 = arith.extui %and3A_546 : vector<32x256xi1> to vector<32x256xi32>
    %convert_element_type3A_548 = arith.sitofp %convert_element_type3A_547 : vector<32x256xi32> to vector<32x256xf32>
    %dot_general3A_549 = arith.constant dense<0.000000e+00> : vector<512x256xf32>
    %dot_general3A_550 = tpu.matmul %div3A_135, %convert_element_type3A_548, %dot_general3A_549 {dimension_numbers = #tpu.dot_dimension_numbers<[1], [0], [0], [1], [0, 0, 1, 1], [], []>, precision = #tpu.contract_precision<fp32>, transpose_lhs_hint = false} : vector<512x32xf32>, vector<32x256xf32>, vector<512x256xf32> -> vector<512x256xf32>
    %add3A_551 = arith.addf %add3A_488, %dot_general3A_550 : vector<512x256xf32>
    %jit3A_552 = arith.constant 8 : i32
    %eq3A_553 = arith.constant 0 : i32
    %eq3A_554 = arith.cmpi eq, %jit3A_552, %eq3A_553 : i32
    %jit3A_555 = arith.constant 1 : i32
    %select_n3A_556 = arith.select %eq3A_554, %jit3A_555, %jit3A_552 : i32
    %rem3A_557 = vector.broadcast %select_n3A_556 : i32 to vector<32x256xi32>
    %rem3A_558 = arith.remsi %iota3A_180, %rem3A_557 : vector<32x256xi32>
    %ne3A_559 = arith.constant 0 : i32
    %ne3A_560 = vector.broadcast %ne3A_559 : i32 to vector<32x256xi32>
    %ne3A_561 = arith.cmpi ne, %rem3A_558, %ne3A_560 : vector<32x256xi32>
    %lt3A_562 = arith.constant 0 : i32
    %lt3A_563 = vector.broadcast %lt3A_562 : i32 to vector<32x256xi32>
    %lt3A_564 = arith.cmpi slt, %rem3A_558, %lt3A_563 : vector<32x256xi32>
    %lt3A_565 = arith.constant 0 : i32
    %lt3A_566 = arith.cmpi slt, %select_n3A_556, %lt3A_565 : i32
    %ne3A_567 = vector.broadcast %lt3A_566 : i1 to vector<32x256xi1>
    %ne3A_568 = vector.broadcast %ne3A_567 : vector<32x256xi1> to vector<32x256xi1>
    %ne3A_569 = arith.xori %lt3A_564, %ne3A_568 : vector<32x256xi1>
    %and3A_570 = arith.andi %ne3A_569, %ne3A_561 : vector<32x256xi1>
    %add3A_571 = vector.broadcast %select_n3A_556 : i32 to vector<32x256xi32>
    %add3A_572 = arith.addi %rem3A_558, %add3A_571 : vector<32x256xi32>
    %select_n3A_573 = arith.select %and3A_570, %add3A_572, %rem3A_558 : vector<32x256xi1>, vector<32x256xi32>
    %eq3A_574 = arith.constant 6 : i32
    %eq3A_575 = vector.broadcast %eq3A_574 : i32 to vector<32x256xi32>
    %eq3A_576 = arith.cmpi eq, %select_n3A_573, %eq3A_575 : vector<32x256xi32>
    %jit3A_577 = arith.constant 8 : i32
    %div3A_578 = vector.broadcast %jit3A_577 : i32 to vector<32x256xi32>
    %div3A_579 = arith.divsi %iota3A_180, %div3A_578 : vector<32x256xi32>
    %sign3A_580 = arith.constant 0 : i32
    %sign3A_581 = vector.broadcast %sign3A_580 : i32 to vector<32x256xi32>
    %sign3A_582 = arith.cmpi sgt, %iota3A_180, %sign3A_581 : vector<32x256xi32>
    %sign3A_583 = arith.extui %sign3A_582 : vector<32x256xi1> to vector<32x256xi32>
    %sign3A_584 = arith.constant 0 : i32
    %sign3A_585 = vector.broadcast %sign3A_584 : i32 to vector<32x256xi32>
    %sign3A_586 = arith.cmpi slt, %iota3A_180, %sign3A_585 : vector<32x256xi32>
    %sign3A_587 = arith.extui %sign3A_586 : vector<32x256xi1> to vector<32x256xi32>
    %sign3A_588 = arith.subi %sign3A_583, %sign3A_587 : vector<32x256xi32>
    %sign3A_589 = arith.constant 0 : i32
    %sign3A_590 = arith.cmpi sgt, %jit3A_577, %sign3A_589 : i32
    %sign3A_591 = arith.extui %sign3A_590 : i1 to i32
    %sign3A_592 = arith.constant 0 : i32
    %sign3A_593 = arith.cmpi slt, %jit3A_577, %sign3A_592 : i32
    %sign3A_594 = arith.extui %sign3A_593 : i1 to i32
    %sign3A_595 = arith.subi %sign3A_591, %sign3A_594 : i32
    %ne3A_596 = vector.broadcast %sign3A_595 : i32 to vector<32x256xi32>
    %ne3A_597 = arith.cmpi ne, %sign3A_588, %ne3A_596 : vector<32x256xi32>
    %rem3A_598 = vector.broadcast %jit3A_577 : i32 to vector<32x256xi32>
    %rem3A_599 = arith.remsi %iota3A_180, %rem3A_598 : vector<32x256xi32>
    %ne3A_600 = arith.constant 0 : i32
    %ne3A_601 = vector.broadcast %ne3A_600 : i32 to vector<32x256xi32>
    %ne3A_602 = arith.cmpi ne, %rem3A_599, %ne3A_601 : vector<32x256xi32>
    %and3A_603 = arith.andi %ne3A_597, %ne3A_602 : vector<32x256xi1>
    %sub3A_604 = arith.constant 1 : i32
    %sub3A_605 = vector.broadcast %sub3A_604 : i32 to vector<32x256xi32>
    %sub3A_606 = arith.subi %div3A_579, %sub3A_605 : vector<32x256xi32>
    %select_n3A_607 = arith.select %and3A_603, %sub3A_606, %div3A_579 : vector<32x256xi1>, vector<32x256xi32>
    %eq3A_608 = arith.cmpi eq, %select_n3A_607, %iota3A : vector<32x256xi32>
    %and3A_609 = arith.andi %eq3A_576, %eq3A_608 : vector<32x256xi1>
    %convert_element_type3A_610 = arith.extui %and3A_609 : vector<32x256xi1> to vector<32x256xi32>
    %convert_element_type3A_611 = arith.sitofp %convert_element_type3A_610 : vector<32x256xi32> to vector<32x256xf32>
    %dot_general3A_612 = arith.constant dense<0.000000e+00> : vector<512x256xf32>
    %dot_general3A_613 = tpu.matmul %div3A_157, %convert_element_type3A_611, %dot_general3A_612 {dimension_numbers = #tpu.dot_dimension_numbers<[1], [0], [0], [1], [0, 0, 1, 1], [], []>, precision = #tpu.contract_precision<fp32>, transpose_lhs_hint = false} : vector<512x32xf32>, vector<32x256xf32>, vector<512x256xf32> -> vector<512x256xf32>
    %add3A_614 = arith.addf %add3A_551, %dot_general3A_613 : vector<512x256xf32>
    %jit3A_615 = arith.constant 8 : i32
    %eq3A_616 = arith.constant 0 : i32
    %eq3A_617 = arith.cmpi eq, %jit3A_615, %eq3A_616 : i32
    %jit3A_618 = arith.constant 1 : i32
    %select_n3A_619 = arith.select %eq3A_617, %jit3A_618, %jit3A_615 : i32
    %rem3A_620 = vector.broadcast %select_n3A_619 : i32 to vector<32x256xi32>
    %rem3A_621 = arith.remsi %iota3A_180, %rem3A_620 : vector<32x256xi32>
    %ne3A_622 = arith.constant 0 : i32
    %ne3A_623 = vector.broadcast %ne3A_622 : i32 to vector<32x256xi32>
    %ne3A_624 = arith.cmpi ne, %rem3A_621, %ne3A_623 : vector<32x256xi32>
    %lt3A_625 = arith.constant 0 : i32
    %lt3A_626 = vector.broadcast %lt3A_625 : i32 to vector<32x256xi32>
    %lt3A_627 = arith.cmpi slt, %rem3A_621, %lt3A_626 : vector<32x256xi32>
    %lt3A_628 = arith.constant 0 : i32
    %lt3A_629 = arith.cmpi slt, %select_n3A_619, %lt3A_628 : i32
    %ne3A_630 = vector.broadcast %lt3A_629 : i1 to vector<32x256xi1>
    %ne3A_631 = vector.broadcast %ne3A_630 : vector<32x256xi1> to vector<32x256xi1>
    %ne3A_632 = arith.xori %lt3A_627, %ne3A_631 : vector<32x256xi1>
    %and3A_633 = arith.andi %ne3A_632, %ne3A_624 : vector<32x256xi1>
    %add3A_634 = vector.broadcast %select_n3A_619 : i32 to vector<32x256xi32>
    %add3A_635 = arith.addi %rem3A_621, %add3A_634 : vector<32x256xi32>
    %select_n3A_636 = arith.select %and3A_633, %add3A_635, %rem3A_621 : vector<32x256xi1>, vector<32x256xi32>
    %eq3A_637 = arith.constant 7 : i32
    %eq3A_638 = vector.broadcast %eq3A_637 : i32 to vector<32x256xi32>
    %eq3A_639 = arith.cmpi eq, %select_n3A_636, %eq3A_638 : vector<32x256xi32>
    %jit3A_640 = arith.constant 8 : i32
    %div3A_641 = vector.broadcast %jit3A_640 : i32 to vector<32x256xi32>
    %div3A_642 = arith.divsi %iota3A_180, %div3A_641 : vector<32x256xi32>
    %sign3A_643 = arith.constant 0 : i32
    %sign3A_644 = vector.broadcast %sign3A_643 : i32 to vector<32x256xi32>
    %sign3A_645 = arith.cmpi sgt, %iota3A_180, %sign3A_644 : vector<32x256xi32>
    %sign3A_646 = arith.extui %sign3A_645 : vector<32x256xi1> to vector<32x256xi32>
    %sign3A_647 = arith.constant 0 : i32
    %sign3A_648 = vector.broadcast %sign3A_647 : i32 to vector<32x256xi32>
    %sign3A_649 = arith.cmpi slt, %iota3A_180, %sign3A_648 : vector<32x256xi32>
    %sign3A_650 = arith.extui %sign3A_649 : vector<32x256xi1> to vector<32x256xi32>
    %sign3A_651 = arith.subi %sign3A_646, %sign3A_650 : vector<32x256xi32>
    %sign3A_652 = arith.constant 0 : i32
    %sign3A_653 = arith.cmpi sgt, %jit3A_640, %sign3A_652 : i32
    %sign3A_654 = arith.extui %sign3A_653 : i1 to i32
    %sign3A_655 = arith.constant 0 : i32
    %sign3A_656 = arith.cmpi slt, %jit3A_640, %sign3A_655 : i32
    %sign3A_657 = arith.extui %sign3A_656 : i1 to i32
    %sign3A_658 = arith.subi %sign3A_654, %sign3A_657 : i32
    %ne3A_659 = vector.broadcast %sign3A_658 : i32 to vector<32x256xi32>
    %ne3A_660 = arith.cmpi ne, %sign3A_651, %ne3A_659 : vector<32x256xi32>
    %rem3A_661 = vector.broadcast %jit3A_640 : i32 to vector<32x256xi32>
    %rem3A_662 = arith.remsi %iota3A_180, %rem3A_661 : vector<32x256xi32>
    %ne3A_663 = arith.constant 0 : i32
    %ne3A_664 = vector.broadcast %ne3A_663 : i32 to vector<32x256xi32>
    %ne3A_665 = arith.cmpi ne, %rem3A_662, %ne3A_664 : vector<32x256xi32>
    %and3A_666 = arith.andi %ne3A_660, %ne3A_665 : vector<32x256xi1>
    %sub3A_667 = arith.constant 1 : i32
    %sub3A_668 = vector.broadcast %sub3A_667 : i32 to vector<32x256xi32>
    %sub3A_669 = arith.subi %div3A_642, %sub3A_668 : vector<32x256xi32>
    %select_n3A_670 = arith.select %and3A_666, %sub3A_669, %div3A_642 : vector<32x256xi1>, vector<32x256xi32>
    %eq3A_671 = arith.cmpi eq, %select_n3A_670, %iota3A : vector<32x256xi32>
    %and3A_672 = arith.andi %eq3A_639, %eq3A_671 : vector<32x256xi1>
    %convert_element_type3A_673 = arith.extui %and3A_672 : vector<32x256xi1> to vector<32x256xi32>
    %convert_element_type3A_674 = arith.sitofp %convert_element_type3A_673 : vector<32x256xi32> to vector<32x256xf32>
    %dot_general3A_675 = arith.constant dense<0.000000e+00> : vector<512x256xf32>
    %dot_general3A_676 = tpu.matmul %div3A_179, %convert_element_type3A_674, %dot_general3A_675 {dimension_numbers = #tpu.dot_dimension_numbers<[1], [0], [0], [1], [0, 0, 1, 1], [], []>, precision = #tpu.contract_precision<fp32>, transpose_lhs_hint = false} : vector<512x32xf32>, vector<32x256xf32>, vector<512x256xf32> -> vector<512x256xf32>
    %add3A_677 = arith.addf %add3A_614, %dot_general3A_676 : vector<512x256xf32>
    %get3A_678 = arith.constant 0 : index
    %get3A_679 = arith.constant 0 : index
    %get3A_680 = vector.load %arg4[%get3A_678, %get3A_679] : memref<256x256xf32, #tpu.memory_space<vmem>>, vector<256x256xf32>
    %dot_general3A_681 = arith.constant dense<0.000000e+00> : vector<512x256xf32>
    %dot_general3A_682 = tpu.matmul %add3A_677, %get3A_680, %dot_general3A_681 {dimension_numbers = #tpu.dot_dimension_numbers<[1], [0], [0], [1], [0, 0, 1, 1], [], []>, transpose_lhs_hint = false} : vector<512x256xf32>, vector<256x256xf32>, vector<512x256xf32> -> vector<512x256xf32>
    %get3A_683 = arith.constant 0 : index
    %get3A_684 = arith.constant 0 : index
    %get3A_685 = vector.load %arg5[%get3A_683, %get3A_684] : memref<1x256xf32, #tpu.memory_space<vmem>>, vector<1x256xf32>
    %add3A_686 = vector.broadcast %get3A_685 : vector<1x256xf32> to vector<512x256xf32>
    %add3A_687 = arith.addf %dot_general3A_682, %add3A_686 : vector<512x256xf32>
    %transpose3A_688 = tpu.transpose %add3A_687, [1, 0] : vector<512x256xf32> -> vector<256x512xf32>
    %swap3A = arith.constant 0 : index
    %swap3A_689 = arith.constant 0 : index
    %swap3A_690 = arith.constant 0 : index
    %swap3A_691 = vector.load %arg6[%swap3A, %swap3A_689, %swap3A_690] : memref<1x256x512xf32, #tpu.memory_space<vmem>>, vector<1x256x512xf32>
    %swap3A_692 = vector.shape_cast %swap3A_691 : vector<1x256x512xf32> to vector<256x512xf32>
    %swap3A_693 = vector.shape_cast %transpose3A_688 : vector<256x512xf32> to vector<1x256x512xf32>
    tpu.vector_store %arg6[%swap3A, %swap3A_689, %swap3A_690], %swap3A_693 {strides = array<i32>} : memref<1x256x512xf32, #tpu.memory_space<vmem>>, vector<1x256x512xf32>,
    return
  }
  func.func @transform_0(%arg0: i32) -> (i32, i32, i32) {
    %c0_i32 = arith.constant 0 : i32
    %c0_i32_0 = arith.constant 0 : i32
    %c0_i32_1 = arith.constant 0 : i32
    return %arg0, %c0_i32, %c0_i32_0 : i32, i32, i32
  }
  func.func @transform_1(%arg0: i32) -> (i32, i32) {
    %c0_i32 = arith.constant 0 : i32
    %c0_i32_0 = arith.constant 0 : i32
    %c0_i32_1 = arith.constant 0 : i32
    return %c0_i32, %c0_i32_0 : i32, i32
  }
  func.func @transform_2(%arg0: i32) -> (i32, i32) {
    %c0_i32 = arith.constant 0 : i32
    %c0_i32_0 = arith.constant 0 : i32
    %c0_i32_1 = arith.constant 0 : i32
    return %c0_i32, %c0_i32_0 : i32, i32
  }
  func.func @transform_3(%arg0: i32) -> (i32, i32) {
    %c0_i32 = arith.constant 0 : i32
    %c0_i32_0 = arith.constant 0 : i32
    %c0_i32_1 = arith.constant 0 : i32
    return %c0_i32, %c0_i32_0 : i32, i32
  }
  func.func @transform_4(%arg0: i32) -> (i32, i32) {
    %c0_i32 = arith.constant 0 : i32
    %c0_i32_0 = arith.constant 0 : i32
    %c0_i32_1 = arith.constant 0 : i32
    return %c0_i32, %c0_i32_0 : i32, i32
  }
  func.func @transform_5(%arg0: i32) -> (i32, i32, i32) {
    %c0_i32 = arith.constant 0 : i32
    %c0_i32_0 = arith.constant 0 : i32
    %c0_i32_1 = arith.constant 0 : i32
    return %arg0, %c0_i32, %c0_i32_0 : i32, i32, i32
  }
}

module attributes {stable_mosaic.version = 14 : i64} {
  func.func @_gating_body(%arg0: memref<4x256x512xf32, #tpu.memory_space<vmem>>, %arg1: memref<512x1024xf32, #tpu.memory_space<vmem>>, %arg2: memref<4x1x256xi32, #tpu.memory_space<vmem>>, %arg3: memref<4x1x256xi32, #tpu.memory_space<vmem>>, %arg4: memref<4x1x256xi32, #tpu.memory_space<vmem>>, %arg5: memref<4x1x256xi32, #tpu.memory_space<vmem>>, %arg6: memref<4x1x256xf32, #tpu.memory_space<vmem>>, %arg7: memref<4x1x256xf32, #tpu.memory_space<vmem>>, %arg8: memref<1x1xf32, #tpu.memory_space<vmem>>) attributes {dimension_semantics = [], scalar_prefetch = 0 : i64, scratch_operands = 0 : i64, tpu.core_type = #tpu.core_type<tc>} {
    %iota3A = tpu.iota {dimensions = array<i32: 1>} : vector<256x1024xi32>
    %iota3A_0 = tpu.iota {dimensions = array<i32: 0>} : vector<256x256xi32>
    %iota3A_1 = tpu.iota {dimensions = array<i32: 1>} : vector<256x256xi32>
    %ge3A = arith.cmpi sge, %iota3A_0, %iota3A_1 : vector<256x256xi32>
    %convert_element_type3A = arith.extui %ge3A : vector<256x256xi1> to vector<256x256xi32>
    %convert_element_type3A_2 = arith.sitofp %convert_element_type3A : vector<256x256xi32> to vector<256x256xf32>
    %broadcast_in_dim3A = arith.constant 0.000000e+00 : f32
    %broadcast_in_dim3A_3 = vector.broadcast %broadcast_in_dim3A : f32 to vector<1x1xf32>
    %get3A = arith.constant 0 : index
    %get3A_4 = arith.constant 0 : index
    %get3A_5 = arith.constant 0 : index
    %get3A_6 = vector.load %arg0[%get3A, %get3A_4, %get3A_5] : memref<4x256x512xf32, #tpu.memory_space<vmem>>, vector<1x256x512xf32>
    %get3A_7 = vector.shape_cast %get3A_6 : vector<1x256x512xf32> to vector<256x512xf32>
    %get3A_8 = arith.constant 0 : index
    %get3A_9 = arith.constant 0 : index
    %get3A_10 = vector.load %arg1[%get3A_8, %get3A_9] : memref<512x1024xf32, #tpu.memory_space<vmem>>, vector<512x1024xf32>
    %dot_general3A = arith.constant dense<0.000000e+00> : vector<256x1024xf32>
    %dot_general3A_11 = tpu.matmul %get3A_7, %get3A_10, %dot_general3A {dimension_numbers = #tpu.dot_dimension_numbers<[1], [0], [0], [1], [0, 0, 1, 1], [], []>, transpose_lhs_hint = false} : vector<256x512xf32>, vector<512x1024xf32>, vector<256x1024xf32> -> vector<256x1024xf32>
    %reduce_max3A = arith.constant dense<0xFF800000> : vector<256xf32>
    %reduce_max3A_12 = vector.multi_reduction <maximumf>, %dot_general3A_11, %reduce_max3A [1] : vector<256x1024xf32> to vector<256xf32>
    %broadcast_in_dim3A_13 = vector.shape_cast %reduce_max3A_12 : vector<256xf32> to vector<256x1xf32>
    %sub3A = vector.broadcast %broadcast_in_dim3A_13 : vector<256x1xf32> to vector<256x1024xf32>
    %sub3A_14 = arith.subf %dot_general3A_11, %sub3A : vector<256x1024xf32>
    %exp3A = math.exp %sub3A_14 : vector<256x1024xf32>
    %reduce_sum3A = arith.constant dense<0.000000e+00> : vector<256xf32>
    %reduce_sum3A_15 = vector.multi_reduction <add>, %exp3A, %reduce_sum3A [1] : vector<256x1024xf32> to vector<256xf32>
    %broadcast_in_dim3A_16 = vector.shape_cast %reduce_sum3A_15 : vector<256xf32> to vector<256x1xf32>
    %div3A = vector.broadcast %broadcast_in_dim3A_16 : vector<256x1xf32> to vector<256x1024xf32>
    %div3A_17 = arith.divf %exp3A, %div3A : vector<256x1024xf32>
    %reduce_max3A_18 = arith.constant dense<0xFF800000> : vector<256xf32>
    %reduce_max3A_19 = vector.multi_reduction <maximumf>, %div3A_17, %reduce_max3A_18 [1] : vector<256x1024xf32> to vector<256xf32>
    %broadcast_in_dim3A_20 = vector.shape_cast %reduce_max3A_19 : vector<256xf32> to vector<256x1xf32>
    %ge3A_21 = vector.broadcast %broadcast_in_dim3A_20 : vector<256x1xf32> to vector<256x1024xf32>
    %ge3A_22 = arith.cmpf oge, %div3A_17, %ge3A_21 : vector<256x1024xf32>
    %jit3A = arith.constant 1024 : i32
    %broadcast_in_dim3A_23 = vector.broadcast %jit3A : i32 to vector<256x1024xi32>
    %select_n3A = arith.select %ge3A_22, %iota3A, %broadcast_in_dim3A_23 : vector<256x1024xi1>, vector<256x1024xi32>
    %reduce_min3A = arith.constant dense<2147483647> : vector<256xi32>
    %reduce_min3A_24 = vector.multi_reduction <minsi>, %select_n3A, %reduce_min3A [1] : vector<256x1024xi32> to vector<256xi32>
    %broadcast_in_dim3A_25 = vector.shape_cast %reduce_min3A_24 : vector<256xi32> to vector<256x1xi32>
    %eq3A = vector.broadcast %broadcast_in_dim3A_25 : vector<256x1xi32> to vector<256x1024xi32>
    %eq3A_26 = arith.cmpi eq, %iota3A, %eq3A : vector<256x1024xi32>
    %convert_element_type3A_27 = arith.extui %eq3A_26 : vector<256x1024xi1> to vector<256x1024xi32>
    %convert_element_type3A_28 = arith.sitofp %convert_element_type3A_27 : vector<256x1024xi32> to vector<256x1024xf32>
    %sub3A_29 = arith.constant 1.000000e+00 : f32
    %sub3A_30 = vector.broadcast %sub3A_29 : f32 to vector<256x1024xf32>
    %sub3A_31 = arith.subf %sub3A_30, %convert_element_type3A_28 : vector<256x1024xf32>
    %mul3A = arith.mulf %div3A_17, %sub3A_31 : vector<256x1024xf32>
    %reduce_max3A_32 = arith.constant dense<0xFF800000> : vector<256xf32>
    %reduce_max3A_33 = vector.multi_reduction <maximumf>, %mul3A, %reduce_max3A_32 [1] : vector<256x1024xf32> to vector<256xf32>
    %broadcast_in_dim3A_34 = vector.shape_cast %reduce_max3A_33 : vector<256xf32> to vector<256x1xf32>
    %ge3A_35 = vector.broadcast %broadcast_in_dim3A_34 : vector<256x1xf32> to vector<256x1024xf32>
    %ge3A_36 = arith.cmpf oge, %mul3A, %ge3A_35 : vector<256x1024xf32>
    %jit3A_37 = arith.constant 1024 : i32
    %broadcast_in_dim3A_38 = vector.broadcast %jit3A_37 : i32 to vector<256x1024xi32>
    %select_n3A_39 = arith.select %ge3A_36, %iota3A, %broadcast_in_dim3A_38 : vector<256x1024xi1>, vector<256x1024xi32>
    %reduce_min3A_40 = arith.constant dense<2147483647> : vector<256xi32>
    %reduce_min3A_41 = vector.multi_reduction <minsi>, %select_n3A_39, %reduce_min3A_40 [1] : vector<256x1024xi32> to vector<256xi32>
    %broadcast_in_dim3A_42 = vector.shape_cast %reduce_min3A_41 : vector<256xi32> to vector<256x1xi32>
    %eq3A_43 = vector.broadcast %broadcast_in_dim3A_42 : vector<256x1xi32> to vector<256x1024xi32>
    %eq3A_44 = arith.cmpi eq, %iota3A, %eq3A_43 : vector<256x1024xi32>
    %convert_element_type3A_45 = arith.extui %eq3A_44 : vector<256x1024xi1> to vector<256x1024xi32>
    %convert_element_type3A_46 = arith.sitofp %convert_element_type3A_45 : vector<256x1024xi32> to vector<256x1024xf32>
    %add3A = arith.addf %broadcast_in_dim3A_20, %broadcast_in_dim3A_34 : vector<256x1xf32>
    %add3A_47 = arith.constant 9.99999971E-10 : f32
    %add3A_48 = vector.broadcast %add3A_47 : f32 to vector<256x1xf32>
    %add3A_49 = arith.addf %add3A, %add3A_48 : vector<256x1xf32>
    %div3A_50 = arith.divf %broadcast_in_dim3A_20, %add3A_49 : vector<256x1xf32>
    %div3A_51 = arith.divf %broadcast_in_dim3A_34, %add3A_49 : vector<256x1xf32>
    %reduce_sum3A_52 = arith.constant dense<0.000000e+00> : vector<1024xf32>
    %reduce_sum3A_53 = vector.multi_reduction <add>, %convert_element_type3A_28, %reduce_sum3A_52 [0] : vector<256x1024xf32> to vector<1024xf32>
    %broadcast_in_dim3A_54 = vector.shape_cast %reduce_sum3A_53 : vector<1024xf32> to vector<1x1024xf32>
    %mul3A_55 = arith.constant 3.906250e-03 : f32
    %mul3A_56 = vector.broadcast %mul3A_55 : f32 to vector<1x1024xf32>
    %mul3A_57 = arith.mulf %broadcast_in_dim3A_54, %mul3A_56 : vector<1x1024xf32>
    %reduce_sum3A_58 = arith.constant dense<0.000000e+00> : vector<1024xf32>
    %reduce_sum3A_59 = vector.multi_reduction <add>, %div3A_17, %reduce_sum3A_58 [0] : vector<256x1024xf32> to vector<1024xf32>
    %broadcast_in_dim3A_60 = vector.shape_cast %reduce_sum3A_59 : vector<1024xf32> to vector<1x1024xf32>
    %mul3A_61 = arith.constant 3.906250e-03 : f32
    %mul3A_62 = vector.broadcast %mul3A_61 : f32 to vector<1x1024xf32>
    %mul3A_63 = arith.mulf %broadcast_in_dim3A_60, %mul3A_62 : vector<1x1024xf32>
    %transpose3A = tpu.transpose %mul3A_57, [1, 0] : vector<1x1024xf32> -> vector<1024x1xf32>
    %dot_general3A_64 = arith.constant dense<0.000000e+00> : vector<1x1xf32>
    %dot_general3A_65 = tpu.matmul %mul3A_63, %transpose3A, %dot_general3A_64 {dimension_numbers = #tpu.dot_dimension_numbers<[1], [0], [0], [1], [0, 0, 1, 1], [], []>, transpose_lhs_hint = false} : vector<1x1024xf32>, vector<1024x1xf32>, vector<1x1xf32> -> vector<1x1xf32>
    %add3A_66 = arith.addf %broadcast_in_dim3A_3, %dot_general3A_65 : vector<1x1xf32>
    %dot_general3A_67 = arith.constant dense<0.000000e+00> : vector<256x1024xf32>
    %dot_general3A_68 = tpu.matmul %convert_element_type3A_2, %convert_element_type3A_28, %dot_general3A_67 {dimension_numbers = #tpu.dot_dimension_numbers<[1], [0], [0], [1], [0, 0, 1, 1], [], []>, transpose_lhs_hint = false} : vector<256x256xf32>, vector<256x1024xf32>, vector<256x1024xf32> -> vector<256x1024xf32>
    %sub3A_69 = arith.subf %dot_general3A_68, %convert_element_type3A_28 : vector<256x1024xf32>
    %mul3A_70 = arith.mulf %sub3A_69, %convert_element_type3A_28 : vector<256x1024xf32>
    %reduce_sum3A_71 = arith.constant dense<0.000000e+00> : vector<256xf32>
    %reduce_sum3A_72 = vector.multi_reduction <add>, %mul3A_70, %reduce_sum3A_71 [1] : vector<256x1024xf32> to vector<256xf32>
    %broadcast_in_dim3A_73 = vector.shape_cast %reduce_sum3A_72 : vector<256xf32> to vector<256x1xf32>
    %lt3A = arith.constant 4.000000e+00 : f32
    %lt3A_74 = vector.broadcast %lt3A : f32 to vector<256x1024xf32>
    %lt3A_75 = arith.cmpf olt, %mul3A_70, %lt3A_74 : vector<256x1024xf32>
    %convert_element_type3A_76 = arith.extui %lt3A_75 : vector<256x1024xi1> to vector<256x1024xi32>
    %convert_element_type3A_77 = arith.sitofp %convert_element_type3A_76 : vector<256x1024xi32> to vector<256x1024xf32>
    %mul3A_78 = arith.mulf %convert_element_type3A_28, %convert_element_type3A_77 : vector<256x1024xf32>
    %reduce_sum3A_79 = arith.constant dense<0.000000e+00> : vector<1024xf32>
    %reduce_sum3A_80 = vector.multi_reduction <add>, %mul3A_78, %reduce_sum3A_79 [0] : vector<256x1024xf32> to vector<1024xf32>
    %broadcast_in_dim3A_81 = vector.shape_cast %reduce_sum3A_80 : vector<1024xf32> to vector<1x1024xf32>
    %reduce_sum3A_82 = arith.constant dense<0.000000e+00> : vector<256xf32>
    %reduce_sum3A_83 = vector.multi_reduction <add>, %mul3A_78, %reduce_sum3A_82 [1] : vector<256x1024xf32> to vector<256xf32>
    %broadcast_in_dim3A_84 = vector.shape_cast %reduce_sum3A_83 : vector<256xf32> to vector<256x1xf32>
    %mul3A_85 = arith.mulf %div3A_50, %broadcast_in_dim3A_84 : vector<256x1xf32>
    %dot_general3A_86 = arith.constant dense<0.000000e+00> : vector<256x1024xf32>
    %dot_general3A_87 = tpu.matmul %convert_element_type3A_2, %convert_element_type3A_46, %dot_general3A_86 {dimension_numbers = #tpu.dot_dimension_numbers<[1], [0], [0], [1], [0, 0, 1, 1], [], []>, transpose_lhs_hint = false} : vector<256x256xf32>, vector<256x1024xf32>, vector<256x1024xf32> -> vector<256x1024xf32>
    %sub3A_88 = arith.subf %dot_general3A_87, %convert_element_type3A_46 : vector<256x1024xf32>
    %add3A_89 = vector.broadcast %broadcast_in_dim3A_81 : vector<1x1024xf32> to vector<256x1024xf32>
    %add3A_90 = arith.addf %sub3A_88, %add3A_89 : vector<256x1024xf32>
    %mul3A_91 = arith.mulf %add3A_90, %convert_element_type3A_46 : vector<256x1024xf32>
    %lt3A_92 = arith.constant 4.000000e+00 : f32
    %lt3A_93 = vector.broadcast %lt3A_92 : f32 to vector<256x1024xf32>
    %lt3A_94 = arith.cmpf olt, %mul3A_91, %lt3A_93 : vector<256x1024xf32>
    %convert_element_type3A_95 = arith.extui %lt3A_94 : vector<256x1024xi1> to vector<256x1024xi32>
    %convert_element_type3A_96 = arith.sitofp %convert_element_type3A_95 : vector<256x1024xi32> to vector<256x1024xf32>
    %mul3A_97 = arith.mulf %convert_element_type3A_46, %convert_element_type3A_96 : vector<256x1024xf32>
    %reduce_sum3A_98 = arith.constant dense<0.000000e+00> : vector<256xf32>
    %reduce_sum3A_99 = vector.multi_reduction <add>, %mul3A_97, %reduce_sum3A_98 [1] : vector<256x1024xf32> to vector<256xf32>
    %broadcast_in_dim3A_100 = vector.shape_cast %reduce_sum3A_99 : vector<256xf32> to vector<256x1xf32>
    %reduce_sum3A_101 = arith.constant dense<0.000000e+00> : vector<256xf32>
    %reduce_sum3A_102 = vector.multi_reduction <add>, %mul3A_91, %reduce_sum3A_101 [1] : vector<256x1024xf32> to vector<256xf32>
    %broadcast_in_dim3A_103 = vector.shape_cast %reduce_sum3A_102 : vector<256xf32> to vector<256x1xf32>
    %mul3A_104 = arith.mulf %div3A_51, %broadcast_in_dim3A_100 : vector<256x1xf32>
    %mul3A_105 = arith.constant 16 : i32
    %mul3A_106 = vector.broadcast %mul3A_105 : i32 to vector<256x1xi32>
    %mul3A_107 = arith.muli %broadcast_in_dim3A_25, %mul3A_106 : vector<256x1xi32>
    %add3A_108 = arith.constant 0 : i32
    %add3A_109 = vector.broadcast %add3A_108 : i32 to vector<256x1xi32>
    %add3A_110 = arith.addi %mul3A_107, %add3A_109 : vector<256x1xi32>
    %convert_element_type3A_111 = arith.fptosi %broadcast_in_dim3A_73 : vector<256x1xf32> to vector<256x1xi32>
    %add3A_112 = arith.addi %add3A_110, %convert_element_type3A_111 : vector<256x1xi32>
    %mul3A_113 = arith.constant 16 : i32
    %mul3A_114 = vector.broadcast %mul3A_113 : i32 to vector<256x1xi32>
    %mul3A_115 = arith.muli %broadcast_in_dim3A_42, %mul3A_114 : vector<256x1xi32>
    %add3A_116 = arith.constant 0 : i32
    %add3A_117 = vector.broadcast %add3A_116 : i32 to vector<256x1xi32>
    %add3A_118 = arith.addi %mul3A_115, %add3A_117 : vector<256x1xi32>
    %convert_element_type3A_119 = arith.fptosi %broadcast_in_dim3A_103 : vector<256x1xf32> to vector<256x1xi32>
    %add3A_120 = arith.addi %add3A_118, %convert_element_type3A_119 : vector<256x1xi32>
    %ne3A = arith.constant 0.000000e+00 : f32
    %ne3A_121 = vector.broadcast %ne3A : f32 to vector<256x1xf32>
    %ne3A_122 = arith.cmpf one, %mul3A_85, %ne3A_121 : vector<256x1xf32>
    %ne3A_123 = arith.constant 0.000000e+00 : f32
    %ne3A_124 = vector.broadcast %ne3A_123 : f32 to vector<256x1xf32>
    %ne3A_125 = arith.cmpf one, %mul3A_104, %ne3A_124 : vector<256x1xf32>
    %jit3A_126 = arith.constant 16384 : i32
    %broadcast_in_dim3A_127 = vector.broadcast %jit3A_126 : i32 to vector<256x1xi32>
    %select_n3A_128 = arith.select %ne3A_122, %add3A_112, %broadcast_in_dim3A_127 : vector<256x1xi1>, vector<256x1xi32>
    %jit3A_129 = arith.constant 16384 : i32
    %broadcast_in_dim3A_130 = vector.broadcast %jit3A_129 : i32 to vector<256x1xi32>
    %select_n3A_131 = arith.select %ne3A_125, %add3A_120, %broadcast_in_dim3A_130 : vector<256x1xi1>, vector<256x1xi32>
    %reshape3A = vector.shape_cast %select_n3A_128 : vector<256x1xi32> to vector<1x256xi32>
    %swap3A = arith.constant 0 : index
    %swap3A_132 = arith.constant 0 : index
    %swap3A_133 = arith.constant 0 : index
    %swap3A_134 = vector.load %arg2[%swap3A, %swap3A_132, %swap3A_133] : memref<4x1x256xi32, #tpu.memory_space<vmem>>, vector<1x1x256xi32>
    %swap3A_135 = vector.shape_cast %swap3A_134 : vector<1x1x256xi32> to vector<1x256xi32>
    %swap3A_136 = vector.shape_cast %reshape3A : vector<1x256xi32> to vector<1x1x256xi32>
    tpu.vector_store %arg2[%swap3A, %swap3A_132, %swap3A_133], %swap3A_136 {strides = array<i32>} : memref<4x1x256xi32, #tpu.memory_space<vmem>>, vector<1x1x256xi32>,
    %reshape3A_137 = vector.shape_cast %select_n3A_131 : vector<256x1xi32> to vector<1x256xi32>
    %swap3A_138 = arith.constant 0 : index
    %swap3A_139 = arith.constant 0 : index
    %swap3A_140 = arith.constant 0 : index
    %swap3A_141 = vector.load %arg3[%swap3A_138, %swap3A_139, %swap3A_140] : memref<4x1x256xi32, #tpu.memory_space<vmem>>, vector<1x1x256xi32>
    %swap3A_142 = vector.shape_cast %swap3A_141 : vector<1x1x256xi32> to vector<1x256xi32>
    %swap3A_143 = vector.shape_cast %reshape3A_137 : vector<1x256xi32> to vector<1x1x256xi32>
    tpu.vector_store %arg3[%swap3A_138, %swap3A_139, %swap3A_140], %swap3A_143 {strides = array<i32>} : memref<4x1x256xi32, #tpu.memory_space<vmem>>, vector<1x1x256xi32>,
    %min3A = arith.constant 16383 : i32
    %min3A_144 = vector.broadcast %min3A : i32 to vector<256x1xi32>
    %min3A_145 = arith.minsi %select_n3A_128, %min3A_144 : vector<256x1xi32>
    %reshape3A_146 = vector.shape_cast %min3A_145 : vector<256x1xi32> to vector<1x256xi32>
    %swap3A_147 = arith.constant 0 : index
    %swap3A_148 = arith.constant 0 : index
    %swap3A_149 = arith.constant 0 : index
    %swap3A_150 = vector.load %arg4[%swap3A_147, %swap3A_148, %swap3A_149] : memref<4x1x256xi32, #tpu.memory_space<vmem>>, vector<1x1x256xi32>
    %swap3A_151 = vector.shape_cast %swap3A_150 : vector<1x1x256xi32> to vector<1x256xi32>
    %swap3A_152 = vector.shape_cast %reshape3A_146 : vector<1x256xi32> to vector<1x1x256xi32>
    tpu.vector_store %arg4[%swap3A_147, %swap3A_148, %swap3A_149], %swap3A_152 {strides = array<i32>} : memref<4x1x256xi32, #tpu.memory_space<vmem>>, vector<1x1x256xi32>,
    %min3A_153 = arith.constant 16383 : i32
    %min3A_154 = vector.broadcast %min3A_153 : i32 to vector<256x1xi32>
    %min3A_155 = arith.minsi %select_n3A_131, %min3A_154 : vector<256x1xi32>
    %reshape3A_156 = vector.shape_cast %min3A_155 : vector<256x1xi32> to vector<1x256xi32>
    %swap3A_157 = arith.constant 0 : index
    %swap3A_158 = arith.constant 0 : index
    %swap3A_159 = arith.constant 0 : index
    %swap3A_160 = vector.load %arg5[%swap3A_157, %swap3A_158, %swap3A_159] : memref<4x1x256xi32, #tpu.memory_space<vmem>>, vector<1x1x256xi32>
    %swap3A_161 = vector.shape_cast %swap3A_160 : vector<1x1x256xi32> to vector<1x256xi32>
    %swap3A_162 = vector.shape_cast %reshape3A_156 : vector<1x256xi32> to vector<1x1x256xi32>
    tpu.vector_store %arg5[%swap3A_157, %swap3A_158, %swap3A_159], %swap3A_162 {strides = array<i32>} : memref<4x1x256xi32, #tpu.memory_space<vmem>>, vector<1x1x256xi32>,
    %reshape3A_163 = vector.shape_cast %mul3A_85 : vector<256x1xf32> to vector<1x256xf32>
    %swap3A_164 = arith.constant 0 : index
    %swap3A_165 = arith.constant 0 : index
    %swap3A_166 = arith.constant 0 : index
    %swap3A_167 = vector.load %arg6[%swap3A_164, %swap3A_165, %swap3A_166] : memref<4x1x256xf32, #tpu.memory_space<vmem>>, vector<1x1x256xf32>
    %swap3A_168 = vector.shape_cast %swap3A_167 : vector<1x1x256xf32> to vector<1x256xf32>
    %swap3A_169 = vector.shape_cast %reshape3A_163 : vector<1x256xf32> to vector<1x1x256xf32>
    tpu.vector_store %arg6[%swap3A_164, %swap3A_165, %swap3A_166], %swap3A_169 {strides = array<i32>} : memref<4x1x256xf32, #tpu.memory_space<vmem>>, vector<1x1x256xf32>,
    %reshape3A_170 = vector.shape_cast %mul3A_104 : vector<256x1xf32> to vector<1x256xf32>
    %swap3A_171 = arith.constant 0 : index
    %swap3A_172 = arith.constant 0 : index
    %swap3A_173 = arith.constant 0 : index
    %swap3A_174 = vector.load %arg7[%swap3A_171, %swap3A_172, %swap3A_173] : memref<4x1x256xf32, #tpu.memory_space<vmem>>, vector<1x1x256xf32>
    %swap3A_175 = vector.shape_cast %swap3A_174 : vector<1x1x256xf32> to vector<1x256xf32>
    %swap3A_176 = vector.shape_cast %reshape3A_170 : vector<1x256xf32> to vector<1x1x256xf32>
    tpu.vector_store %arg7[%swap3A_171, %swap3A_172, %swap3A_173], %swap3A_176 {strides = array<i32>} : memref<4x1x256xf32, #tpu.memory_space<vmem>>, vector<1x1x256xf32>,
    %get3A_177 = arith.constant 1 : index
    %get3A_178 = arith.constant 0 : index
    %get3A_179 = arith.constant 0 : index
    %get3A_180 = vector.load %arg0[%get3A_177, %get3A_178, %get3A_179] : memref<4x256x512xf32, #tpu.memory_space<vmem>>, vector<1x256x512xf32>
    %get3A_181 = vector.shape_cast %get3A_180 : vector<1x256x512xf32> to vector<256x512xf32>
    %get3A_182 = arith.constant 0 : index
    %get3A_183 = arith.constant 0 : index
    %get3A_184 = vector.load %arg1[%get3A_182, %get3A_183] : memref<512x1024xf32, #tpu.memory_space<vmem>>, vector<512x1024xf32>
    %dot_general3A_185 = arith.constant dense<0.000000e+00> : vector<256x1024xf32>
    %dot_general3A_186 = tpu.matmul %get3A_181, %get3A_184, %dot_general3A_185 {dimension_numbers = #tpu.dot_dimension_numbers<[1], [0], [0], [1], [0, 0, 1, 1], [], []>, transpose_lhs_hint = false} : vector<256x512xf32>, vector<512x1024xf32>, vector<256x1024xf32> -> vector<256x1024xf32>
    %reduce_max3A_187 = arith.constant dense<0xFF800000> : vector<256xf32>
    %reduce_max3A_188 = vector.multi_reduction <maximumf>, %dot_general3A_186, %reduce_max3A_187 [1] : vector<256x1024xf32> to vector<256xf32>
    %broadcast_in_dim3A_189 = vector.shape_cast %reduce_max3A_188 : vector<256xf32> to vector<256x1xf32>
    %sub3A_190 = vector.broadcast %broadcast_in_dim3A_189 : vector<256x1xf32> to vector<256x1024xf32>
    %sub3A_191 = arith.subf %dot_general3A_186, %sub3A_190 : vector<256x1024xf32>
    %exp3A_192 = math.exp %sub3A_191 : vector<256x1024xf32>
    %reduce_sum3A_193 = arith.constant dense<0.000000e+00> : vector<256xf32>
    %reduce_sum3A_194 = vector.multi_reduction <add>, %exp3A_192, %reduce_sum3A_193 [1] : vector<256x1024xf32> to vector<256xf32>
    %broadcast_in_dim3A_195 = vector.shape_cast %reduce_sum3A_194 : vector<256xf32> to vector<256x1xf32>
    %div3A_196 = vector.broadcast %broadcast_in_dim3A_195 : vector<256x1xf32> to vector<256x1024xf32>
    %div3A_197 = arith.divf %exp3A_192, %div3A_196 : vector<256x1024xf32>
    %reduce_max3A_198 = arith.constant dense<0xFF800000> : vector<256xf32>
    %reduce_max3A_199 = vector.multi_reduction <maximumf>, %div3A_197, %reduce_max3A_198 [1] : vector<256x1024xf32> to vector<256xf32>
    %broadcast_in_dim3A_200 = vector.shape_cast %reduce_max3A_199 : vector<256xf32> to vector<256x1xf32>
    %ge3A_201 = vector.broadcast %broadcast_in_dim3A_200 : vector<256x1xf32> to vector<256x1024xf32>
    %ge3A_202 = arith.cmpf oge, %div3A_197, %ge3A_201 : vector<256x1024xf32>
    %jit3A_203 = arith.constant 1024 : i32
    %broadcast_in_dim3A_204 = vector.broadcast %jit3A_203 : i32 to vector<256x1024xi32>
    %select_n3A_205 = arith.select %ge3A_202, %iota3A, %broadcast_in_dim3A_204 : vector<256x1024xi1>, vector<256x1024xi32>
    %reduce_min3A_206 = arith.constant dense<2147483647> : vector<256xi32>
    %reduce_min3A_207 = vector.multi_reduction <minsi>, %select_n3A_205, %reduce_min3A_206 [1] : vector<256x1024xi32> to vector<256xi32>
    %broadcast_in_dim3A_208 = vector.shape_cast %reduce_min3A_207 : vector<256xi32> to vector<256x1xi32>
    %eq3A_209 = vector.broadcast %broadcast_in_dim3A_208 : vector<256x1xi32> to vector<256x1024xi32>
    %eq3A_210 = arith.cmpi eq, %iota3A, %eq3A_209 : vector<256x1024xi32>
    %convert_element_type3A_211 = arith.extui %eq3A_210 : vector<256x1024xi1> to vector<256x1024xi32>
    %convert_element_type3A_212 = arith.sitofp %convert_element_type3A_211 : vector<256x1024xi32> to vector<256x1024xf32>
    %sub3A_213 = arith.constant 1.000000e+00 : f32
    %sub3A_214 = vector.broadcast %sub3A_213 : f32 to vector<256x1024xf32>
    %sub3A_215 = arith.subf %sub3A_214, %convert_element_type3A_212 : vector<256x1024xf32>
    %mul3A_216 = arith.mulf %div3A_197, %sub3A_215 : vector<256x1024xf32>
    %reduce_max3A_217 = arith.constant dense<0xFF800000> : vector<256xf32>
    %reduce_max3A_218 = vector.multi_reduction <maximumf>, %mul3A_216, %reduce_max3A_217 [1] : vector<256x1024xf32> to vector<256xf32>
    %broadcast_in_dim3A_219 = vector.shape_cast %reduce_max3A_218 : vector<256xf32> to vector<256x1xf32>
    %ge3A_220 = vector.broadcast %broadcast_in_dim3A_219 : vector<256x1xf32> to vector<256x1024xf32>
    %ge3A_221 = arith.cmpf oge, %mul3A_216, %ge3A_220 : vector<256x1024xf32>
    %jit3A_222 = arith.constant 1024 : i32
    %broadcast_in_dim3A_223 = vector.broadcast %jit3A_222 : i32 to vector<256x1024xi32>
    %select_n3A_224 = arith.select %ge3A_221, %iota3A, %broadcast_in_dim3A_223 : vector<256x1024xi1>, vector<256x1024xi32>
    %reduce_min3A_225 = arith.constant dense<2147483647> : vector<256xi32>
    %reduce_min3A_226 = vector.multi_reduction <minsi>, %select_n3A_224, %reduce_min3A_225 [1] : vector<256x1024xi32> to vector<256xi32>
    %broadcast_in_dim3A_227 = vector.shape_cast %reduce_min3A_226 : vector<256xi32> to vector<256x1xi32>
    %eq3A_228 = vector.broadcast %broadcast_in_dim3A_227 : vector<256x1xi32> to vector<256x1024xi32>
    %eq3A_229 = arith.cmpi eq, %iota3A, %eq3A_228 : vector<256x1024xi32>
    %convert_element_type3A_230 = arith.extui %eq3A_229 : vector<256x1024xi1> to vector<256x1024xi32>
    %convert_element_type3A_231 = arith.sitofp %convert_element_type3A_230 : vector<256x1024xi32> to vector<256x1024xf32>
    %add3A_232 = arith.addf %broadcast_in_dim3A_200, %broadcast_in_dim3A_219 : vector<256x1xf32>
    %add3A_233 = arith.constant 9.99999971E-10 : f32
    %add3A_234 = vector.broadcast %add3A_233 : f32 to vector<256x1xf32>
    %add3A_235 = arith.addf %add3A_232, %add3A_234 : vector<256x1xf32>
    %div3A_236 = arith.divf %broadcast_in_dim3A_200, %add3A_235 : vector<256x1xf32>
    %div3A_237 = arith.divf %broadcast_in_dim3A_219, %add3A_235 : vector<256x1xf32>
    %reduce_sum3A_238 = arith.constant dense<0.000000e+00> : vector<1024xf32>
    %reduce_sum3A_239 = vector.multi_reduction <add>, %convert_element_type3A_212, %reduce_sum3A_238 [0] : vector<256x1024xf32> to vector<1024xf32>
    %broadcast_in_dim3A_240 = vector.shape_cast %reduce_sum3A_239 : vector<1024xf32> to vector<1x1024xf32>
    %mul3A_241 = arith.constant 3.906250e-03 : f32
    %mul3A_242 = vector.broadcast %mul3A_241 : f32 to vector<1x1024xf32>
    %mul3A_243 = arith.mulf %broadcast_in_dim3A_240, %mul3A_242 : vector<1x1024xf32>
    %reduce_sum3A_244 = arith.constant dense<0.000000e+00> : vector<1024xf32>
    %reduce_sum3A_245 = vector.multi_reduction <add>, %div3A_197, %reduce_sum3A_244 [0] : vector<256x1024xf32> to vector<1024xf32>
    %broadcast_in_dim3A_246 = vector.shape_cast %reduce_sum3A_245 : vector<1024xf32> to vector<1x1024xf32>
    %mul3A_247 = arith.constant 3.906250e-03 : f32
    %mul3A_248 = vector.broadcast %mul3A_247 : f32 to vector<1x1024xf32>
    %mul3A_249 = arith.mulf %broadcast_in_dim3A_246, %mul3A_248 : vector<1x1024xf32>
    %transpose3A_250 = tpu.transpose %mul3A_243, [1, 0] : vector<1x1024xf32> -> vector<1024x1xf32>
    %dot_general3A_251 = arith.constant dense<0.000000e+00> : vector<1x1xf32>
    %dot_general3A_252 = tpu.matmul %mul3A_249, %transpose3A_250, %dot_general3A_251 {dimension_numbers = #tpu.dot_dimension_numbers<[1], [0], [0], [1], [0, 0, 1, 1], [], []>, transpose_lhs_hint = false} : vector<1x1024xf32>, vector<1024x1xf32>, vector<1x1xf32> -> vector<1x1xf32>
    %add3A_253 = arith.addf %add3A_66, %dot_general3A_252 : vector<1x1xf32>
    %dot_general3A_254 = arith.constant dense<0.000000e+00> : vector<256x1024xf32>
    %dot_general3A_255 = tpu.matmul %convert_element_type3A_2, %convert_element_type3A_212, %dot_general3A_254 {dimension_numbers = #tpu.dot_dimension_numbers<[1], [0], [0], [1], [0, 0, 1, 1], [], []>, transpose_lhs_hint = false} : vector<256x256xf32>, vector<256x1024xf32>, vector<256x1024xf32> -> vector<256x1024xf32>
    %sub3A_256 = arith.subf %dot_general3A_255, %convert_element_type3A_212 : vector<256x1024xf32>
    %mul3A_257 = arith.mulf %sub3A_256, %convert_element_type3A_212 : vector<256x1024xf32>
    %reduce_sum3A_258 = arith.constant dense<0.000000e+00> : vector<256xf32>
    %reduce_sum3A_259 = vector.multi_reduction <add>, %mul3A_257, %reduce_sum3A_258 [1] : vector<256x1024xf32> to vector<256xf32>
    %broadcast_in_dim3A_260 = vector.shape_cast %reduce_sum3A_259 : vector<256xf32> to vector<256x1xf32>
    %lt3A_261 = arith.constant 4.000000e+00 : f32
    %lt3A_262 = vector.broadcast %lt3A_261 : f32 to vector<256x1024xf32>
    %lt3A_263 = arith.cmpf olt, %mul3A_257, %lt3A_262 : vector<256x1024xf32>
    %convert_element_type3A_264 = arith.extui %lt3A_263 : vector<256x1024xi1> to vector<256x1024xi32>
    %convert_element_type3A_265 = arith.sitofp %convert_element_type3A_264 : vector<256x1024xi32> to vector<256x1024xf32>
    %mul3A_266 = arith.mulf %convert_element_type3A_212, %convert_element_type3A_265 : vector<256x1024xf32>
    %reduce_sum3A_267 = arith.constant dense<0.000000e+00> : vector<1024xf32>
    %reduce_sum3A_268 = vector.multi_reduction <add>, %mul3A_266, %reduce_sum3A_267 [0] : vector<256x1024xf32> to vector<1024xf32>
    %broadcast_in_dim3A_269 = vector.shape_cast %reduce_sum3A_268 : vector<1024xf32> to vector<1x1024xf32>
    %reduce_sum3A_270 = arith.constant dense<0.000000e+00> : vector<256xf32>
    %reduce_sum3A_271 = vector.multi_reduction <add>, %mul3A_266, %reduce_sum3A_270 [1] : vector<256x1024xf32> to vector<256xf32>
    %broadcast_in_dim3A_272 = vector.shape_cast %reduce_sum3A_271 : vector<256xf32> to vector<256x1xf32>
    %mul3A_273 = arith.mulf %div3A_236, %broadcast_in_dim3A_272 : vector<256x1xf32>
    %dot_general3A_274 = arith.constant dense<0.000000e+00> : vector<256x1024xf32>
    %dot_general3A_275 = tpu.matmul %convert_element_type3A_2, %convert_element_type3A_231, %dot_general3A_274 {dimension_numbers = #tpu.dot_dimension_numbers<[1], [0], [0], [1], [0, 0, 1, 1], [], []>, transpose_lhs_hint = false} : vector<256x256xf32>, vector<256x1024xf32>, vector<256x1024xf32> -> vector<256x1024xf32>
    %sub3A_276 = arith.subf %dot_general3A_275, %convert_element_type3A_231 : vector<256x1024xf32>
    %add3A_277 = vector.broadcast %broadcast_in_dim3A_269 : vector<1x1024xf32> to vector<256x1024xf32>
    %add3A_278 = arith.addf %sub3A_276, %add3A_277 : vector<256x1024xf32>
    %mul3A_279 = arith.mulf %add3A_278, %convert_element_type3A_231 : vector<256x1024xf32>
    %lt3A_280 = arith.constant 4.000000e+00 : f32
    %lt3A_281 = vector.broadcast %lt3A_280 : f32 to vector<256x1024xf32>
    %lt3A_282 = arith.cmpf olt, %mul3A_279, %lt3A_281 : vector<256x1024xf32>
    %convert_element_type3A_283 = arith.extui %lt3A_282 : vector<256x1024xi1> to vector<256x1024xi32>
    %convert_element_type3A_284 = arith.sitofp %convert_element_type3A_283 : vector<256x1024xi32> to vector<256x1024xf32>
    %mul3A_285 = arith.mulf %convert_element_type3A_231, %convert_element_type3A_284 : vector<256x1024xf32>
    %reduce_sum3A_286 = arith.constant dense<0.000000e+00> : vector<256xf32>
    %reduce_sum3A_287 = vector.multi_reduction <add>, %mul3A_285, %reduce_sum3A_286 [1] : vector<256x1024xf32> to vector<256xf32>
    %broadcast_in_dim3A_288 = vector.shape_cast %reduce_sum3A_287 : vector<256xf32> to vector<256x1xf32>
    %reduce_sum3A_289 = arith.constant dense<0.000000e+00> : vector<256xf32>
    %reduce_sum3A_290 = vector.multi_reduction <add>, %mul3A_279, %reduce_sum3A_289 [1] : vector<256x1024xf32> to vector<256xf32>
    %broadcast_in_dim3A_291 = vector.shape_cast %reduce_sum3A_290 : vector<256xf32> to vector<256x1xf32>
    %mul3A_292 = arith.mulf %div3A_237, %broadcast_in_dim3A_288 : vector<256x1xf32>
    %mul3A_293 = arith.constant 16 : i32
    %mul3A_294 = vector.broadcast %mul3A_293 : i32 to vector<256x1xi32>
    %mul3A_295 = arith.muli %broadcast_in_dim3A_208, %mul3A_294 : vector<256x1xi32>
    %add3A_296 = arith.constant 4 : i32
    %add3A_297 = vector.broadcast %add3A_296 : i32 to vector<256x1xi32>
    %add3A_298 = arith.addi %mul3A_295, %add3A_297 : vector<256x1xi32>
    %convert_element_type3A_299 = arith.fptosi %broadcast_in_dim3A_260 : vector<256x1xf32> to vector<256x1xi32>
    %add3A_300 = arith.addi %add3A_298, %convert_element_type3A_299 : vector<256x1xi32>
    %mul3A_301 = arith.constant 16 : i32
    %mul3A_302 = vector.broadcast %mul3A_301 : i32 to vector<256x1xi32>
    %mul3A_303 = arith.muli %broadcast_in_dim3A_227, %mul3A_302 : vector<256x1xi32>
    %add3A_304 = arith.constant 4 : i32
    %add3A_305 = vector.broadcast %add3A_304 : i32 to vector<256x1xi32>
    %add3A_306 = arith.addi %mul3A_303, %add3A_305 : vector<256x1xi32>
    %convert_element_type3A_307 = arith.fptosi %broadcast_in_dim3A_291 : vector<256x1xf32> to vector<256x1xi32>
    %add3A_308 = arith.addi %add3A_306, %convert_element_type3A_307 : vector<256x1xi32>
    %ne3A_309 = arith.constant 0.000000e+00 : f32
    %ne3A_310 = vector.broadcast %ne3A_309 : f32 to vector<256x1xf32>
    %ne3A_311 = arith.cmpf one, %mul3A_273, %ne3A_310 : vector<256x1xf32>
    %ne3A_312 = arith.constant 0.000000e+00 : f32
    %ne3A_313 = vector.broadcast %ne3A_312 : f32 to vector<256x1xf32>
    %ne3A_314 = arith.cmpf one, %mul3A_292, %ne3A_313 : vector<256x1xf32>
    %jit3A_315 = arith.constant 16384 : i32
    %broadcast_in_dim3A_316 = vector.broadcast %jit3A_315 : i32 to vector<256x1xi32>
    %select_n3A_317 = arith.select %ne3A_311, %add3A_300, %broadcast_in_dim3A_316 : vector<256x1xi1>, vector<256x1xi32>
    %jit3A_318 = arith.constant 16384 : i32
    %broadcast_in_dim3A_319 = vector.broadcast %jit3A_318 : i32 to vector<256x1xi32>
    %select_n3A_320 = arith.select %ne3A_314, %add3A_308, %broadcast_in_dim3A_319 : vector<256x1xi1>, vector<256x1xi32>
    %reshape3A_321 = vector.shape_cast %select_n3A_317 : vector<256x1xi32> to vector<1x256xi32>
    %swap3A_322 = arith.constant 1 : index
    %swap3A_323 = arith.constant 0 : index
    %swap3A_324 = arith.constant 0 : index
    %swap3A_325 = vector.load %arg2[%swap3A_322, %swap3A_323, %swap3A_324] : memref<4x1x256xi32, #tpu.memory_space<vmem>>, vector<1x1x256xi32>
    %swap3A_326 = vector.shape_cast %swap3A_325 : vector<1x1x256xi32> to vector<1x256xi32>
    %swap3A_327 = vector.shape_cast %reshape3A_321 : vector<1x256xi32> to vector<1x1x256xi32>
    tpu.vector_store %arg2[%swap3A_322, %swap3A_323, %swap3A_324], %swap3A_327 {strides = array<i32>} : memref<4x1x256xi32, #tpu.memory_space<vmem>>, vector<1x1x256xi32>,
    %reshape3A_328 = vector.shape_cast %select_n3A_320 : vector<256x1xi32> to vector<1x256xi32>
    %swap3A_329 = arith.constant 1 : index
    %swap3A_330 = arith.constant 0 : index
    %swap3A_331 = arith.constant 0 : index
    %swap3A_332 = vector.load %arg3[%swap3A_329, %swap3A_330, %swap3A_331] : memref<4x1x256xi32, #tpu.memory_space<vmem>>, vector<1x1x256xi32>
    %swap3A_333 = vector.shape_cast %swap3A_332 : vector<1x1x256xi32> to vector<1x256xi32>
    %swap3A_334 = vector.shape_cast %reshape3A_328 : vector<1x256xi32> to vector<1x1x256xi32>
    tpu.vector_store %arg3[%swap3A_329, %swap3A_330, %swap3A_331], %swap3A_334 {strides = array<i32>} : memref<4x1x256xi32, #tpu.memory_space<vmem>>, vector<1x1x256xi32>,
    %min3A_335 = arith.constant 16383 : i32
    %min3A_336 = vector.broadcast %min3A_335 : i32 to vector<256x1xi32>
    %min3A_337 = arith.minsi %select_n3A_317, %min3A_336 : vector<256x1xi32>
    %reshape3A_338 = vector.shape_cast %min3A_337 : vector<256x1xi32> to vector<1x256xi32>
    %swap3A_339 = arith.constant 1 : index
    %swap3A_340 = arith.constant 0 : index
    %swap3A_341 = arith.constant 0 : index
    %swap3A_342 = vector.load %arg4[%swap3A_339, %swap3A_340, %swap3A_341] : memref<4x1x256xi32, #tpu.memory_space<vmem>>, vector<1x1x256xi32>
    %swap3A_343 = vector.shape_cast %swap3A_342 : vector<1x1x256xi32> to vector<1x256xi32>
    %swap3A_344 = vector.shape_cast %reshape3A_338 : vector<1x256xi32> to vector<1x1x256xi32>
    tpu.vector_store %arg4[%swap3A_339, %swap3A_340, %swap3A_341], %swap3A_344 {strides = array<i32>} : memref<4x1x256xi32, #tpu.memory_space<vmem>>, vector<1x1x256xi32>,
    %min3A_345 = arith.constant 16383 : i32
    %min3A_346 = vector.broadcast %min3A_345 : i32 to vector<256x1xi32>
    %min3A_347 = arith.minsi %select_n3A_320, %min3A_346 : vector<256x1xi32>
    %reshape3A_348 = vector.shape_cast %min3A_347 : vector<256x1xi32> to vector<1x256xi32>
    %swap3A_349 = arith.constant 1 : index
    %swap3A_350 = arith.constant 0 : index
    %swap3A_351 = arith.constant 0 : index
    %swap3A_352 = vector.load %arg5[%swap3A_349, %swap3A_350, %swap3A_351] : memref<4x1x256xi32, #tpu.memory_space<vmem>>, vector<1x1x256xi32>
    %swap3A_353 = vector.shape_cast %swap3A_352 : vector<1x1x256xi32> to vector<1x256xi32>
    %swap3A_354 = vector.shape_cast %reshape3A_348 : vector<1x256xi32> to vector<1x1x256xi32>
    tpu.vector_store %arg5[%swap3A_349, %swap3A_350, %swap3A_351], %swap3A_354 {strides = array<i32>} : memref<4x1x256xi32, #tpu.memory_space<vmem>>, vector<1x1x256xi32>,
    %reshape3A_355 = vector.shape_cast %mul3A_273 : vector<256x1xf32> to vector<1x256xf32>
    %swap3A_356 = arith.constant 1 : index
    %swap3A_357 = arith.constant 0 : index
    %swap3A_358 = arith.constant 0 : index
    %swap3A_359 = vector.load %arg6[%swap3A_356, %swap3A_357, %swap3A_358] : memref<4x1x256xf32, #tpu.memory_space<vmem>>, vector<1x1x256xf32>
    %swap3A_360 = vector.shape_cast %swap3A_359 : vector<1x1x256xf32> to vector<1x256xf32>
    %swap3A_361 = vector.shape_cast %reshape3A_355 : vector<1x256xf32> to vector<1x1x256xf32>
    tpu.vector_store %arg6[%swap3A_356, %swap3A_357, %swap3A_358], %swap3A_361 {strides = array<i32>} : memref<4x1x256xf32, #tpu.memory_space<vmem>>, vector<1x1x256xf32>,
    %reshape3A_362 = vector.shape_cast %mul3A_292 : vector<256x1xf32> to vector<1x256xf32>
    %swap3A_363 = arith.constant 1 : index
    %swap3A_364 = arith.constant 0 : index
    %swap3A_365 = arith.constant 0 : index
    %swap3A_366 = vector.load %arg7[%swap3A_363, %swap3A_364, %swap3A_365] : memref<4x1x256xf32, #tpu.memory_space<vmem>>, vector<1x1x256xf32>
    %swap3A_367 = vector.shape_cast %swap3A_366 : vector<1x1x256xf32> to vector<1x256xf32>
    %swap3A_368 = vector.shape_cast %reshape3A_362 : vector<1x256xf32> to vector<1x1x256xf32>
    tpu.vector_store %arg7[%swap3A_363, %swap3A_364, %swap3A_365], %swap3A_368 {strides = array<i32>} : memref<4x1x256xf32, #tpu.memory_space<vmem>>, vector<1x1x256xf32>,
    %get3A_369 = arith.constant 2 : index
    %get3A_370 = arith.constant 0 : index
    %get3A_371 = arith.constant 0 : index
    %get3A_372 = vector.load %arg0[%get3A_369, %get3A_370, %get3A_371] : memref<4x256x512xf32, #tpu.memory_space<vmem>>, vector<1x256x512xf32>
    %get3A_373 = vector.shape_cast %get3A_372 : vector<1x256x512xf32> to vector<256x512xf32>
    %get3A_374 = arith.constant 0 : index
    %get3A_375 = arith.constant 0 : index
    %get3A_376 = vector.load %arg1[%get3A_374, %get3A_375] : memref<512x1024xf32, #tpu.memory_space<vmem>>, vector<512x1024xf32>
    %dot_general3A_377 = arith.constant dense<0.000000e+00> : vector<256x1024xf32>
    %dot_general3A_378 = tpu.matmul %get3A_373, %get3A_376, %dot_general3A_377 {dimension_numbers = #tpu.dot_dimension_numbers<[1], [0], [0], [1], [0, 0, 1, 1], [], []>, transpose_lhs_hint = false} : vector<256x512xf32>, vector<512x1024xf32>, vector<256x1024xf32> -> vector<256x1024xf32>
    %reduce_max3A_379 = arith.constant dense<0xFF800000> : vector<256xf32>
    %reduce_max3A_380 = vector.multi_reduction <maximumf>, %dot_general3A_378, %reduce_max3A_379 [1] : vector<256x1024xf32> to vector<256xf32>
    %broadcast_in_dim3A_381 = vector.shape_cast %reduce_max3A_380 : vector<256xf32> to vector<256x1xf32>
    %sub3A_382 = vector.broadcast %broadcast_in_dim3A_381 : vector<256x1xf32> to vector<256x1024xf32>
    %sub3A_383 = arith.subf %dot_general3A_378, %sub3A_382 : vector<256x1024xf32>
    %exp3A_384 = math.exp %sub3A_383 : vector<256x1024xf32>
    %reduce_sum3A_385 = arith.constant dense<0.000000e+00> : vector<256xf32>
    %reduce_sum3A_386 = vector.multi_reduction <add>, %exp3A_384, %reduce_sum3A_385 [1] : vector<256x1024xf32> to vector<256xf32>
    %broadcast_in_dim3A_387 = vector.shape_cast %reduce_sum3A_386 : vector<256xf32> to vector<256x1xf32>
    %div3A_388 = vector.broadcast %broadcast_in_dim3A_387 : vector<256x1xf32> to vector<256x1024xf32>
    %div3A_389 = arith.divf %exp3A_384, %div3A_388 : vector<256x1024xf32>
    %reduce_max3A_390 = arith.constant dense<0xFF800000> : vector<256xf32>
    %reduce_max3A_391 = vector.multi_reduction <maximumf>, %div3A_389, %reduce_max3A_390 [1] : vector<256x1024xf32> to vector<256xf32>
    %broadcast_in_dim3A_392 = vector.shape_cast %reduce_max3A_391 : vector<256xf32> to vector<256x1xf32>
    %ge3A_393 = vector.broadcast %broadcast_in_dim3A_392 : vector<256x1xf32> to vector<256x1024xf32>
    %ge3A_394 = arith.cmpf oge, %div3A_389, %ge3A_393 : vector<256x1024xf32>
    %jit3A_395 = arith.constant 1024 : i32
    %broadcast_in_dim3A_396 = vector.broadcast %jit3A_395 : i32 to vector<256x1024xi32>
    %select_n3A_397 = arith.select %ge3A_394, %iota3A, %broadcast_in_dim3A_396 : vector<256x1024xi1>, vector<256x1024xi32>
    %reduce_min3A_398 = arith.constant dense<2147483647> : vector<256xi32>
    %reduce_min3A_399 = vector.multi_reduction <minsi>, %select_n3A_397, %reduce_min3A_398 [1] : vector<256x1024xi32> to vector<256xi32>
    %broadcast_in_dim3A_400 = vector.shape_cast %reduce_min3A_399 : vector<256xi32> to vector<256x1xi32>
    %eq3A_401 = vector.broadcast %broadcast_in_dim3A_400 : vector<256x1xi32> to vector<256x1024xi32>
    %eq3A_402 = arith.cmpi eq, %iota3A, %eq3A_401 : vector<256x1024xi32>
    %convert_element_type3A_403 = arith.extui %eq3A_402 : vector<256x1024xi1> to vector<256x1024xi32>
    %convert_element_type3A_404 = arith.sitofp %convert_element_type3A_403 : vector<256x1024xi32> to vector<256x1024xf32>
    %sub3A_405 = arith.constant 1.000000e+00 : f32
    %sub3A_406 = vector.broadcast %sub3A_405 : f32 to vector<256x1024xf32>
    %sub3A_407 = arith.subf %sub3A_406, %convert_element_type3A_404 : vector<256x1024xf32>
    %mul3A_408 = arith.mulf %div3A_389, %sub3A_407 : vector<256x1024xf32>
    %reduce_max3A_409 = arith.constant dense<0xFF800000> : vector<256xf32>
    %reduce_max3A_410 = vector.multi_reduction <maximumf>, %mul3A_408, %reduce_max3A_409 [1] : vector<256x1024xf32> to vector<256xf32>
    %broadcast_in_dim3A_411 = vector.shape_cast %reduce_max3A_410 : vector<256xf32> to vector<256x1xf32>
    %ge3A_412 = vector.broadcast %broadcast_in_dim3A_411 : vector<256x1xf32> to vector<256x1024xf32>
    %ge3A_413 = arith.cmpf oge, %mul3A_408, %ge3A_412 : vector<256x1024xf32>
    %jit3A_414 = arith.constant 1024 : i32
    %broadcast_in_dim3A_415 = vector.broadcast %jit3A_414 : i32 to vector<256x1024xi32>
    %select_n3A_416 = arith.select %ge3A_413, %iota3A, %broadcast_in_dim3A_415 : vector<256x1024xi1>, vector<256x1024xi32>
    %reduce_min3A_417 = arith.constant dense<2147483647> : vector<256xi32>
    %reduce_min3A_418 = vector.multi_reduction <minsi>, %select_n3A_416, %reduce_min3A_417 [1] : vector<256x1024xi32> to vector<256xi32>
    %broadcast_in_dim3A_419 = vector.shape_cast %reduce_min3A_418 : vector<256xi32> to vector<256x1xi32>
    %eq3A_420 = vector.broadcast %broadcast_in_dim3A_419 : vector<256x1xi32> to vector<256x1024xi32>
    %eq3A_421 = arith.cmpi eq, %iota3A, %eq3A_420 : vector<256x1024xi32>
    %convert_element_type3A_422 = arith.extui %eq3A_421 : vector<256x1024xi1> to vector<256x1024xi32>
    %convert_element_type3A_423 = arith.sitofp %convert_element_type3A_422 : vector<256x1024xi32> to vector<256x1024xf32>
    %add3A_424 = arith.addf %broadcast_in_dim3A_392, %broadcast_in_dim3A_411 : vector<256x1xf32>
    %add3A_425 = arith.constant 9.99999971E-10 : f32
    %add3A_426 = vector.broadcast %add3A_425 : f32 to vector<256x1xf32>
    %add3A_427 = arith.addf %add3A_424, %add3A_426 : vector<256x1xf32>
    %div3A_428 = arith.divf %broadcast_in_dim3A_392, %add3A_427 : vector<256x1xf32>
    %div3A_429 = arith.divf %broadcast_in_dim3A_411, %add3A_427 : vector<256x1xf32>
    %reduce_sum3A_430 = arith.constant dense<0.000000e+00> : vector<1024xf32>
    %reduce_sum3A_431 = vector.multi_reduction <add>, %convert_element_type3A_404, %reduce_sum3A_430 [0] : vector<256x1024xf32> to vector<1024xf32>
    %broadcast_in_dim3A_432 = vector.shape_cast %reduce_sum3A_431 : vector<1024xf32> to vector<1x1024xf32>
    %mul3A_433 = arith.constant 3.906250e-03 : f32
    %mul3A_434 = vector.broadcast %mul3A_433 : f32 to vector<1x1024xf32>
    %mul3A_435 = arith.mulf %broadcast_in_dim3A_432, %mul3A_434 : vector<1x1024xf32>
    %reduce_sum3A_436 = arith.constant dense<0.000000e+00> : vector<1024xf32>
    %reduce_sum3A_437 = vector.multi_reduction <add>, %div3A_389, %reduce_sum3A_436 [0] : vector<256x1024xf32> to vector<1024xf32>
    %broadcast_in_dim3A_438 = vector.shape_cast %reduce_sum3A_437 : vector<1024xf32> to vector<1x1024xf32>
    %mul3A_439 = arith.constant 3.906250e-03 : f32
    %mul3A_440 = vector.broadcast %mul3A_439 : f32 to vector<1x1024xf32>
    %mul3A_441 = arith.mulf %broadcast_in_dim3A_438, %mul3A_440 : vector<1x1024xf32>
    %transpose3A_442 = tpu.transpose %mul3A_435, [1, 0] : vector<1x1024xf32> -> vector<1024x1xf32>
    %dot_general3A_443 = arith.constant dense<0.000000e+00> : vector<1x1xf32>
    %dot_general3A_444 = tpu.matmul %mul3A_441, %transpose3A_442, %dot_general3A_443 {dimension_numbers = #tpu.dot_dimension_numbers<[1], [0], [0], [1], [0, 0, 1, 1], [], []>, transpose_lhs_hint = false} : vector<1x1024xf32>, vector<1024x1xf32>, vector<1x1xf32> -> vector<1x1xf32>
    %add3A_445 = arith.addf %add3A_253, %dot_general3A_444 : vector<1x1xf32>
    %dot_general3A_446 = arith.constant dense<0.000000e+00> : vector<256x1024xf32>
    %dot_general3A_447 = tpu.matmul %convert_element_type3A_2, %convert_element_type3A_404, %dot_general3A_446 {dimension_numbers = #tpu.dot_dimension_numbers<[1], [0], [0], [1], [0, 0, 1, 1], [], []>, transpose_lhs_hint = false} : vector<256x256xf32>, vector<256x1024xf32>, vector<256x1024xf32> -> vector<256x1024xf32>
    %sub3A_448 = arith.subf %dot_general3A_447, %convert_element_type3A_404 : vector<256x1024xf32>
    %mul3A_449 = arith.mulf %sub3A_448, %convert_element_type3A_404 : vector<256x1024xf32>
    %reduce_sum3A_450 = arith.constant dense<0.000000e+00> : vector<256xf32>
    %reduce_sum3A_451 = vector.multi_reduction <add>, %mul3A_449, %reduce_sum3A_450 [1] : vector<256x1024xf32> to vector<256xf32>
    %broadcast_in_dim3A_452 = vector.shape_cast %reduce_sum3A_451 : vector<256xf32> to vector<256x1xf32>
    %lt3A_453 = arith.constant 4.000000e+00 : f32
    %lt3A_454 = vector.broadcast %lt3A_453 : f32 to vector<256x1024xf32>
    %lt3A_455 = arith.cmpf olt, %mul3A_449, %lt3A_454 : vector<256x1024xf32>
    %convert_element_type3A_456 = arith.extui %lt3A_455 : vector<256x1024xi1> to vector<256x1024xi32>
    %convert_element_type3A_457 = arith.sitofp %convert_element_type3A_456 : vector<256x1024xi32> to vector<256x1024xf32>
    %mul3A_458 = arith.mulf %convert_element_type3A_404, %convert_element_type3A_457 : vector<256x1024xf32>
    %reduce_sum3A_459 = arith.constant dense<0.000000e+00> : vector<1024xf32>
    %reduce_sum3A_460 = vector.multi_reduction <add>, %mul3A_458, %reduce_sum3A_459 [0] : vector<256x1024xf32> to vector<1024xf32>
    %broadcast_in_dim3A_461 = vector.shape_cast %reduce_sum3A_460 : vector<1024xf32> to vector<1x1024xf32>
    %reduce_sum3A_462 = arith.constant dense<0.000000e+00> : vector<256xf32>
    %reduce_sum3A_463 = vector.multi_reduction <add>, %mul3A_458, %reduce_sum3A_462 [1] : vector<256x1024xf32> to vector<256xf32>
    %broadcast_in_dim3A_464 = vector.shape_cast %reduce_sum3A_463 : vector<256xf32> to vector<256x1xf32>
    %mul3A_465 = arith.mulf %div3A_428, %broadcast_in_dim3A_464 : vector<256x1xf32>
    %dot_general3A_466 = arith.constant dense<0.000000e+00> : vector<256x1024xf32>
    %dot_general3A_467 = tpu.matmul %convert_element_type3A_2, %convert_element_type3A_423, %dot_general3A_466 {dimension_numbers = #tpu.dot_dimension_numbers<[1], [0], [0], [1], [0, 0, 1, 1], [], []>, transpose_lhs_hint = false} : vector<256x256xf32>, vector<256x1024xf32>, vector<256x1024xf32> -> vector<256x1024xf32>
    %sub3A_468 = arith.subf %dot_general3A_467, %convert_element_type3A_423 : vector<256x1024xf32>
    %add3A_469 = vector.broadcast %broadcast_in_dim3A_461 : vector<1x1024xf32> to vector<256x1024xf32>
    %add3A_470 = arith.addf %sub3A_468, %add3A_469 : vector<256x1024xf32>
    %mul3A_471 = arith.mulf %add3A_470, %convert_element_type3A_423 : vector<256x1024xf32>
    %lt3A_472 = arith.constant 4.000000e+00 : f32
    %lt3A_473 = vector.broadcast %lt3A_472 : f32 to vector<256x1024xf32>
    %lt3A_474 = arith.cmpf olt, %mul3A_471, %lt3A_473 : vector<256x1024xf32>
    %convert_element_type3A_475 = arith.extui %lt3A_474 : vector<256x1024xi1> to vector<256x1024xi32>
    %convert_element_type3A_476 = arith.sitofp %convert_element_type3A_475 : vector<256x1024xi32> to vector<256x1024xf32>
    %mul3A_477 = arith.mulf %convert_element_type3A_423, %convert_element_type3A_476 : vector<256x1024xf32>
    %reduce_sum3A_478 = arith.constant dense<0.000000e+00> : vector<256xf32>
    %reduce_sum3A_479 = vector.multi_reduction <add>, %mul3A_477, %reduce_sum3A_478 [1] : vector<256x1024xf32> to vector<256xf32>
    %broadcast_in_dim3A_480 = vector.shape_cast %reduce_sum3A_479 : vector<256xf32> to vector<256x1xf32>
    %reduce_sum3A_481 = arith.constant dense<0.000000e+00> : vector<256xf32>
    %reduce_sum3A_482 = vector.multi_reduction <add>, %mul3A_471, %reduce_sum3A_481 [1] : vector<256x1024xf32> to vector<256xf32>
    %broadcast_in_dim3A_483 = vector.shape_cast %reduce_sum3A_482 : vector<256xf32> to vector<256x1xf32>
    %mul3A_484 = arith.mulf %div3A_429, %broadcast_in_dim3A_480 : vector<256x1xf32>
    %mul3A_485 = arith.constant 16 : i32
    %mul3A_486 = vector.broadcast %mul3A_485 : i32 to vector<256x1xi32>
    %mul3A_487 = arith.muli %broadcast_in_dim3A_400, %mul3A_486 : vector<256x1xi32>
    %add3A_488 = arith.constant 8 : i32
    %add3A_489 = vector.broadcast %add3A_488 : i32 to vector<256x1xi32>
    %add3A_490 = arith.addi %mul3A_487, %add3A_489 : vector<256x1xi32>
    %convert_element_type3A_491 = arith.fptosi %broadcast_in_dim3A_452 : vector<256x1xf32> to vector<256x1xi32>
    %add3A_492 = arith.addi %add3A_490, %convert_element_type3A_491 : vector<256x1xi32>
    %mul3A_493 = arith.constant 16 : i32
    %mul3A_494 = vector.broadcast %mul3A_493 : i32 to vector<256x1xi32>
    %mul3A_495 = arith.muli %broadcast_in_dim3A_419, %mul3A_494 : vector<256x1xi32>
    %add3A_496 = arith.constant 8 : i32
    %add3A_497 = vector.broadcast %add3A_496 : i32 to vector<256x1xi32>
    %add3A_498 = arith.addi %mul3A_495, %add3A_497 : vector<256x1xi32>
    %convert_element_type3A_499 = arith.fptosi %broadcast_in_dim3A_483 : vector<256x1xf32> to vector<256x1xi32>
    %add3A_500 = arith.addi %add3A_498, %convert_element_type3A_499 : vector<256x1xi32>
    %ne3A_501 = arith.constant 0.000000e+00 : f32
    %ne3A_502 = vector.broadcast %ne3A_501 : f32 to vector<256x1xf32>
    %ne3A_503 = arith.cmpf one, %mul3A_465, %ne3A_502 : vector<256x1xf32>
    %ne3A_504 = arith.constant 0.000000e+00 : f32
    %ne3A_505 = vector.broadcast %ne3A_504 : f32 to vector<256x1xf32>
    %ne3A_506 = arith.cmpf one, %mul3A_484, %ne3A_505 : vector<256x1xf32>
    %jit3A_507 = arith.constant 16384 : i32
    %broadcast_in_dim3A_508 = vector.broadcast %jit3A_507 : i32 to vector<256x1xi32>
    %select_n3A_509 = arith.select %ne3A_503, %add3A_492, %broadcast_in_dim3A_508 : vector<256x1xi1>, vector<256x1xi32>
    %jit3A_510 = arith.constant 16384 : i32
    %broadcast_in_dim3A_511 = vector.broadcast %jit3A_510 : i32 to vector<256x1xi32>
    %select_n3A_512 = arith.select %ne3A_506, %add3A_500, %broadcast_in_dim3A_511 : vector<256x1xi1>, vector<256x1xi32>
    %reshape3A_513 = vector.shape_cast %select_n3A_509 : vector<256x1xi32> to vector<1x256xi32>
    %swap3A_514 = arith.constant 2 : index
    %swap3A_515 = arith.constant 0 : index
    %swap3A_516 = arith.constant 0 : index
    %swap3A_517 = vector.load %arg2[%swap3A_514, %swap3A_515, %swap3A_516] : memref<4x1x256xi32, #tpu.memory_space<vmem>>, vector<1x1x256xi32>
    %swap3A_518 = vector.shape_cast %swap3A_517 : vector<1x1x256xi32> to vector<1x256xi32>
    %swap3A_519 = vector.shape_cast %reshape3A_513 : vector<1x256xi32> to vector<1x1x256xi32>
    tpu.vector_store %arg2[%swap3A_514, %swap3A_515, %swap3A_516], %swap3A_519 {strides = array<i32>} : memref<4x1x256xi32, #tpu.memory_space<vmem>>, vector<1x1x256xi32>,
    %reshape3A_520 = vector.shape_cast %select_n3A_512 : vector<256x1xi32> to vector<1x256xi32>
    %swap3A_521 = arith.constant 2 : index
    %swap3A_522 = arith.constant 0 : index
    %swap3A_523 = arith.constant 0 : index
    %swap3A_524 = vector.load %arg3[%swap3A_521, %swap3A_522, %swap3A_523] : memref<4x1x256xi32, #tpu.memory_space<vmem>>, vector<1x1x256xi32>
    %swap3A_525 = vector.shape_cast %swap3A_524 : vector<1x1x256xi32> to vector<1x256xi32>
    %swap3A_526 = vector.shape_cast %reshape3A_520 : vector<1x256xi32> to vector<1x1x256xi32>
    tpu.vector_store %arg3[%swap3A_521, %swap3A_522, %swap3A_523], %swap3A_526 {strides = array<i32>} : memref<4x1x256xi32, #tpu.memory_space<vmem>>, vector<1x1x256xi32>,
    %min3A_527 = arith.constant 16383 : i32
    %min3A_528 = vector.broadcast %min3A_527 : i32 to vector<256x1xi32>
    %min3A_529 = arith.minsi %select_n3A_509, %min3A_528 : vector<256x1xi32>
    %reshape3A_530 = vector.shape_cast %min3A_529 : vector<256x1xi32> to vector<1x256xi32>
    %swap3A_531 = arith.constant 2 : index
    %swap3A_532 = arith.constant 0 : index
    %swap3A_533 = arith.constant 0 : index
    %swap3A_534 = vector.load %arg4[%swap3A_531, %swap3A_532, %swap3A_533] : memref<4x1x256xi32, #tpu.memory_space<vmem>>, vector<1x1x256xi32>
    %swap3A_535 = vector.shape_cast %swap3A_534 : vector<1x1x256xi32> to vector<1x256xi32>
    %swap3A_536 = vector.shape_cast %reshape3A_530 : vector<1x256xi32> to vector<1x1x256xi32>
    tpu.vector_store %arg4[%swap3A_531, %swap3A_532, %swap3A_533], %swap3A_536 {strides = array<i32>} : memref<4x1x256xi32, #tpu.memory_space<vmem>>, vector<1x1x256xi32>,
    %min3A_537 = arith.constant 16383 : i32
    %min3A_538 = vector.broadcast %min3A_537 : i32 to vector<256x1xi32>
    %min3A_539 = arith.minsi %select_n3A_512, %min3A_538 : vector<256x1xi32>
    %reshape3A_540 = vector.shape_cast %min3A_539 : vector<256x1xi32> to vector<1x256xi32>
    %swap3A_541 = arith.constant 2 : index
    %swap3A_542 = arith.constant 0 : index
    %swap3A_543 = arith.constant 0 : index
    %swap3A_544 = vector.load %arg5[%swap3A_541, %swap3A_542, %swap3A_543] : memref<4x1x256xi32, #tpu.memory_space<vmem>>, vector<1x1x256xi32>
    %swap3A_545 = vector.shape_cast %swap3A_544 : vector<1x1x256xi32> to vector<1x256xi32>
    %swap3A_546 = vector.shape_cast %reshape3A_540 : vector<1x256xi32> to vector<1x1x256xi32>
    tpu.vector_store %arg5[%swap3A_541, %swap3A_542, %swap3A_543], %swap3A_546 {strides = array<i32>} : memref<4x1x256xi32, #tpu.memory_space<vmem>>, vector<1x1x256xi32>,
    %reshape3A_547 = vector.shape_cast %mul3A_465 : vector<256x1xf32> to vector<1x256xf32>
    %swap3A_548 = arith.constant 2 : index
    %swap3A_549 = arith.constant 0 : index
    %swap3A_550 = arith.constant 0 : index
    %swap3A_551 = vector.load %arg6[%swap3A_548, %swap3A_549, %swap3A_550] : memref<4x1x256xf32, #tpu.memory_space<vmem>>, vector<1x1x256xf32>
    %swap3A_552 = vector.shape_cast %swap3A_551 : vector<1x1x256xf32> to vector<1x256xf32>
    %swap3A_553 = vector.shape_cast %reshape3A_547 : vector<1x256xf32> to vector<1x1x256xf32>
    tpu.vector_store %arg6[%swap3A_548, %swap3A_549, %swap3A_550], %swap3A_553 {strides = array<i32>} : memref<4x1x256xf32, #tpu.memory_space<vmem>>, vector<1x1x256xf32>,
    %reshape3A_554 = vector.shape_cast %mul3A_484 : vector<256x1xf32> to vector<1x256xf32>
    %swap3A_555 = arith.constant 2 : index
    %swap3A_556 = arith.constant 0 : index
    %swap3A_557 = arith.constant 0 : index
    %swap3A_558 = vector.load %arg7[%swap3A_555, %swap3A_556, %swap3A_557] : memref<4x1x256xf32, #tpu.memory_space<vmem>>, vector<1x1x256xf32>
    %swap3A_559 = vector.shape_cast %swap3A_558 : vector<1x1x256xf32> to vector<1x256xf32>
    %swap3A_560 = vector.shape_cast %reshape3A_554 : vector<1x256xf32> to vector<1x1x256xf32>
    tpu.vector_store %arg7[%swap3A_555, %swap3A_556, %swap3A_557], %swap3A_560 {strides = array<i32>} : memref<4x1x256xf32, #tpu.memory_space<vmem>>, vector<1x1x256xf32>,
    %get3A_561 = arith.constant 3 : index
    %get3A_562 = arith.constant 0 : index
    %get3A_563 = arith.constant 0 : index
    %get3A_564 = vector.load %arg0[%get3A_561, %get3A_562, %get3A_563] : memref<4x256x512xf32, #tpu.memory_space<vmem>>, vector<1x256x512xf32>
    %get3A_565 = vector.shape_cast %get3A_564 : vector<1x256x512xf32> to vector<256x512xf32>
    %get3A_566 = arith.constant 0 : index
    %get3A_567 = arith.constant 0 : index
    %get3A_568 = vector.load %arg1[%get3A_566, %get3A_567] : memref<512x1024xf32, #tpu.memory_space<vmem>>, vector<512x1024xf32>
    %dot_general3A_569 = arith.constant dense<0.000000e+00> : vector<256x1024xf32>
    %dot_general3A_570 = tpu.matmul %get3A_565, %get3A_568, %dot_general3A_569 {dimension_numbers = #tpu.dot_dimension_numbers<[1], [0], [0], [1], [0, 0, 1, 1], [], []>, transpose_lhs_hint = false} : vector<256x512xf32>, vector<512x1024xf32>, vector<256x1024xf32> -> vector<256x1024xf32>
    %reduce_max3A_571 = arith.constant dense<0xFF800000> : vector<256xf32>
    %reduce_max3A_572 = vector.multi_reduction <maximumf>, %dot_general3A_570, %reduce_max3A_571 [1] : vector<256x1024xf32> to vector<256xf32>
    %broadcast_in_dim3A_573 = vector.shape_cast %reduce_max3A_572 : vector<256xf32> to vector<256x1xf32>
    %sub3A_574 = vector.broadcast %broadcast_in_dim3A_573 : vector<256x1xf32> to vector<256x1024xf32>
    %sub3A_575 = arith.subf %dot_general3A_570, %sub3A_574 : vector<256x1024xf32>
    %exp3A_576 = math.exp %sub3A_575 : vector<256x1024xf32>
    %reduce_sum3A_577 = arith.constant dense<0.000000e+00> : vector<256xf32>
    %reduce_sum3A_578 = vector.multi_reduction <add>, %exp3A_576, %reduce_sum3A_577 [1] : vector<256x1024xf32> to vector<256xf32>
    %broadcast_in_dim3A_579 = vector.shape_cast %reduce_sum3A_578 : vector<256xf32> to vector<256x1xf32>
    %div3A_580 = vector.broadcast %broadcast_in_dim3A_579 : vector<256x1xf32> to vector<256x1024xf32>
    %div3A_581 = arith.divf %exp3A_576, %div3A_580 : vector<256x1024xf32>
    %reduce_max3A_582 = arith.constant dense<0xFF800000> : vector<256xf32>
    %reduce_max3A_583 = vector.multi_reduction <maximumf>, %div3A_581, %reduce_max3A_582 [1] : vector<256x1024xf32> to vector<256xf32>
    %broadcast_in_dim3A_584 = vector.shape_cast %reduce_max3A_583 : vector<256xf32> to vector<256x1xf32>
    %ge3A_585 = vector.broadcast %broadcast_in_dim3A_584 : vector<256x1xf32> to vector<256x1024xf32>
    %ge3A_586 = arith.cmpf oge, %div3A_581, %ge3A_585 : vector<256x1024xf32>
    %jit3A_587 = arith.constant 1024 : i32
    %broadcast_in_dim3A_588 = vector.broadcast %jit3A_587 : i32 to vector<256x1024xi32>
    %select_n3A_589 = arith.select %ge3A_586, %iota3A, %broadcast_in_dim3A_588 : vector<256x1024xi1>, vector<256x1024xi32>
    %reduce_min3A_590 = arith.constant dense<2147483647> : vector<256xi32>
    %reduce_min3A_591 = vector.multi_reduction <minsi>, %select_n3A_589, %reduce_min3A_590 [1] : vector<256x1024xi32> to vector<256xi32>
    %broadcast_in_dim3A_592 = vector.shape_cast %reduce_min3A_591 : vector<256xi32> to vector<256x1xi32>
    %eq3A_593 = vector.broadcast %broadcast_in_dim3A_592 : vector<256x1xi32> to vector<256x1024xi32>
    %eq3A_594 = arith.cmpi eq, %iota3A, %eq3A_593 : vector<256x1024xi32>
    %convert_element_type3A_595 = arith.extui %eq3A_594 : vector<256x1024xi1> to vector<256x1024xi32>
    %convert_element_type3A_596 = arith.sitofp %convert_element_type3A_595 : vector<256x1024xi32> to vector<256x1024xf32>
    %sub3A_597 = arith.constant 1.000000e+00 : f32
    %sub3A_598 = vector.broadcast %sub3A_597 : f32 to vector<256x1024xf32>
    %sub3A_599 = arith.subf %sub3A_598, %convert_element_type3A_596 : vector<256x1024xf32>
    %mul3A_600 = arith.mulf %div3A_581, %sub3A_599 : vector<256x1024xf32>
    %reduce_max3A_601 = arith.constant dense<0xFF800000> : vector<256xf32>
    %reduce_max3A_602 = vector.multi_reduction <maximumf>, %mul3A_600, %reduce_max3A_601 [1] : vector<256x1024xf32> to vector<256xf32>
    %broadcast_in_dim3A_603 = vector.shape_cast %reduce_max3A_602 : vector<256xf32> to vector<256x1xf32>
    %ge3A_604 = vector.broadcast %broadcast_in_dim3A_603 : vector<256x1xf32> to vector<256x1024xf32>
    %ge3A_605 = arith.cmpf oge, %mul3A_600, %ge3A_604 : vector<256x1024xf32>
    %jit3A_606 = arith.constant 1024 : i32
    %broadcast_in_dim3A_607 = vector.broadcast %jit3A_606 : i32 to vector<256x1024xi32>
    %select_n3A_608 = arith.select %ge3A_605, %iota3A, %broadcast_in_dim3A_607 : vector<256x1024xi1>, vector<256x1024xi32>
    %reduce_min3A_609 = arith.constant dense<2147483647> : vector<256xi32>
    %reduce_min3A_610 = vector.multi_reduction <minsi>, %select_n3A_608, %reduce_min3A_609 [1] : vector<256x1024xi32> to vector<256xi32>
    %broadcast_in_dim3A_611 = vector.shape_cast %reduce_min3A_610 : vector<256xi32> to vector<256x1xi32>
    %eq3A_612 = vector.broadcast %broadcast_in_dim3A_611 : vector<256x1xi32> to vector<256x1024xi32>
    %eq3A_613 = arith.cmpi eq, %iota3A, %eq3A_612 : vector<256x1024xi32>
    %convert_element_type3A_614 = arith.extui %eq3A_613 : vector<256x1024xi1> to vector<256x1024xi32>
    %convert_element_type3A_615 = arith.sitofp %convert_element_type3A_614 : vector<256x1024xi32> to vector<256x1024xf32>
    %add3A_616 = arith.addf %broadcast_in_dim3A_584, %broadcast_in_dim3A_603 : vector<256x1xf32>
    %add3A_617 = arith.constant 9.99999971E-10 : f32
    %add3A_618 = vector.broadcast %add3A_617 : f32 to vector<256x1xf32>
    %add3A_619 = arith.addf %add3A_616, %add3A_618 : vector<256x1xf32>
    %div3A_620 = arith.divf %broadcast_in_dim3A_584, %add3A_619 : vector<256x1xf32>
    %div3A_621 = arith.divf %broadcast_in_dim3A_603, %add3A_619 : vector<256x1xf32>
    %reduce_sum3A_622 = arith.constant dense<0.000000e+00> : vector<1024xf32>
    %reduce_sum3A_623 = vector.multi_reduction <add>, %convert_element_type3A_596, %reduce_sum3A_622 [0] : vector<256x1024xf32> to vector<1024xf32>
    %broadcast_in_dim3A_624 = vector.shape_cast %reduce_sum3A_623 : vector<1024xf32> to vector<1x1024xf32>
    %mul3A_625 = arith.constant 3.906250e-03 : f32
    %mul3A_626 = vector.broadcast %mul3A_625 : f32 to vector<1x1024xf32>
    %mul3A_627 = arith.mulf %broadcast_in_dim3A_624, %mul3A_626 : vector<1x1024xf32>
    %reduce_sum3A_628 = arith.constant dense<0.000000e+00> : vector<1024xf32>
    %reduce_sum3A_629 = vector.multi_reduction <add>, %div3A_581, %reduce_sum3A_628 [0] : vector<256x1024xf32> to vector<1024xf32>
    %broadcast_in_dim3A_630 = vector.shape_cast %reduce_sum3A_629 : vector<1024xf32> to vector<1x1024xf32>
    %mul3A_631 = arith.constant 3.906250e-03 : f32
    %mul3A_632 = vector.broadcast %mul3A_631 : f32 to vector<1x1024xf32>
    %mul3A_633 = arith.mulf %broadcast_in_dim3A_630, %mul3A_632 : vector<1x1024xf32>
    %transpose3A_634 = tpu.transpose %mul3A_627, [1, 0] : vector<1x1024xf32> -> vector<1024x1xf32>
    %dot_general3A_635 = arith.constant dense<0.000000e+00> : vector<1x1xf32>
    %dot_general3A_636 = tpu.matmul %mul3A_633, %transpose3A_634, %dot_general3A_635 {dimension_numbers = #tpu.dot_dimension_numbers<[1], [0], [0], [1], [0, 0, 1, 1], [], []>, transpose_lhs_hint = false} : vector<1x1024xf32>, vector<1024x1xf32>, vector<1x1xf32> -> vector<1x1xf32>
    %add3A_637 = arith.addf %add3A_445, %dot_general3A_636 : vector<1x1xf32>
    %dot_general3A_638 = arith.constant dense<0.000000e+00> : vector<256x1024xf32>
    %dot_general3A_639 = tpu.matmul %convert_element_type3A_2, %convert_element_type3A_596, %dot_general3A_638 {dimension_numbers = #tpu.dot_dimension_numbers<[1], [0], [0], [1], [0, 0, 1, 1], [], []>, transpose_lhs_hint = false} : vector<256x256xf32>, vector<256x1024xf32>, vector<256x1024xf32> -> vector<256x1024xf32>
    %sub3A_640 = arith.subf %dot_general3A_639, %convert_element_type3A_596 : vector<256x1024xf32>
    %mul3A_641 = arith.mulf %sub3A_640, %convert_element_type3A_596 : vector<256x1024xf32>
    %reduce_sum3A_642 = arith.constant dense<0.000000e+00> : vector<256xf32>
    %reduce_sum3A_643 = vector.multi_reduction <add>, %mul3A_641, %reduce_sum3A_642 [1] : vector<256x1024xf32> to vector<256xf32>
    %broadcast_in_dim3A_644 = vector.shape_cast %reduce_sum3A_643 : vector<256xf32> to vector<256x1xf32>
    %lt3A_645 = arith.constant 4.000000e+00 : f32
    %lt3A_646 = vector.broadcast %lt3A_645 : f32 to vector<256x1024xf32>
    %lt3A_647 = arith.cmpf olt, %mul3A_641, %lt3A_646 : vector<256x1024xf32>
    %convert_element_type3A_648 = arith.extui %lt3A_647 : vector<256x1024xi1> to vector<256x1024xi32>
    %convert_element_type3A_649 = arith.sitofp %convert_element_type3A_648 : vector<256x1024xi32> to vector<256x1024xf32>
    %mul3A_650 = arith.mulf %convert_element_type3A_596, %convert_element_type3A_649 : vector<256x1024xf32>
    %reduce_sum3A_651 = arith.constant dense<0.000000e+00> : vector<1024xf32>
    %reduce_sum3A_652 = vector.multi_reduction <add>, %mul3A_650, %reduce_sum3A_651 [0] : vector<256x1024xf32> to vector<1024xf32>
    %broadcast_in_dim3A_653 = vector.shape_cast %reduce_sum3A_652 : vector<1024xf32> to vector<1x1024xf32>
    %reduce_sum3A_654 = arith.constant dense<0.000000e+00> : vector<256xf32>
    %reduce_sum3A_655 = vector.multi_reduction <add>, %mul3A_650, %reduce_sum3A_654 [1] : vector<256x1024xf32> to vector<256xf32>
    %broadcast_in_dim3A_656 = vector.shape_cast %reduce_sum3A_655 : vector<256xf32> to vector<256x1xf32>
    %mul3A_657 = arith.mulf %div3A_620, %broadcast_in_dim3A_656 : vector<256x1xf32>
    %dot_general3A_658 = arith.constant dense<0.000000e+00> : vector<256x1024xf32>
    %dot_general3A_659 = tpu.matmul %convert_element_type3A_2, %convert_element_type3A_615, %dot_general3A_658 {dimension_numbers = #tpu.dot_dimension_numbers<[1], [0], [0], [1], [0, 0, 1, 1], [], []>, transpose_lhs_hint = false} : vector<256x256xf32>, vector<256x1024xf32>, vector<256x1024xf32> -> vector<256x1024xf32>
    %sub3A_660 = arith.subf %dot_general3A_659, %convert_element_type3A_615 : vector<256x1024xf32>
    %add3A_661 = vector.broadcast %broadcast_in_dim3A_653 : vector<1x1024xf32> to vector<256x1024xf32>
    %add3A_662 = arith.addf %sub3A_660, %add3A_661 : vector<256x1024xf32>
    %mul3A_663 = arith.mulf %add3A_662, %convert_element_type3A_615 : vector<256x1024xf32>
    %lt3A_664 = arith.constant 4.000000e+00 : f32
    %lt3A_665 = vector.broadcast %lt3A_664 : f32 to vector<256x1024xf32>
    %lt3A_666 = arith.cmpf olt, %mul3A_663, %lt3A_665 : vector<256x1024xf32>
    %convert_element_type3A_667 = arith.extui %lt3A_666 : vector<256x1024xi1> to vector<256x1024xi32>
    %convert_element_type3A_668 = arith.sitofp %convert_element_type3A_667 : vector<256x1024xi32> to vector<256x1024xf32>
    %mul3A_669 = arith.mulf %convert_element_type3A_615, %convert_element_type3A_668 : vector<256x1024xf32>
    %reduce_sum3A_670 = arith.constant dense<0.000000e+00> : vector<256xf32>
    %reduce_sum3A_671 = vector.multi_reduction <add>, %mul3A_669, %reduce_sum3A_670 [1] : vector<256x1024xf32> to vector<256xf32>
    %broadcast_in_dim3A_672 = vector.shape_cast %reduce_sum3A_671 : vector<256xf32> to vector<256x1xf32>
    %reduce_sum3A_673 = arith.constant dense<0.000000e+00> : vector<256xf32>
    %reduce_sum3A_674 = vector.multi_reduction <add>, %mul3A_663, %reduce_sum3A_673 [1] : vector<256x1024xf32> to vector<256xf32>
    %broadcast_in_dim3A_675 = vector.shape_cast %reduce_sum3A_674 : vector<256xf32> to vector<256x1xf32>
    %mul3A_676 = arith.mulf %div3A_621, %broadcast_in_dim3A_672 : vector<256x1xf32>
    %mul3A_677 = arith.constant 16 : i32
    %mul3A_678 = vector.broadcast %mul3A_677 : i32 to vector<256x1xi32>
    %mul3A_679 = arith.muli %broadcast_in_dim3A_592, %mul3A_678 : vector<256x1xi32>
    %add3A_680 = arith.constant 12 : i32
    %add3A_681 = vector.broadcast %add3A_680 : i32 to vector<256x1xi32>
    %add3A_682 = arith.addi %mul3A_679, %add3A_681 : vector<256x1xi32>
    %convert_element_type3A_683 = arith.fptosi %broadcast_in_dim3A_644 : vector<256x1xf32> to vector<256x1xi32>
    %add3A_684 = arith.addi %add3A_682, %convert_element_type3A_683 : vector<256x1xi32>
    %mul3A_685 = arith.constant 16 : i32
    %mul3A_686 = vector.broadcast %mul3A_685 : i32 to vector<256x1xi32>
    %mul3A_687 = arith.muli %broadcast_in_dim3A_611, %mul3A_686 : vector<256x1xi32>
    %add3A_688 = arith.constant 12 : i32
    %add3A_689 = vector.broadcast %add3A_688 : i32 to vector<256x1xi32>
    %add3A_690 = arith.addi %mul3A_687, %add3A_689 : vector<256x1xi32>
    %convert_element_type3A_691 = arith.fptosi %broadcast_in_dim3A_675 : vector<256x1xf32> to vector<256x1xi32>
    %add3A_692 = arith.addi %add3A_690, %convert_element_type3A_691 : vector<256x1xi32>
    %ne3A_693 = arith.constant 0.000000e+00 : f32
    %ne3A_694 = vector.broadcast %ne3A_693 : f32 to vector<256x1xf32>
    %ne3A_695 = arith.cmpf one, %mul3A_657, %ne3A_694 : vector<256x1xf32>
    %ne3A_696 = arith.constant 0.000000e+00 : f32
    %ne3A_697 = vector.broadcast %ne3A_696 : f32 to vector<256x1xf32>
    %ne3A_698 = arith.cmpf one, %mul3A_676, %ne3A_697 : vector<256x1xf32>
    %jit3A_699 = arith.constant 16384 : i32
    %broadcast_in_dim3A_700 = vector.broadcast %jit3A_699 : i32 to vector<256x1xi32>
    %select_n3A_701 = arith.select %ne3A_695, %add3A_684, %broadcast_in_dim3A_700 : vector<256x1xi1>, vector<256x1xi32>
    %jit3A_702 = arith.constant 16384 : i32
    %broadcast_in_dim3A_703 = vector.broadcast %jit3A_702 : i32 to vector<256x1xi32>
    %select_n3A_704 = arith.select %ne3A_698, %add3A_692, %broadcast_in_dim3A_703 : vector<256x1xi1>, vector<256x1xi32>
    %reshape3A_705 = vector.shape_cast %select_n3A_701 : vector<256x1xi32> to vector<1x256xi32>
    %swap3A_706 = arith.constant 3 : index
    %swap3A_707 = arith.constant 0 : index
    %swap3A_708 = arith.constant 0 : index
    %swap3A_709 = vector.load %arg2[%swap3A_706, %swap3A_707, %swap3A_708] : memref<4x1x256xi32, #tpu.memory_space<vmem>>, vector<1x1x256xi32>
    %swap3A_710 = vector.shape_cast %swap3A_709 : vector<1x1x256xi32> to vector<1x256xi32>
    %swap3A_711 = vector.shape_cast %reshape3A_705 : vector<1x256xi32> to vector<1x1x256xi32>
    tpu.vector_store %arg2[%swap3A_706, %swap3A_707, %swap3A_708], %swap3A_711 {strides = array<i32>} : memref<4x1x256xi32, #tpu.memory_space<vmem>>, vector<1x1x256xi32>,
    %reshape3A_712 = vector.shape_cast %select_n3A_704 : vector<256x1xi32> to vector<1x256xi32>
    %swap3A_713 = arith.constant 3 : index
    %swap3A_714 = arith.constant 0 : index
    %swap3A_715 = arith.constant 0 : index
    %swap3A_716 = vector.load %arg3[%swap3A_713, %swap3A_714, %swap3A_715] : memref<4x1x256xi32, #tpu.memory_space<vmem>>, vector<1x1x256xi32>
    %swap3A_717 = vector.shape_cast %swap3A_716 : vector<1x1x256xi32> to vector<1x256xi32>
    %swap3A_718 = vector.shape_cast %reshape3A_712 : vector<1x256xi32> to vector<1x1x256xi32>
    tpu.vector_store %arg3[%swap3A_713, %swap3A_714, %swap3A_715], %swap3A_718 {strides = array<i32>} : memref<4x1x256xi32, #tpu.memory_space<vmem>>, vector<1x1x256xi32>,
    %min3A_719 = arith.constant 16383 : i32
    %min3A_720 = vector.broadcast %min3A_719 : i32 to vector<256x1xi32>
    %min3A_721 = arith.minsi %select_n3A_701, %min3A_720 : vector<256x1xi32>
    %reshape3A_722 = vector.shape_cast %min3A_721 : vector<256x1xi32> to vector<1x256xi32>
    %swap3A_723 = arith.constant 3 : index
    %swap3A_724 = arith.constant 0 : index
    %swap3A_725 = arith.constant 0 : index
    %swap3A_726 = vector.load %arg4[%swap3A_723, %swap3A_724, %swap3A_725] : memref<4x1x256xi32, #tpu.memory_space<vmem>>, vector<1x1x256xi32>
    %swap3A_727 = vector.shape_cast %swap3A_726 : vector<1x1x256xi32> to vector<1x256xi32>
    %swap3A_728 = vector.shape_cast %reshape3A_722 : vector<1x256xi32> to vector<1x1x256xi32>
    tpu.vector_store %arg4[%swap3A_723, %swap3A_724, %swap3A_725], %swap3A_728 {strides = array<i32>} : memref<4x1x256xi32, #tpu.memory_space<vmem>>, vector<1x1x256xi32>,
    %min3A_729 = arith.constant 16383 : i32
    %min3A_730 = vector.broadcast %min3A_729 : i32 to vector<256x1xi32>
    %min3A_731 = arith.minsi %select_n3A_704, %min3A_730 : vector<256x1xi32>
    %reshape3A_732 = vector.shape_cast %min3A_731 : vector<256x1xi32> to vector<1x256xi32>
    %swap3A_733 = arith.constant 3 : index
    %swap3A_734 = arith.constant 0 : index
    %swap3A_735 = arith.constant 0 : index
    %swap3A_736 = vector.load %arg5[%swap3A_733, %swap3A_734, %swap3A_735] : memref<4x1x256xi32, #tpu.memory_space<vmem>>, vector<1x1x256xi32>
    %swap3A_737 = vector.shape_cast %swap3A_736 : vector<1x1x256xi32> to vector<1x256xi32>
    %swap3A_738 = vector.shape_cast %reshape3A_732 : vector<1x256xi32> to vector<1x1x256xi32>
    tpu.vector_store %arg5[%swap3A_733, %swap3A_734, %swap3A_735], %swap3A_738 {strides = array<i32>} : memref<4x1x256xi32, #tpu.memory_space<vmem>>, vector<1x1x256xi32>,
    %reshape3A_739 = vector.shape_cast %mul3A_657 : vector<256x1xf32> to vector<1x256xf32>
    %swap3A_740 = arith.constant 3 : index
    %swap3A_741 = arith.constant 0 : index
    %swap3A_742 = arith.constant 0 : index
    %swap3A_743 = vector.load %arg6[%swap3A_740, %swap3A_741, %swap3A_742] : memref<4x1x256xf32, #tpu.memory_space<vmem>>, vector<1x1x256xf32>
    %swap3A_744 = vector.shape_cast %swap3A_743 : vector<1x1x256xf32> to vector<1x256xf32>
    %swap3A_745 = vector.shape_cast %reshape3A_739 : vector<1x256xf32> to vector<1x1x256xf32>
    tpu.vector_store %arg6[%swap3A_740, %swap3A_741, %swap3A_742], %swap3A_745 {strides = array<i32>} : memref<4x1x256xf32, #tpu.memory_space<vmem>>, vector<1x1x256xf32>,
    %reshape3A_746 = vector.shape_cast %mul3A_676 : vector<256x1xf32> to vector<1x256xf32>
    %swap3A_747 = arith.constant 3 : index
    %swap3A_748 = arith.constant 0 : index
    %swap3A_749 = arith.constant 0 : index
    %swap3A_750 = vector.load %arg7[%swap3A_747, %swap3A_748, %swap3A_749] : memref<4x1x256xf32, #tpu.memory_space<vmem>>, vector<1x1x256xf32>
    %swap3A_751 = vector.shape_cast %swap3A_750 : vector<1x1x256xf32> to vector<1x256xf32>
    %swap3A_752 = vector.shape_cast %reshape3A_746 : vector<1x256xf32> to vector<1x1x256xf32>
    tpu.vector_store %arg7[%swap3A_747, %swap3A_748, %swap3A_749], %swap3A_752 {strides = array<i32>} : memref<4x1x256xf32, #tpu.memory_space<vmem>>, vector<1x1x256xf32>,
    %mul3A_753 = arith.constant 2.560000e+00 : f32
    %mul3A_754 = vector.broadcast %mul3A_753 : f32 to vector<1x1xf32>
    %mul3A_755 = arith.mulf %add3A_637, %mul3A_754 : vector<1x1xf32>
    %swap3A_756 = arith.constant 0 : index
    %swap3A_757 = arith.constant 0 : index
    %swap3A_758 = vector.load %arg8[%swap3A_756, %swap3A_757] : memref<1x1xf32, #tpu.memory_space<vmem>>, vector<1x1xf32>
    tpu.vector_store %arg8[%swap3A_756, %swap3A_757], %mul3A_755 {strides = array<i32>} : memref<1x1xf32, #tpu.memory_space<vmem>>, vector<1x1xf32>,
    return
  }
}

module attributes {stable_mosaic.version = 14 : i64} {
  func.func @_experts_body(%arg0: i32, %arg1: memref<512x512xf32, #tpu.memory_space<vmem>>, %arg2: memref<32x512x32xf32, #tpu.memory_space<vmem>>, %arg3: memref<32x32x512xf32, #tpu.memory_space<vmem>>, %arg4: memref<512x512xf32, #tpu.memory_space<vmem>>) attributes {dimension_semantics = [#tpu.dimension_semantics<arbitrary>], iteration_bounds = array<i64: 32>, scalar_prefetch = 0 : i64, scratch_operands = 0 : i64, tpu.core_type = #tpu.core_type<tc>, window_params = [{transform_indices = @transform_0, window_bounds = array<i64: 512, 512>}, {transform_indices = @transform_1, window_bounds = array<i64: 32, 512, 32>}, {transform_indices = @transform_2, window_bounds = array<i64: 32, 32, 512>}, {transform_indices = @transform_3, window_bounds = array<i64: 512, 512>}]} {
    %get3A = arith.constant 0 : index
    %get3A_0 = arith.constant 0 : index
    %get3A_1 = vector.load %arg1[%get3A, %get3A_0] : memref<512x512xf32, #tpu.memory_space<vmem>>, vector<512x512xf32>
    %reshape3A = vector.shape_cast %get3A_1 : vector<512x512xf32> to vector<32x16x512xf32>
    %get3A_2 = arith.constant 0 : index
    %get3A_3 = arith.constant 0 : index
    %get3A_4 = arith.constant 0 : index
    %get3A_5 = vector.load %arg2[%get3A_2, %get3A_3, %get3A_4] : memref<32x512x32xf32, #tpu.memory_space<vmem>>, vector<32x512x32xf32>
    %dot_general3A = arith.constant dense<0.000000e+00> : vector<32x16x32xf32>
    %dot_general3A_6 = tpu.matmul %reshape3A, %get3A_5, %dot_general3A {dimension_numbers = #tpu.dot_dimension_numbers<[2], [1], [1], [2], [0, 0, 0, 1, 1, 2], [0], [0]>, transpose_lhs_hint = false} : vector<32x16x512xf32>, vector<32x512x32xf32>, vector<32x16x32xf32> -> vector<32x16x32xf32>
    %mul3A = arith.constant 5.000000e-01 : f32
    %mul3A_7 = vector.broadcast %mul3A : f32 to vector<32x16x32xf32>
    %mul3A_8 = arith.mulf %mul3A_7, %dot_general3A_6 : vector<32x16x32xf32>
    %mul3A_9 = arith.constant 0.707106769 : f32
    %mul3A_10 = vector.broadcast %mul3A_9 : f32 to vector<32x16x32xf32>
    %mul3A_11 = arith.mulf %dot_general3A_6, %mul3A_10 : vector<32x16x32xf32>
    %erf3A = math.erf %mul3A_11 : vector<32x16x32xf32>
    %add3A = arith.constant 1.000000e+00 : f32
    %add3A_12 = vector.broadcast %add3A : f32 to vector<32x16x32xf32>
    %add3A_13 = arith.addf %add3A_12, %erf3A : vector<32x16x32xf32>
    %mul3A_14 = arith.mulf %mul3A_8, %add3A_13 : vector<32x16x32xf32>
    %get3A_15 = arith.constant 0 : index
    %get3A_16 = arith.constant 0 : index
    %get3A_17 = arith.constant 0 : index
    %get3A_18 = vector.load %arg3[%get3A_15, %get3A_16, %get3A_17] : memref<32x32x512xf32, #tpu.memory_space<vmem>>, vector<32x32x512xf32>
    %dot_general3A_19 = arith.constant dense<0.000000e+00> : vector<32x16x512xf32>
    %dot_general3A_20 = tpu.matmul %mul3A_14, %get3A_18, %dot_general3A_19 {dimension_numbers = #tpu.dot_dimension_numbers<[2], [1], [1], [2], [0, 0, 0, 1, 1, 2], [0], [0]>, transpose_lhs_hint = false} : vector<32x16x32xf32>, vector<32x32x512xf32>, vector<32x16x512xf32> -> vector<32x16x512xf32>
    %reshape3A_21 = vector.shape_cast %dot_general3A_20 : vector<32x16x512xf32> to vector<512x512xf32>
    %swap3A = arith.constant 0 : index
    %swap3A_22 = arith.constant 0 : index
    %swap3A_23 = vector.load %arg4[%swap3A, %swap3A_22] : memref<512x512xf32, #tpu.memory_space<vmem>>, vector<512x512xf32>
    tpu.vector_store %arg4[%swap3A, %swap3A_22], %reshape3A_21 {strides = array<i32>} : memref<512x512xf32, #tpu.memory_space<vmem>>, vector<512x512xf32>,
    return
  }
  func.func @transform_0(%arg0: i32) -> (i32, i32) {
    %c0_i32 = arith.constant 0 : i32
    %c0_i32_0 = arith.constant 0 : i32
    return %arg0, %c0_i32 : i32, i32
  }
  func.func @transform_1(%arg0: i32) -> (i32, i32, i32) {
    %c0_i32 = arith.constant 0 : i32
    %c0_i32_0 = arith.constant 0 : i32
    %c0_i32_1 = arith.constant 0 : i32
    return %arg0, %c0_i32, %c0_i32_0 : i32, i32, i32
  }
  func.func @transform_2(%arg0: i32) -> (i32, i32, i32) {
    %c0_i32 = arith.constant 0 : i32
    %c0_i32_0 = arith.constant 0 : i32
    %c0_i32_1 = arith.constant 0 : i32
    return %arg0, %c0_i32, %c0_i32_0 : i32, i32, i32
  }
  func.func @transform_3(%arg0: i32) -> (i32, i32) {
    %c0_i32 = arith.constant 0 : i32
    %c0_i32_0 = arith.constant 0 : i32
    return %arg0, %c0_i32 : i32, i32
  }
}

module attributes {stable_mosaic.version = 14 : i64} {
  func.func @_tail_body(%arg0: i32, %arg1: memref<1x256x512xf32, #tpu.memory_space<vmem>>, %arg2: memref<1x256x512xf32, #tpu.memory_space<vmem>>, %arg3: memref<1x1x256xf32, #tpu.memory_space<vmem>>, %arg4: memref<1x1x256xf32, #tpu.memory_space<vmem>>, %arg5: memref<3x512x256xf32, #tpu.memory_space<vmem>>, %arg6: memref<512x1xf32, #tpu.memory_space<vmem>>, %arg7: memref<1x512x256xf32, #tpu.memory_space<vmem>>, %arg8: memref<1x256x512xf32, #tpu.memory_space<vmem>>) attributes {dimension_semantics = [#tpu.dimension_semantics<arbitrary>], iteration_bounds = array<i64: 4>, scalar_prefetch = 0 : i64, scratch_operands = 0 : i64, tpu.core_type = #tpu.core_type<tc>, window_params = [{transform_indices = @transform_0, window_bounds = array<i64: 1, 256, 512>}, {transform_indices = @transform_1, window_bounds = array<i64: 1, 256, 512>}, {transform_indices = @transform_2, window_bounds = array<i64: 1, 1, 256>}, {transform_indices = @transform_3, window_bounds = array<i64: 1, 1, 256>}, {pipeline_mode = #tpu.pipeline_mode<synchronous>, transform_indices = @transform_4, window_bounds = array<i64: 3, 512, 256>}, {pipeline_mode = #tpu.pipeline_mode<synchronous>, transform_indices = @transform_5, window_bounds = array<i64: 512, 1>}, {transform_indices = @transform_6, window_bounds = array<i64: 1, 512, 256>}, {transform_indices = @transform_7, window_bounds = array<i64: 1, 256, 512>}]} {
    %get3A = arith.constant 0 : index
    %get3A_0 = arith.constant 0 : index
    %get3A_1 = arith.constant 0 : index
    %get3A_2 = vector.load %arg1[%get3A, %get3A_0, %get3A_1] : memref<1x256x512xf32, #tpu.memory_space<vmem>>, vector<1x256x512xf32>
    %get3A_3 = vector.shape_cast %get3A_2 : vector<1x256x512xf32> to vector<256x512xf32>
    %convert_element_type3A = arith.truncf %get3A_3 : vector<256x512xf32> to vector<256x512xbf16>
    %convert_element_type3A_4 = arith.extf %convert_element_type3A : vector<256x512xbf16> to vector<256x512xf32>
    %get3A_5 = arith.constant 0 : index
    %get3A_6 = arith.constant 0 : index
    %get3A_7 = arith.constant 0 : index
    %get3A_8 = vector.load %arg2[%get3A_5, %get3A_6, %get3A_7] : memref<1x256x512xf32, #tpu.memory_space<vmem>>, vector<1x256x512xf32>
    %get3A_9 = vector.shape_cast %get3A_8 : vector<1x256x512xf32> to vector<256x512xf32>
    %convert_element_type3A_10 = arith.truncf %get3A_9 : vector<256x512xf32> to vector<256x512xbf16>
    %convert_element_type3A_11 = arith.extf %convert_element_type3A_10 : vector<256x512xbf16> to vector<256x512xf32>
    %get3A_12 = arith.constant 0 : index
    %get3A_13 = arith.constant 0 : index
    %get3A_14 = arith.constant 0 : index
    %get3A_15 = vector.load %arg3[%get3A_12, %get3A_13, %get3A_14] : memref<1x1x256xf32, #tpu.memory_space<vmem>>, vector<1x1x256xf32>
    %get3A_16 = vector.shape_cast %get3A_15 : vector<1x1x256xf32> to vector<1x256xf32>
    %transpose3A = tpu.transpose %get3A_16, [1, 0] : vector<1x256xf32> -> vector<256x1xf32>
    %convert_element_type3A_17 = arith.truncf %transpose3A : vector<256x1xf32> to vector<256x1xbf16>
    %convert_element_type3A_18 = arith.extf %convert_element_type3A_17 : vector<256x1xbf16> to vector<256x1xf32>
    %get3A_19 = arith.constant 0 : index
    %get3A_20 = arith.constant 0 : index
    %get3A_21 = arith.constant 0 : index
    %get3A_22 = vector.load %arg4[%get3A_19, %get3A_20, %get3A_21] : memref<1x1x256xf32, #tpu.memory_space<vmem>>, vector<1x1x256xf32>
    %get3A_23 = vector.shape_cast %get3A_22 : vector<1x1x256xf32> to vector<1x256xf32>
    %transpose3A_24 = tpu.transpose %get3A_23, [1, 0] : vector<1x256xf32> -> vector<256x1xf32>
    %convert_element_type3A_25 = arith.truncf %transpose3A_24 : vector<256x1xf32> to vector<256x1xbf16>
    %convert_element_type3A_26 = arith.extf %convert_element_type3A_25 : vector<256x1xbf16> to vector<256x1xf32>
    %ne3A = arith.constant 0.000000e+00 : f32
    %ne3A_27 = vector.broadcast %ne3A : f32 to vector<256x1xf32>
    %ne3A_28 = arith.cmpf one, %convert_element_type3A_18, %ne3A_27 : vector<256x1xf32>
    %mul3A = vector.broadcast %convert_element_type3A_18 : vector<256x1xf32> to vector<256x512xf32>
    %mul3A_29 = arith.mulf %mul3A, %convert_element_type3A_4 : vector<256x512xf32>
    %jit3A = arith.constant 0.000000e+00 : f32
    %broadcast_in_dim3A = vector.shape_cast %ne3A_28 : vector<256x1xi1> to vector<256x1xi1>
    %broadcast_in_dim3A_30 = vector.broadcast %broadcast_in_dim3A : vector<256x1xi1> to vector<256x512xi1>
    %broadcast_in_dim3A_31 = vector.broadcast %jit3A : f32 to vector<256x512xf32>
    %select_n3A = arith.select %broadcast_in_dim3A_30, %mul3A_29, %broadcast_in_dim3A_31 : vector<256x512xi1>, vector<256x512xf32>
    %ne3A_32 = arith.constant 0.000000e+00 : f32
    %ne3A_33 = vector.broadcast %ne3A_32 : f32 to vector<256x1xf32>
    %ne3A_34 = arith.cmpf one, %convert_element_type3A_26, %ne3A_33 : vector<256x1xf32>
    %mul3A_35 = vector.broadcast %convert_element_type3A_26 : vector<256x1xf32> to vector<256x512xf32>
    %mul3A_36 = arith.mulf %mul3A_35, %convert_element_type3A_11 : vector<256x512xf32>
    %jit3A_37 = arith.constant 0.000000e+00 : f32
    %broadcast_in_dim3A_38 = vector.shape_cast %ne3A_34 : vector<256x1xi1> to vector<256x1xi1>
    %broadcast_in_dim3A_39 = vector.broadcast %broadcast_in_dim3A_38 : vector<256x1xi1> to vector<256x512xi1>
    %broadcast_in_dim3A_40 = vector.broadcast %jit3A_37 : f32 to vector<256x512xf32>
    %select_n3A_41 = arith.select %broadcast_in_dim3A_39, %mul3A_36, %broadcast_in_dim3A_40 : vector<256x512xi1>, vector<256x512xf32>
    %add3A = arith.addf %select_n3A, %select_n3A_41 : vector<256x512xf32>
    %swap3A = arith.constant 0 : index
    %swap3A_42 = arith.constant 0 : index
    %swap3A_43 = arith.constant 0 : index
    %swap3A_44 = vector.load %arg8[%swap3A, %swap3A_42, %swap3A_43] : memref<1x256x512xf32, #tpu.memory_space<vmem>>, vector<1x256x512xf32>
    %swap3A_45 = vector.shape_cast %swap3A_44 : vector<1x256x512xf32> to vector<256x512xf32>
    %swap3A_46 = vector.shape_cast %add3A : vector<256x512xf32> to vector<1x256x512xf32>
    tpu.vector_store %arg8[%swap3A, %swap3A_42, %swap3A_43], %swap3A_46 {strides = array<i32>} : memref<1x256x512xf32, #tpu.memory_space<vmem>>, vector<1x256x512xf32>,
    %broadcast_in_dim3A_47 = arith.constant 0.000000e+00 : f32
    %broadcast_in_dim3A_48 = vector.broadcast %broadcast_in_dim3A_47 : f32 to vector<256x1xf32>
    %slice3A = vector.extract_strided_slice %add3A {offsets = [0, 0], sizes = [256, 511], strides = [1, 1]} : vector<256x512xf32> to vector<256x511xf32>
    %concatenate3A = tpu.concatenate %broadcast_in_dim3A_48, %slice3A in 1 : vector<256x1xf32>, vector<256x511xf32> -> vector<256x512xf32>
    %slice3A_49 = vector.extract_strided_slice %add3A {offsets = [0, 1], sizes = [256, 511], strides = [1, 1]} : vector<256x512xf32> to vector<256x511xf32>
    %concatenate3A_50 = tpu.concatenate %slice3A_49, %broadcast_in_dim3A_48 in 1 : vector<256x511xf32>, vector<256x1xf32> -> vector<256x512xf32>
    %get3A_51 = arith.constant 0 : index
    %get3A_52 = arith.constant 0 : index
    %get3A_53 = arith.constant 0 : index
    %get3A_54 = vector.load %arg5[%get3A_51, %get3A_52, %get3A_53] : memref<3x512x256xf32, #tpu.memory_space<vmem>>, vector<1x512x256xf32>
    %get3A_55 = vector.shape_cast %get3A_54 : vector<1x512x256xf32> to vector<512x256xf32>
    %dot_general3A = arith.constant dense<0.000000e+00> : vector<512x512xf32>
    %dot_general3A_56 = tpu.matmul %get3A_55, %concatenate3A, %dot_general3A {dimension_numbers = #tpu.dot_dimension_numbers<[1], [0], [0], [1], [0, 0, 1, 1], [], []>, transpose_lhs_hint = false} : vector<512x256xf32>, vector<256x512xf32>, vector<512x512xf32> -> vector<512x512xf32>
    %get3A_57 = arith.constant 1 : index
    %get3A_58 = arith.constant 0 : index
    %get3A_59 = arith.constant 0 : index
    %get3A_60 = vector.load %arg5[%get3A_57, %get3A_58, %get3A_59] : memref<3x512x256xf32, #tpu.memory_space<vmem>>, vector<1x512x256xf32>
    %get3A_61 = vector.shape_cast %get3A_60 : vector<1x512x256xf32> to vector<512x256xf32>
    %dot_general3A_62 = arith.constant dense<0.000000e+00> : vector<512x512xf32>
    %dot_general3A_63 = tpu.matmul %get3A_61, %add3A, %dot_general3A_62 {dimension_numbers = #tpu.dot_dimension_numbers<[1], [0], [0], [1], [0, 0, 1, 1], [], []>, transpose_lhs_hint = false} : vector<512x256xf32>, vector<256x512xf32>, vector<512x512xf32> -> vector<512x512xf32>
    %add3A_64 = arith.addf %dot_general3A_56, %dot_general3A_63 : vector<512x512xf32>
    %get3A_65 = arith.constant 2 : index
    %get3A_66 = arith.constant 0 : index
    %get3A_67 = arith.constant 0 : index
    %get3A_68 = vector.load %arg5[%get3A_65, %get3A_66, %get3A_67] : memref<3x512x256xf32, #tpu.memory_space<vmem>>, vector<1x512x256xf32>
    %get3A_69 = vector.shape_cast %get3A_68 : vector<1x512x256xf32> to vector<512x256xf32>
    %dot_general3A_70 = arith.constant dense<0.000000e+00> : vector<512x512xf32>
    %dot_general3A_71 = tpu.matmul %get3A_69, %concatenate3A_50, %dot_general3A_70 {dimension_numbers = #tpu.dot_dimension_numbers<[1], [0], [0], [1], [0, 0, 1, 1], [], []>, transpose_lhs_hint = false} : vector<512x256xf32>, vector<256x512xf32>, vector<512x512xf32> -> vector<512x512xf32>
    %add3A_72 = arith.addf %add3A_64, %dot_general3A_71 : vector<512x512xf32>
    %get3A_73 = arith.constant 0 : index
    %get3A_74 = arith.constant 0 : index
    %get3A_75 = vector.load %arg6[%get3A_73, %get3A_74] : memref<512x1xf32, #tpu.memory_space<vmem>>, vector<512x1xf32>
    %add3A_76 = vector.broadcast %get3A_75 : vector<512x1xf32> to vector<512x512xf32>
    %add3A_77 = arith.addf %add3A_72, %add3A_76 : vector<512x512xf32>
    %broadcast_in_dim3A_78 = arith.constant 0xFF800000 : f32
    %broadcast_in_dim3A_79 = vector.broadcast %broadcast_in_dim3A_78 : f32 to vector<512x1xf32>
    %slice3A_80 = vector.extract_strided_slice %add3A_77 {offsets = [0, 0], sizes = [512, 511], strides = [1, 1]} : vector<512x512xf32> to vector<512x511xf32>
    %concatenate3A_81 = tpu.concatenate %broadcast_in_dim3A_79, %slice3A_80 in 1 : vector<512x1xf32>, vector<512x511xf32> -> vector<512x512xf32>
    %slice3A_82 = vector.extract_strided_slice %add3A_77 {offsets = [0, 1], sizes = [512, 511], strides = [1, 1]} : vector<512x512xf32> to vector<512x511xf32>
    %concatenate3A_83 = tpu.concatenate %slice3A_82, %broadcast_in_dim3A_79 in 1 : vector<512x511xf32>, vector<512x1xf32> -> vector<512x512xf32>
    %max3A = arith.maximumf %concatenate3A_81, %add3A_77 : vector<512x512xf32>
    %max3A_84 = arith.maximumf %max3A, %concatenate3A_83 : vector<512x512xf32>
    %iota3A = tpu.iota {dimensions = array<i32: 0>} : vector<512x256xi32>
    %iota3A_85 = tpu.iota {dimensions = array<i32: 1>} : vector<512x256xi32>
    %mul3A_86 = arith.constant 2 : i32
    %mul3A_87 = vector.broadcast %mul3A_86 : i32 to vector<512x256xi32>
    %mul3A_88 = arith.muli %mul3A_87, %iota3A_85 : vector<512x256xi32>
    %eq3A = arith.cmpi eq, %iota3A, %mul3A_88 : vector<512x256xi32>
    %convert_element_type3A_89 = arith.extui %eq3A : vector<512x256xi1> to vector<512x256xi32>
    %convert_element_type3A_90 = arith.sitofp %convert_element_type3A_89 : vector<512x256xi32> to vector<512x256xf32>
    %dot_general3A_91 = arith.constant dense<0.000000e+00> : vector<512x256xf32>
    %dot_general3A_92 = tpu.matmul %max3A_84, %convert_element_type3A_90, %dot_general3A_91 {dimension_numbers = #tpu.dot_dimension_numbers<[1], [0], [0], [1], [0, 0, 1, 1], [], []>, precision = #tpu.contract_precision<fp32>, transpose_lhs_hint = false} : vector<512x512xf32>, vector<512x256xf32>, vector<512x256xf32> -> vector<512x256xf32>
    %swap3A_93 = arith.constant 0 : index
    %swap3A_94 = arith.constant 0 : index
    %swap3A_95 = arith.constant 0 : index
    %swap3A_96 = vector.load %arg7[%swap3A_93, %swap3A_94, %swap3A_95] : memref<1x512x256xf32, #tpu.memory_space<vmem>>, vector<1x512x256xf32>
    %swap3A_97 = vector.shape_cast %swap3A_96 : vector<1x512x256xf32> to vector<512x256xf32>
    %swap3A_98 = vector.shape_cast %dot_general3A_92 : vector<512x256xf32> to vector<1x512x256xf32>
    tpu.vector_store %arg7[%swap3A_93, %swap3A_94, %swap3A_95], %swap3A_98 {strides = array<i32>} : memref<1x512x256xf32, #tpu.memory_space<vmem>>, vector<1x512x256xf32>,
    return
  }
  func.func @transform_0(%arg0: i32) -> (i32, i32, i32) {
    %c0_i32 = arith.constant 0 : i32
    %c0_i32_0 = arith.constant 0 : i32
    %c0_i32_1 = arith.constant 0 : i32
    return %arg0, %c0_i32, %c0_i32_0 : i32, i32, i32
  }
  func.func @transform_1(%arg0: i32) -> (i32, i32, i32) {
    %c0_i32 = arith.constant 0 : i32
    %c0_i32_0 = arith.constant 0 : i32
    %c0_i32_1 = arith.constant 0 : i32
    return %arg0, %c0_i32, %c0_i32_0 : i32, i32, i32
  }
  func.func @transform_2(%arg0: i32) -> (i32, i32, i32) {
    %c0_i32 = arith.constant 0 : i32
    %c0_i32_0 = arith.constant 0 : i32
    %c0_i32_1 = arith.constant 0 : i32
    return %arg0, %c0_i32, %c0_i32_0 : i32, i32, i32
  }
  func.func @transform_3(%arg0: i32) -> (i32, i32, i32) {
    %c0_i32 = arith.constant 0 : i32
    %c0_i32_0 = arith.constant 0 : i32
    %c0_i32_1 = arith.constant 0 : i32
    return %arg0, %c0_i32, %c0_i32_0 : i32, i32, i32
  }
  func.func @transform_4(%arg0: i32) -> (i32, i32, i32) {
    %c0_i32 = arith.constant 0 : i32
    %c0_i32_0 = arith.constant 0 : i32
    %c0_i32_1 = arith.constant 0 : i32
    %c0_i32_2 = arith.constant 0 : i32
    return %c0_i32, %c0_i32_0, %c0_i32_1 : i32, i32, i32
  }
  func.func @transform_5(%arg0: i32) -> (i32, i32) {
    %c0_i32 = arith.constant 0 : i32
    %c0_i32_0 = arith.constant 0 : i32
    %c0_i32_1 = arith.constant 0 : i32
    return %c0_i32, %c0_i32_0 : i32, i32
  }
  func.func @transform_6(%arg0: i32) -> (i32, i32, i32) {
    %c0_i32 = arith.constant 0 : i32
    %c0_i32_0 = arith.constant 0 : i32
    %c0_i32_1 = arith.constant 0 : i32
    return %arg0, %c0_i32, %c0_i32_0 : i32, i32, i32
  }
  func.func @transform_7(%arg0: i32) -> (i32, i32, i32) {
    %c0_i32 = arith.constant 0 : i32
    %c0_i32_0 = arith.constant 0 : i32
    %c0_i32_1 = arith.constant 0 : i32
    return %arg0, %c0_i32, %c0_i32_0 : i32, i32, i32
  }
}

</mosaic_0001>

<sc_bundles>
// kernel: kernel.12.cloned.1.call-start
scs
__scs_entry_jumppad:
0x0: {  	(pc) =	sbr.rel $0x88, $3  }
0x1: {  	(tag) =	ssettag $0x0;
	lr =	simm.s32 $0x1  }
0x2: {  	[smem:$0x3F86] =	sst lr;
	_ =	strace $0xD0000000  }
0x3: {  	_ = 	snop  }
0x4: {  	_ = 	snop  }
0x5: {  	_ = 	snop  }
0x6: {  	_ = 	snop  }
0x7: {  	_ = 	snop  }
__scs_overlays_trampoline_lowered:
0x8: {  	[smem:$0x3F95] =	sst s0  }
0x9: {  	[smem:$0x3F96] =	sst s1  }
0xa: {  	[smem:$0x3F97] =	sst s2  }
0xb: {  	[smem:$0x3F98] =	sst s3  }
0xc: {  	[smem:$0x3F99] =	sst s4  }
0xd: {  	[smem:$0x3F9A] =	sst s5  }
0xe: {  	[smem:$0x3F9B] =	sst s6  }
0xf: {  	[smem:$0x3F9C] =	sst s7  }
0x10: {  	[smem:$0x3F9D] =	sst s8  }
0x11: {  	[smem:$0x3F9E] =	sst s9;
	s0 =	simm.s32 @!p0 $0x0  }
0x12: {  	s1 =	sld [smem:$0x3F84];
	s0 =	simm.s32 @p0 $0x1  }
0x13: {  	[smem:$0x3F9F] =	sst s0;
	s0 =	simm.s32 @!p1 $0x0  }
0x14: {  	s2 =	sld [smem:$0x3F83];
	s0 =	simm.s32 @p1 $0x1  }
0x15: {  	[smem:$0x3FA0] =	sst s0;
	s0 =	simm.s32 @!p2 $0x0  }
0x16: {  	s3 =	sld [smem:$0x3FDB];
	s0 =	simm.s32 @p2 $0x1  }
0x17: {  	s4 =	simm.s32 $0x1BF5;
	[smem:$0x3FA2] =	sst s0  }
0x18: {  	s0 =	sld [smem:$0x3F85];
	_ =	swait.ge [sflag:s4], $0x0  }
0x19: {  	s7 =	sld [smem:$0x3F86]  }
0x1a: {  	s8 =	sadd.s32 $0xFFFFE003, lr  }
0x1b: {  	s9 =	sadd.s32 $0xFFFFFEF7, lr;
	s5 =	simm.s32 $0xFFFFFFFF;
	p2 =	slt.u32 s8, $0xFFFFF086  }
0x1c: {  	p1 =	slt.u32 s9, $0xF7A;
	s5 =	simm.s32 @!p2 $0x0  }
0x1d: {  	s5 =	simm.s32 @p1 $0x1;
	p0 =	seq.s32 s7, s2  }
0x1e: {  	s7 =	smul.u32 @!p0 $0xF7A, s2;
	p2 =	seq.s32 @!p0 s5, $0x0  }
0x1f: {  	s9 =	smul.u32 $0xF7A, s1;
	s8 =	simm.s32 @!p0 $0x1BF5;
	p2 =	por !p2, p0  }
0x20: {  	[sflag:s8] =	ssyncset.s32 @!p0 $0xFFFFF086;
	s6 =	sadd.s32 @!p0 s3, s7;
	s7 =	simm.s32 @!p0 $0x108  }
0x21: {  	s3 =	sadd.s32 s3, s9;
	s6 =	sadd.s32 @!p0 $0x88, s6;
	s7 =	simm.s32 @p2 $0x1082  }
0x22: {  	[simem:s7], [sflag:s8] =	dma.local @!p0 [hbm:s6], $0xF7A  }
0x23: {  	s9 =	sor.u32 $0xD0000000, s2;
	s6 =	simm.s32 $0x108;
	_ =	swait.ge @!p0 [sflag:s8], $0x0  }
0x24: {  	s3 =	sadd.s32 $0x88, s3;
	s6 =	simm.s32 @!p1 $0x1082;
	[sflag:s4] =	ssyncset.s32 $0xFFFFF086  }
0x25: {  	[simem:s6], [sflag:s4] =	dma.local [hbm:s3], $0xF7A  }
0x26: {  	[smem:$0x3F86] =	sst s1;
	(tag) =	ssettag s2;
	_ =	strace s9  }
0x27: {  	s1 =	sld [smem:$0x3F96]  }
0x28: {  	s2 =	sld [smem:$0x3F97]  }
0x29: {  	s4 =	sld [smem:$0x3F99]  }
0x2a: {  	p0 =	seq.s32 s5, $0x0;
	s5 =	sld [smem:$0x3F9A]  }
0x2b: {  	s6 =	sld [smem:$0x3F9B]  }
0x2c: {  	s7 =	sld [smem:$0x3F9C]  }
0x2d: {  	s3 =	simm.s32 $0x108;
	s8 =	sld [smem:$0x3F9D]  }
0x2e: {  	s3 =	simm.s32 @!p0 $0x1082;
	s9 =	sld [smem:$0x3F9E]  }
0x2f: {  	lr =	sadd.s32 s0, s3;
	s0 =	sld [smem:$0x3F95]  }
0x30: {  	s3 =	sld [smem:$0x3F98]  }
0x31: {  	[smem:$0x3FA1] =	sst s10  }
0x32: {  	s10 =	sld [smem:$0x3F9F];
	_ =	sdelay $0x3  }
0x33: {  	p0 =	seq.s32 s10, $0x1;
	s10 =	sld [smem:$0x3FA1];
	_ =	sdelay $0x3  }
0x34: {  	[smem:$0x3FA1] =	sst s10  }
0x35: {  	s10 =	sld [smem:$0x3FA0];
	_ =	sdelay $0x3  }
0x36: {  	p1 =	seq.s32 s10, $0x1;
	s10 =	sld [smem:$0x3FA1];
	_ =	sdelay $0x3  }
0x37: {  	[smem:$0x3FA1] =	sst s10  }
0x38: {  	s10 =	sld [smem:$0x3FA2]  }
0x39: {  	_ = 	snop;
	(pc) =	sbr.ind lr, $3  }
0x3a: {  	_ = 	snop  }
0x3b: {  	_ = 	snop  }
0x3c: {  	p2 =	seq.s32 s10, $0x1;
	s10 =	sld [smem:$0x3FA1]  }
0x3d: {  	_ =	shalt  }
0x3e: {  	_ =	shalt  }
0x3f: {  	_ =	shalt  }
0x40: {  	_ =	shalt  }
0x41: {  	_ =	shalt  }
0x42: {  	_ =	shalt  }
0x43: {  	_ =	shalt  }
0x44: {  	_ =	shalt  }
0x45: {  	_ =	shalt  }
0x46: {  	_ =	shalt  }
0x47: {  	_ =	shalt  }
0x48: {  	_ =	shalt  }
0x49: {  	_ =	shalt  }
0x4a: {  	_ =	shalt  }
0x4b: {  	_ =	shalt  }
0x4c: {  	_ =	shalt  }
0x4d: {  	_ =	shalt  }
0x4e: {  	_ =	shalt  }
0x4f: {  	_ =	shalt  }
0x50: {  	_ =	shalt  }
0x51: {  	_ =	shalt  }
0x52: {  	_ =	shalt  }
0x53: {  	_ =	shalt  }
0x54: {  	_ =	shalt  }
0x55: {  	_ =	shalt  }
0x56: {  	_ =	shalt  }
0x57: {  	_ =	shalt  }
0x58: {  	_ =	shalt  }
0x59: {  	_ =	shalt  }
0x5a: {  	_ =	shalt  }
0x5b: {  	_ =	shalt  }
0x5c: {  	_ =	shalt  }
0x5d: {  	_ =	shalt  }
0x5e: {  	_ =	shalt  }
0x5f: {  	_ =	shalt  }
0x60: {  	_ =	shalt  }
0x61: {  	_ =	shalt  }
0x62: {  	_ =	shalt  }
0x63: {  	_ =	shalt  }
0x64: {  	_ =	shalt  }
0x65: {  	_ =	shalt  }
0x66: {  	_ =	shalt  }
0x67: {  	_ =	shalt  }
0x68: {  	_ =	shalt  }
0x69: {  	_ =	shalt  }
0x6a: {  	_ =	shalt  }
0x6b: {  	_ =	shalt  }
0x6c: {  	_ =	shalt  }
0x6d: {  	_ =	shalt  }
0x6e: {  	_ =	shalt  }
0x6f: {  	_ =	shalt  }
0x70: {  	_ =	shalt  }
0x71: {  	_ =	shalt  }
0x72: {  	_ =	shalt  }
0x73: {  	_ =	shalt  }
0x74: {  	_ =	shalt  }
0x75: {  	_ =	shalt  }
0x76: {  	_ =	shalt  }
0x77: {  	_ =	shalt  }
0x78: {  	_ =	shalt  }
0x79: {  	_ =	shalt  }
0x7a: {  	_ =	shalt  }
0x7b: {  	_ =	shalt  }
0x7c: {  	_ =	shalt  }
0x7d: {  	_ =	shalt  }
0x7e: {  	_ =	shalt  }
0x7f: {  	_ =	shalt  }
0x80: {  	_ =	shalt  }
0x81: {  	_ =	shalt  }
0x82: {  	_ =	shalt  }
0x83: {  	_ =	shalt  }
0x84: {  	_ =	shalt  }
0x85: {  	_ =	shalt  }
0x86: {  	_ =	shalt  }
0x87: {  	_ =	shalt  }
.Lfunc_end0:
.L_simem_size_0:
called_computation_lowered:
.L_overlay_start_0:
0x88: {  	s2 =	sld [smem:$0x3FD9]  }
0x89: {  	s3 =	sld [smem:$0x3FFE];
	_ =	sdelay $0x1  }
0x8a: {  	s1 =	srdreg.scid  }
0x8b: {  	s0 =	sand.u32 $0x1, s1  }
0x8c: {  	s14 =	sshll.u32 s0, $0xA;
	s2 =	sadd.s32 s3, s2  }
0x8d: {  	s2 =	sadd.s32 s2, s14  }
0x8e: {  	[smem:$0x3FAD] =	sst s2  }
0x8f: {  	_ = 	snop  }
0x90: {  	s2 =	sld [smem:$0x3FD0];
	_ =	sdelay $0x2  }
0x91: {  	s15 =	simm.s32 $0xA;
	s4 =	simm.s32 $0x10  }
0x92: {  	[smem:s4], [sflag:s15] =	dma.local [hbm:s2], $0x1  }
0x93: {  	_ =	swait.eq [sflag:s15], $0x1  }
0x94: {  	[sflag:s15] =	ssyncset.done $0x0  }
0x95: {  	s16 =	sld [smem:$0x10];
	[sflag:s15] =	ssyncadd.s32 $0xFFFFFFFF  }
0x96: {  	s17 =	sld [smem:$0x11];
	(tm) =	ssettm $0x1  }
0x97: {  	s18 =	sld [smem:$0x3FFB];
	_ =	sdelay $0x3  }
0x98: {  	_ =	strace s18  }
0x99: {  	s4 =	sld [smem:$0x3FFC];
	_ =	sdelay $0x3  }
0x9a: {  	_ =	strace s4  }
0x9b: {  	s4 =	sld [smem:$0x3FFD];
	_ =	sdelay $0x3  }
0x9c: {  	_ =	strace s4  }
0x9d: {  	_ =	strace $0x8FFFFFFF  }
0x9e: {  	s19 =	sld [smem:$0x3FDB];
	_ =	sdelay $0x1  }
0x9f: {  	s5 =	simm.s32 $_scs_section_size  }
0xa0: {  	s6 =	simm.s32 $_size__tile_overlayer_lowered;
	s7 =	simm.s32 $_tile_overlayer_lowered  }
0xa1: {  	s22 =	simm.s32 $0x1BFF;
	s21 =	sshll.u32 s7, $0x1;
	s4 =	sadd.s32 s5, s19  }
0xa2: {  	s8 =	simm.s32 $0x0;
	s20 =	sshll.u32 s6, $0x1;
	s6 =	sadd.s32 s21, s4  }
0xa3: {  	[timem:s8], [sflag:s22] =	dma.local [hbm:s6], s20  }
0xa4: {  	_ =	swait.ge [sflag:s22], s20  }
0xa5: {  	s5 =	ssub.s32 $0x0, s20;
	[sflag:s22] =	ssyncset.done $0x0  }
0xa6: {  	[sflag:s22] =	ssyncadd.s32 s5;
	_ =	sdelay $0x1  }
0xa7: {  	s23 =	simm.s32 $0x1B8B  }
0xa8: {  	_ =	swait.ge [sflag:s23], $0x1  }
0xa9: {  	[sflag:s23] =	ssyncset.done $0x0  }
0xaa: {  	s25 =	simm.s32 $0x1B8E;
	s24 =	sld [smem:$0x3FFE];
	[sflag:s23] =	ssyncadd.s32 $0xFFFFFFFF  }
0xab: {  	s26 =	simm.s32 $execute0_lowered;
	[smem:$0x3FD2] =	sst s25  }
0xac: {  	s6 =	sshll.u32 s26, $0x1;
	_ =	strace $0x80000046;
	[dreg:$0x1] =	wrdreg $0xFFFFFFFF  }
0xad: {  	s28 =	simm.s32 $_size_execute0_lowered;
	s4 =	sadd.s32 s4, s6;
	[dreg:$0x0] =	wrdreg $0x0  }
0xae: {  	s6 =	sshll.u32 s28, $0x1;
	[dreg:$0x2] =	wrdreg s4  }
0xaf: {  	[dreg:$0x3] =	wrdreg s6  }
0xb0: {  	[dreg:$0x4] =	wrdreg $0xC0  }
0xb1: {  	_ =	task [dreg:s8], $0x5FFFF  }
0xb2: {  	[dreg:$0x1] =	wrdreg $0xFFFFFFFF  }
0xb3: {  	[dreg:$0x0] =	wrdreg $0x60  }
0xb4: {  	[dreg:$0x2] =	wrdreg s17  }
0xb5: {  	[dreg:$0x3] =	wrdreg s16  }
0xb6: {  	[dreg:$0x4] =	wrdreg s24  }
0xb7: {  	[dreg:$0x5] =	wrdreg $0x9  }
0xb8: {  	_ =	task.clear_ibuf [dreg:s8], $0x6FFFF;
	_ =	strace $0x90000046  }
0xb9: {  	s29 =	simm.s32 $0x9;
	_ =	strace $0x80000048  }
0xba: {  	_ =	swait.ge [sflag:s29], $0x1  }
0xbb: {  	[sflag:s29] =	ssyncadd.s32 $0xFFFFFFFF  }
0xbc: {  	_ =	strace $0x90000048  }
0xbd: {  	_ =	sfence  }
0xbe: {  	s30 =	sld [smem:$0x0];
	_ =	sdelay $0x2  }
0xbf: {  	s31 =	sshll.u32 s1, $0xD;
	s1 =	sshrl.u32 s1, $0x2  }
0xc0: {  	s3 =	sand.u32 $0x4000, s31;
	s1 =	sadd.s32 s1, s30  }
0xc1: {  	s0 =	sor.u32 s3, s0;
	s1 =	sshll.u32 s1, $0x11  }
0xc2: {  	s0 =	sor.u32 s1, s0  }
0xc3: {  	s0 =	sadd.s32 $0x8F2B, s0  }
0xc4: {  	[sflag:s0] =	ssyncadd.remote.s32 $0x1  }
0xc5: {  	_ =	sfence.sel $0xFFFF  }
0xc6: {  	[dreg:$0x0] =	wrdreg $0xFFFFFFFF;
	(pc) =	sbr.abs _section_cstart, $3  }
0xc7: {  	[dreg:$0x1] =	wrdreg $0xFFFFFFFF  }
0xc8: {  	_ =	task.clear_ibuf [dreg:s8], $0x2FFFF;
	_ =	strace $0x9FFFFFFF  }
0xc9: {  	(tm) =	ssettm $0x7FFFFFFF  }
tec
execute0_lowered:
.L_overlay_start_1:
0x0: {  	(tag) =	ssettag $0x1  }
0x1: {  	s6 =	rddreg [dreg:$0x0]  }
0x2: {  	s4 =	rddreg [dreg:$0x1]  }
0x3: {  	s7 =	rddreg [dreg:$0x2]  }
0x4: {  	s0 =	rddreg [dreg:$0x3];
	s3 =	srdreg.scid  }
0x5: {  	s2 =	simm.s32 $0x0;
	s1 =	stileid.u32;
	s11 =	simm.s32 $0x100  }
0x6: {  	s12 =	simm.s32 $0x900;
	s13 =	simm.s32 $0x1100;
	s14 =	simm.s32 $0x1900  }
0x7: {  	s15 =	simm.s32 $0x2100;
	s16 =	simm.s32 $0x2900;
	s17 =	simm.s32 $0x3100  }
0x8: {  	s18 =	simm.s32 $0x3900;
	s19 =	simm.s32 $0x1;
	s3 =	sand.u32 $0x1, s3  }
0x9: {  	[smem:$0x7FF] =	sst s2;
	s5 =	sshll.u32 s1, $0x6;
	s8 =	sshll.u32 s3, $0x5  }
0xa: {  	_ =	strace $0x80000047;
	s9 =	ssub.s32 $0x2, s3;
	s5 =	sor.u32 s8, s5  }
0xb: {  	s3 =	sadd.s32 $0xA00, s7;
	s30 =	sshrl.u32 s9, $0x1;
	s10 =	sshrl.u32 s5, $0x3  }
0xc: {  	v2 =	vlaneseq.u32;
	s8 =	ssub.s32 s9, s30;
	s31 =	sshll.u32 s5, $0x6;
	s9 =	simm.s32 $0x2  }
0xd: {  	vm0 =	vmmov $0xffff;
	v1 =	vshrl.u32 v2, $0x3;
	s4 =	sadd.s32 s4, s10;
	s5 =	sadd.s32 s7, s10;
	s6 =	sadd.s32 s6, s31  }
0xe: {  	v0 =	vand.u32 $0x7, v2;
	v2 =	vor.u32 $0x8, v2;
	v1 =	vmul.u32 $0x8, v1;
	s7 =	sadd.s32 $0xB00, s7;
	s8 =	smax.u32 s8, $0x1;
	s10 =	simm.s32 $0x80  }
.LBB2_1:
0xf: {  	[tilespmem:s2], [sflag:$0x2] =	stream.linear.gather [hbm4b:s4+s2], $0x20, $0x38;
	[tilespmem:$0x4100] =	vst v63  }
0x10: {  	_ =	swait.ge [sflag:s9], $0x20  }
0x11: {  	[sflag:s9] =	ssyncset.done $0x0  }
0x12: {  	[sflag:s9] =	ssyncadd.s32 $0xFFFFFFE0  }
0x13: {  	[tilespmem:s10], [sflag:$0x2] =	stream.linear.gather [hbm4b:s5+s2], $0x20, $0x38;
	[tilespmem:$0x4100] =	vst v63  }
0x14: {  	_ =	swait.ge [sflag:s9], $0x20  }
0x15: {  	[sflag:s9] =	ssyncset.done $0x0  }
0x16: {  	[sflag:s9] =	ssyncadd.s32 $0xFFFFFFE0  }
0x17: {  	[tilespmem:s11], [sflag:$0x2] =	stream.linear.gather [hbm4b:s6+s2], $0x4000, $0x38;
	[tilespmem:$0x4100] =	vst v63  }
0x18: {  	_ =	swait.ge [sflag:s9], $0x4000  }
0x19: {  	[sflag:s9] =	ssyncset.done $0x0  }
0x1a: {  	[sflag:s9] =	ssyncadd.s32 $0xFFFFC000  }
0x1b: {  	v3 =	vld [tilespmem:$0x0];
	_ =	sdelay $0x4  }
0x1c: {  	v4 =	vshll.u32 v3, $0x2  }
0x1d: {  	v3 =	vand.u32 $0x7, v3;
	v4 =	vand.u32 $0xFFFFFFE0, v4  }
0x1e: {  	v3 =	vor.u32 v3, v4  }
0x1f: {  	v4 =	vperm.xlane v3, v0;
	_ =	sdelay $0x1  }
0x20: {  	v4 =	vadd.s32 v1, v4;
	_ =	sdelay $0x1  }
0x21: {  	v3 =	vperm.xlane v3, v2;
	_ =	sdelay $0x1  }
0x22: {  	v3 =	vadd.s32 v1, v3  }
0x23: {  	[hbm4b:s3+s2] =	stream.indirect_vreg.scatter [tilespmem:s11], [sflag:$0x1], $0x80, v4, vm0, $0xb8;
	[tilespmem:$0x4100] =	vst v63  }
0x24: {  	_ = 	snop  }
0x25: {  	[hbm4b:s7+s2] =	stream.indirect_vreg.scatter [tilespmem:s12], [sflag:$0x1], $0x80, v4, vm0, $0xb8;
	[tilespmem:$0x4100] =	vst v63  }
0x26: {  	_ = 	snop  }
0x27: {  	[hbm4b:s3+s2] =	stream.indirect_vreg.scatter [tilespmem:s13], [sflag:$0x1], $0x80, v3, vm0, $0xb8;
	[tilespmem:$0x4100] =	vst v63  }
0x28: {  	_ = 	snop  }
0x29: {  	[hbm4b:s7+s2] =	stream.indirect_vreg.scatter [tilespmem:s14], [sflag:$0x1], $0x80, v3, vm0, $0xb8;
	[tilespmem:$0x4100] =	vst v63  }
0x2a: {  	v3 =	vld [tilespmem:$0x10];
	_ =	sdelay $0x4  }
0x2b: {  	v61 =	vshll.u32 v3, $0x2  }
0x2c: {  	v3 =	vand.u32 $0x7, v3;
	v4 =	vand.u32 $0xFFFFFFE0, v61  }
0x2d: {  	v3 =	vor.u32 v3, v4  }
0x2e: {  	v4 =	vperm.xlane v3, v0;
	_ =	sdelay $0x1  }
0x2f: {  	v4 =	vadd.s32 v1, v4;
	_ =	sdelay $0x1  }
0x30: {  	v3 =	vperm.xlane v3, v2;
	_ =	sdelay $0x1  }
0x31: {  	v3 =	vadd.s32 v1, v3  }
0x32: {  	[hbm4b:s3+s2] =	stream.indirect_vreg.scatter [tilespmem:s15], [sflag:$0x1], $0x80, v4, vm0, $0xb8;
	[tilespmem:$0x4100] =	vst v63  }
0x33: {  	_ = 	snop  }
0x34: {  	[hbm4b:s7+s2] =	stream.indirect_vreg.scatter [tilespmem:s16], [sflag:$0x1], $0x80, v4, vm0, $0xb8;
	[tilespmem:$0x4100] =	vst v63  }
0x35: {  	_ = 	snop  }
0x36: {  	[hbm4b:s3+s2] =	stream.indirect_vreg.scatter [tilespmem:s17], [sflag:$0x1], $0x80, v3, vm0, $0xb8;
	[tilespmem:$0x4100] =	vst v63  }
0x37: {  	_ = 	snop  }
0x38: {  	[hbm4b:s7+s2] =	stream.indirect_vreg.scatter [tilespmem:s18], [sflag:$0x1], $0x80, v3, vm0, $0xb8;
	[tilespmem:$0x4100] =	vst v63  }
0x39: {  	_ =	swait.ge [sflag:s19], $0x4000  }
0x3a: {  	[sflag:s19] =	ssyncset.done $0x0  }
0x3b: {  	[sflag:s19] =	ssyncadd.s32 $0xFFFFC000  }
0x3c: {  	v3 =	vld [tilespmem:$0x80];
	_ =	sdelay $0x4  }
0x3d: {  	v62 =	vshll.u32 v3, $0x2  }
0x3e: {  	v3 =	vand.u32 $0x7, v3;
	v4 =	vand.u32 $0xFFFFFFE0, v62  }
0x3f: {  	v3 =	vor.u32 v3, v4  }
0x40: {  	v4 =	vperm.xlane v3, v0;
	_ =	sdelay $0x1  }
0x41: {  	v4 =	vadd.s32 v1, v4;
	_ =	sdelay $0x1  }
0x42: {  	v3 =	vperm.xlane v3, v2;
	_ =	sdelay $0x1  }
0x43: {  	v3 =	vadd.s32 v1, v3  }
0x44: {  	[hbm4b:s3+s2] =	stream.indirect_vreg.scatter [tilespmem:s11], [sflag:$0x1], $0x80, v4, vm0, $0xb8;
	[tilespmem:$0x4100] =	vst v63  }
0x45: {  	_ = 	snop  }
0x46: {  	[hbm4b:s7+s2] =	stream.indirect_vreg.scatter [tilespmem:s12], [sflag:$0x1], $0x80, v4, vm0, $0xb8;
	[tilespmem:$0x4100] =	vst v63  }
0x47: {  	_ = 	snop  }
0x48: {  	[hbm4b:s3+s2] =	stream.indirect_vreg.scatter [tilespmem:s13], [sflag:$0x1], $0x80, v3, vm0, $0xb8;
	[tilespmem:$0x4100] =	vst v63  }
0x49: {  	_ = 	snop  }
0x4a: {  	[hbm4b:s7+s2] =	stream.indirect_vreg.scatter [tilespmem:s14], [sflag:$0x1], $0x80, v3, vm0, $0xb8;
	[tilespmem:$0x4100] =	vst v63  }
0x4b: {  	v3 =	vld [tilespmem:$0x90];
	_ =	sdelay $0x4  }
0x4c: {  	v63 =	vshll.u32 v3, $0x2  }
0x4d: {  	v3 =	vand.u32 $0x7, v3;
	v4 =	vand.u32 $0xFFFFFFE0, v63  }
0x4e: {  	v3 =	vor.u32 v3, v4  }
0x4f: {  	v4 =	vperm.xlane v3, v0;
	_ =	sdelay $0x1  }
0x50: {  	v4 =	vadd.s32 v1, v4;
	_ =	sdelay $0x1  }
0x51: {  	v3 =	vperm.xlane v3, v2;
	_ =	sdelay $0x1  }
0x52: {  	v3 =	vadd.s32 v1, v3  }
0x53: {  	[hbm4b:s3+s2] =	stream.indirect_vreg.scatter [tilespmem:s15], [sflag:$0x1], $0x80, v4, vm0, $0xb8;
	[tilespmem:$0x4100] =	vst v63  }
0x54: {  	_ = 	snop  }
0x55: {  	[hbm4b:s7+s2] =	stream.indirect_vreg.scatter [tilespmem:s16], [sflag:$0x1], $0x80, v4, vm0, $0xb8;
	[tilespmem:$0x4100] =	vst v63  }
0x56: {  	p0 =	sne.s32 s8, $0x1  }
0x57: {  	[hbm4b:s3+s2] =	stream.indirect_vreg.scatter [tilespmem:s17], [sflag:$0x1], $0x80, v3, vm0, $0xb8;
	[tilespmem:$0x4100] =	vst v63  }
.Ltmp0:
0x58: {  	_ = 	snop;
	(pc) =	sbr.rel @p0 .LBB2_1-.Ltmp0, $4  }
0x59: {  	[hbm4b:s7+s2] =	stream.indirect_vreg.scatter [tilespmem:s18], [sflag:$0x1], $0x80, v3, vm0, $0xb8;
	[tilespmem:$0x4100] =	vst v63  }
0x5a: {  	_ =	swait.ge [sflag:s19], $0x4000  }
0x5b: {  	[sflag:s19] =	ssyncset.done $0x0  }
0x5c: {  	s8 =	sadd.s32 $0xFFFFFFFF, s8;
	[sflag:s19] =	ssyncadd.s32 $0xFFFFC000  }
0x5d: {  	_ =	sfence.sel $0x180000  }
0x5e: {  	[bflag:$0x0] =	sbarrier.arrive $0xFFFF  }
0x5f: {  	p0 =	sne.s32 s1, $0x0;
	_ =	strace $0x90000047  }
0x60: {  	s0 =	sadd.s32 @!p0 $0x100000, s0;
	[bflag:$0x2] =	sbarrier.arrive $0xFFFF  }
0x61: {  	[sflag:s0] =	ssyncadd.tile.s32 @!p0 $0x1;
	_ =	shalt  }
.Lfunc_end2:
_tile_overlayer_lowered:
.L_overlay_start_2:
0x62: {  	(tag) =	ssettag $0x2  }
0x63: {  	s0 =	rddreg [dreg:$0x0];
	s2 =	stileid.u32  }
0x64: {  	s1 =	rddreg [dreg:$0x1];
	p0 =	sne.s32 s2, $0x0  }
0x65: {  	s3 =	rddreg [dreg:$0x2];
	[bflag:$0x3] =	sbarrier.arrive $0xFFFF;
	s2 =	simm.s32 @!p0 $0x1C02  }
0x66: {  	[timem:s3], [sflag:s2] =	dma.local @!p0 [hbm:s0], s1  }
0x67: {  	s0 =	simm.s32 @!p0 $0x2  }
0x68: {  	_ =	swait.ge @!p0 [sflag:s0], s1  }
0x69: {  	s1 =	ssub.s32 @!p0 $0x0, s1;
	[sflag:s0] =	ssyncset.done @!p0 $0x0  }
0x6a: {  	[sflag:s0] =	ssyncadd.s32 @!p0 s1  }
0x6b: {  	[bflag:$0x3] =	sbarrier.arrive $0xFFFF  }
0x6c: {  	_ =	shalt  }

// kernel: kernel.15.cloned.1.call-start
scs
__scs_entry_jumppad:
0x0: {  	(pc) =	sbr.rel $0x88, $3  }
0x1: {  	(tag) =	ssettag $0x0;
	lr =	simm.s32 $0x1  }
0x2: {  	[smem:$0x3F86] =	sst lr;
	_ =	strace $0xD0000000  }
0x3: {  	_ = 	snop  }
0x4: {  	_ = 	snop  }
0x5: {  	_ = 	snop  }
0x6: {  	_ = 	snop  }
0x7: {  	_ = 	snop  }
__scs_overlays_trampoline_lowered:
0x8: {  	[smem:$0x3F95] =	sst s0  }
0x9: {  	[smem:$0x3F96] =	sst s1  }
0xa: {  	[smem:$0x3F97] =	sst s2  }
0xb: {  	[smem:$0x3F98] =	sst s3  }
0xc: {  	[smem:$0x3F99] =	sst s4  }
0xd: {  	[smem:$0x3F9A] =	sst s5  }
0xe: {  	[smem:$0x3F9B] =	sst s6  }
0xf: {  	[smem:$0x3F9C] =	sst s7  }
0x10: {  	[smem:$0x3F9D] =	sst s8  }
0x11: {  	[smem:$0x3F9E] =	sst s9;
	s0 =	simm.s32 @!p0 $0x0  }
0x12: {  	s1 =	sld [smem:$0x3F84];
	s0 =	simm.s32 @p0 $0x1  }
0x13: {  	[smem:$0x3F9F] =	sst s0;
	s0 =	simm.s32 @!p1 $0x0  }
0x14: {  	s2 =	sld [smem:$0x3F83];
	s0 =	simm.s32 @p1 $0x1  }
0x15: {  	[smem:$0x3FA0] =	sst s0;
	s0 =	simm.s32 @!p2 $0x0  }
0x16: {  	s3 =	sld [smem:$0x3FDB];
	s0 =	simm.s32 @p2 $0x1  }
0x17: {  	s4 =	simm.s32 $0x1BF5;
	[smem:$0x3FA2] =	sst s0  }
0x18: {  	s0 =	sld [smem:$0x3F85];
	_ =	swait.ge [sflag:s4], $0x0  }
0x19: {  	s7 =	sld [smem:$0x3F86]  }
0x1a: {  	s8 =	sadd.s32 $0xFFFFE003, lr  }
0x1b: {  	s9 =	sadd.s32 $0xFFFFFEF7, lr;
	s5 =	simm.s32 $0xFFFFFFFF;
	p2 =	slt.u32 s8, $0xFFFFF086  }
0x1c: {  	p1 =	slt.u32 s9, $0xF7A;
	s5 =	simm.s32 @!p2 $0x0  }
0x1d: {  	s5 =	simm.s32 @p1 $0x1;
	p0 =	seq.s32 s7, s2  }
0x1e: {  	s7 =	smul.u32 @!p0 $0xF7A, s2;
	p2 =	seq.s32 @!p0 s5, $0x0  }
0x1f: {  	s9 =	smul.u32 $0xF7A, s1;
	s8 =	simm.s32 @!p0 $0x1BF5;
	p2 =	por !p2, p0  }
0x20: {  	[sflag:s8] =	ssyncset.s32 @!p0 $0xFFFFF086;
	s6 =	sadd.s32 @!p0 s3, s7;
	s7 =	simm.s32 @!p0 $0x108  }
0x21: {  	s3 =	sadd.s32 s3, s9;
	s6 =	sadd.s32 @!p0 $0x88, s6;
	s7 =	simm.s32 @p2 $0x1082  }
0x22: {  	[simem:s7], [sflag:s8] =	dma.local @!p0 [hbm:s6], $0xF7A  }
0x23: {  	s9 =	sor.u32 $0xD0000000, s2;
	s6 =	simm.s32 $0x108;
	_ =	swait.ge @!p0 [sflag:s8], $0x0  }
0x24: {  	s3 =	sadd.s32 $0x88, s3;
	s6 =	simm.s32 @!p1 $0x1082;
	[sflag:s4] =	ssyncset.s32 $0xFFFFF086  }
0x25: {  	[simem:s6], [sflag:s4] =	dma.local [hbm:s3], $0xF7A  }
0x26: {  	[smem:$0x3F86] =	sst s1;
	(tag) =	ssettag s2;
	_ =	strace s9  }
0x27: {  	s1 =	sld [smem:$0x3F96]  }
0x28: {  	s2 =	sld [smem:$0x3F97]  }
0x29: {  	s4 =	sld [smem:$0x3F99]  }
0x2a: {  	p0 =	seq.s32 s5, $0x0;
	s5 =	sld [smem:$0x3F9A]  }
0x2b: {  	s6 =	sld [smem:$0x3F9B]  }
0x2c: {  	s7 =	sld [smem:$0x3F9C]  }
0x2d: {  	s3 =	simm.s32 $0x108;
	s8 =	sld [smem:$0x3F9D]  }
0x2e: {  	s3 =	simm.s32 @!p0 $0x1082;
	s9 =	sld [smem:$0x3F9E]  }
0x2f: {  	lr =	sadd.s32 s0, s3;
	s0 =	sld [smem:$0x3F95]  }
0x30: {  	s3 =	sld [smem:$0x3F98]  }
0x31: {  	[smem:$0x3FA1] =	sst s10  }
0x32: {  	s10 =	sld [smem:$0x3F9F];
	_ =	sdelay $0x3  }
0x33: {  	p0 =	seq.s32 s10, $0x1;
	s10 =	sld [smem:$0x3FA1];
	_ =	sdelay $0x3  }
0x34: {  	[smem:$0x3FA1] =	sst s10  }
0x35: {  	s10 =	sld [smem:$0x3FA0];
	_ =	sdelay $0x3  }
0x36: {  	p1 =	seq.s32 s10, $0x1;
	s10 =	sld [smem:$0x3FA1];
	_ =	sdelay $0x3  }
0x37: {  	[smem:$0x3FA1] =	sst s10  }
0x38: {  	s10 =	sld [smem:$0x3FA2]  }
0x39: {  	_ = 	snop;
	(pc) =	sbr.ind lr, $3  }
0x3a: {  	_ = 	snop  }
0x3b: {  	_ = 	snop  }
0x3c: {  	p2 =	seq.s32 s10, $0x1;
	s10 =	sld [smem:$0x3FA1]  }
0x3d: {  	_ =	shalt  }
0x3e: {  	_ =	shalt  }
0x3f: {  	_ =	shalt  }
0x40: {  	_ =	shalt  }
0x41: {  	_ =	shalt  }
0x42: {  	_ =	shalt  }
0x43: {  	_ =	shalt  }
0x44: {  	_ =	shalt  }
0x45: {  	_ =	shalt  }
0x46: {  	_ =	shalt  }
0x47: {  	_ =	shalt  }
0x48: {  	_ =	shalt  }
0x49: {  	_ =	shalt  }
0x4a: {  	_ =	shalt  }
0x4b: {  	_ =	shalt  }
0x4c: {  	_ =	shalt  }
0x4d: {  	_ =	shalt  }
0x4e: {  	_ =	shalt  }
0x4f: {  	_ =	shalt  }
0x50: {  	_ =	shalt  }
0x51: {  	_ =	shalt  }
0x52: {  	_ =	shalt  }
0x53: {  	_ =	shalt  }
0x54: {  	_ =	shalt  }
0x55: {  	_ =	shalt  }
0x56: {  	_ =	shalt  }
0x57: {  	_ =	shalt  }
0x58: {  	_ =	shalt  }
0x59: {  	_ =	shalt  }
0x5a: {  	_ =	shalt  }
0x5b: {  	_ =	shalt  }
0x5c: {  	_ =	shalt  }
0x5d: {  	_ =	shalt  }
0x5e: {  	_ =	shalt  }
0x5f: {  	_ =	shalt  }
0x60: {  	_ =	shalt  }
0x61: {  	_ =	shalt  }
0x62: {  	_ =	shalt  }
0x63: {  	_ =	shalt  }
0x64: {  	_ =	shalt  }
0x65: {  	_ =	shalt  }
0x66: {  	_ =	shalt  }
0x67: {  	_ =	shalt  }
0x68: {  	_ =	shalt  }
0x69: {  	_ =	shalt  }
0x6a: {  	_ =	shalt  }
0x6b: {  	_ =	shalt  }
0x6c: {  	_ =	shalt  }
0x6d: {  	_ =	shalt  }
0x6e: {  	_ =	shalt  }
0x6f: {  	_ =	shalt  }
0x70: {  	_ =	shalt  }
0x71: {  	_ =	shalt  }
0x72: {  	_ =	shalt  }
0x73: {  	_ =	shalt  }
0x74: {  	_ =	shalt  }
0x75: {  	_ =	shalt  }
0x76: {  	_ =	shalt  }
0x77: {  	_ =	shalt  }
0x78: {  	_ =	shalt  }
0x79: {  	_ =	shalt  }
0x7a: {  	_ =	shalt  }
0x7b: {  	_ =	shalt  }
0x7c: {  	_ =	shalt  }
0x7d: {  	_ =	shalt  }
0x7e: {  	_ =	shalt  }
0x7f: {  	_ =	shalt  }
0x80: {  	_ =	shalt  }
0x81: {  	_ =	shalt  }
0x82: {  	_ =	shalt  }
0x83: {  	_ =	shalt  }
0x84: {  	_ =	shalt  }
0x85: {  	_ =	shalt  }
0x86: {  	_ =	shalt  }
0x87: {  	_ =	shalt  }
.Lfunc_end0:
.L_simem_size_0:
called_computation.1_lowered:
.L_overlay_start_0:
0x88: {  	s2 =	sld [smem:$0x3FD9]  }
0x89: {  	s3 =	sld [smem:$0x3FFE];
	_ =	sdelay $0x1  }
0x8a: {  	s1 =	srdreg.scid  }
0x8b: {  	s0 =	sand.u32 $0x1, s1  }
0x8c: {  	s14 =	sshll.u32 s0, $0xA;
	s2 =	sadd.s32 s3, s2  }
0x8d: {  	s2 =	sadd.s32 s2, s14  }
0x8e: {  	[smem:$0x3FAD] =	sst s2  }
0x8f: {  	_ = 	snop  }
0x90: {  	s2 =	sld [smem:$0x3FD0];
	_ =	sdelay $0x2  }
0x91: {  	s15 =	simm.s32 $0xA;
	s4 =	simm.s32 $0x10  }
0x92: {  	[smem:s4], [sflag:s15] =	dma.local [hbm:s2], $0x1  }
0x93: {  	_ =	swait.eq [sflag:s15], $0x1  }
0x94: {  	[sflag:s15] =	ssyncset.done $0x0  }
0x95: {  	s16 =	sld [smem:$0x10];
	[sflag:s15] =	ssyncadd.s32 $0xFFFFFFFF  }
0x96: {  	s17 =	sld [smem:$0x11];
	(tm) =	ssettm $0x1  }
0x97: {  	s18 =	sld [smem:$0x3FFB];
	_ =	sdelay $0x3  }
0x98: {  	_ =	strace s18  }
0x99: {  	s4 =	sld [smem:$0x3FFC];
	_ =	sdelay $0x3  }
0x9a: {  	_ =	strace s4  }
0x9b: {  	s4 =	sld [smem:$0x3FFD];
	_ =	sdelay $0x3  }
0x9c: {  	_ =	strace s4  }
0x9d: {  	_ =	strace $0x8FFFFFFF  }
0x9e: {  	s19 =	sld [smem:$0x3FDB];
	_ =	sdelay $0x1  }
0x9f: {  	s5 =	simm.s32 $_scs_section_size  }
0xa0: {  	s6 =	simm.s32 $_size__tile_overlayer_lowered;
	s7 =	simm.s32 $_tile_overlayer_lowered  }
0xa1: {  	s22 =	simm.s32 $0x1BFF;
	s21 =	sshll.u32 s7, $0x1;
	s4 =	sadd.s32 s5, s19  }
0xa2: {  	s8 =	simm.s32 $0x0;
	s20 =	sshll.u32 s6, $0x1;
	s6 =	sadd.s32 s21, s4  }
0xa3: {  	[timem:s8], [sflag:s22] =	dma.local [hbm:s6], s20  }
0xa4: {  	_ =	swait.ge [sflag:s22], s20  }
0xa5: {  	s5 =	ssub.s32 $0x0, s20;
	[sflag:s22] =	ssyncset.done $0x0  }
0xa6: {  	[sflag:s22] =	ssyncadd.s32 s5;
	_ =	sdelay $0x1  }
0xa7: {  	s23 =	simm.s32 $0x1B8B  }
0xa8: {  	_ =	swait.ge [sflag:s23], $0x1  }
0xa9: {  	[sflag:s23] =	ssyncset.done $0x0  }
0xaa: {  	s25 =	simm.s32 $0x1B8E;
	s24 =	sld [smem:$0x3FFE];
	[sflag:s23] =	ssyncadd.s32 $0xFFFFFFFF  }
0xab: {  	s26 =	simm.s32 $execute0_lowered;
	[smem:$0x3FD2] =	sst s25  }
0xac: {  	s6 =	sshll.u32 s26, $0x1;
	_ =	strace $0x80000049;
	[dreg:$0x1] =	wrdreg $0xFFFFFFFF  }
0xad: {  	s28 =	simm.s32 $_size_execute0_lowered;
	s4 =	sadd.s32 s4, s6;
	[dreg:$0x0] =	wrdreg $0x0  }
0xae: {  	s6 =	sshll.u32 s28, $0x1;
	[dreg:$0x2] =	wrdreg s4  }
0xaf: {  	[dreg:$0x3] =	wrdreg s6  }
0xb0: {  	[dreg:$0x4] =	wrdreg $0xC0  }
0xb1: {  	_ =	task [dreg:s8], $0x5FFFF  }
0xb2: {  	[dreg:$0x1] =	wrdreg $0xFFFFFFFF  }
0xb3: {  	[dreg:$0x0] =	wrdreg $0x60  }
0xb4: {  	[dreg:$0x2] =	wrdreg s24  }
0xb5: {  	[dreg:$0x3] =	wrdreg s17  }
0xb6: {  	[dreg:$0x4] =	wrdreg s16  }
0xb7: {  	[dreg:$0x5] =	wrdreg $0x9  }
0xb8: {  	_ =	task.clear_ibuf [dreg:s8], $0x6FFFF;
	_ =	strace $0x90000049  }
0xb9: {  	s29 =	simm.s32 $0x9;
	_ =	strace $0x8000004B  }
0xba: {  	_ =	swait.ge [sflag:s29], $0x1  }
0xbb: {  	[sflag:s29] =	ssyncadd.s32 $0xFFFFFFFF  }
0xbc: {  	_ =	strace $0x9000004B  }
0xbd: {  	_ =	sfence  }
0xbe: {  	s30 =	sld [smem:$0x0];
	_ =	sdelay $0x2  }
0xbf: {  	s31 =	sshll.u32 s1, $0xD;
	s1 =	sshrl.u32 s1, $0x2  }
0xc0: {  	s3 =	sand.u32 $0x4000, s31;
	s1 =	sadd.s32 s1, s30  }
0xc1: {  	s0 =	sor.u32 s3, s0;
	s1 =	sshll.u32 s1, $0x11  }
0xc2: {  	s0 =	sor.u32 s1, s0  }
0xc3: {  	s0 =	sadd.s32 $0x8F2B, s0  }
0xc4: {  	[sflag:s0] =	ssyncadd.remote.s32 $0x1  }
0xc5: {  	_ =	sfence.sel $0xFFFF  }
0xc6: {  	[dreg:$0x0] =	wrdreg $0xFFFFFFFF;
	(pc) =	sbr.abs _section_cstart, $3  }
0xc7: {  	[dreg:$0x1] =	wrdreg $0xFFFFFFFF  }
0xc8: {  	_ =	task.clear_ibuf [dreg:s8], $0x2FFFF;
	_ =	strace $0x9FFFFFFF  }
0xc9: {  	(tm) =	ssettm $0x7FFFFFFF  }
tec
execute0_lowered:
.L_overlay_start_1:
0x0: {  	(tag) =	ssettag $0x1  }
0x1: {  	s6 =	rddreg [dreg:$0x0]  }
0x2: {  	s7 =	rddreg [dreg:$0x1]  }
0x3: {  	s8 =	rddreg [dreg:$0x2];
	s2 =	srdreg.scid  }
0x4: {  	s0 =	rddreg [dreg:$0x3];
	s1 =	stileid.u32  }
0x5: {  	s12 =	simm.s32 $0x100;
	s13 =	simm.s32 $0x900;
	s14 =	simm.s32 $0x1100  }
0x6: {  	s15 =	simm.s32 $0x1900;
	s16 =	simm.s32 $0x2100;
	s17 =	simm.s32 $0x2900  }
0x7: {  	s18 =	simm.s32 $0x3100;
	s19 =	simm.s32 $0x3900;
	s20 =	simm.s32 $0x1  }
0x8: {  	s21 =	simm.s32 $0x4100;
	s22 =	simm.s32 $0x4900;
	s23 =	simm.s32 $0x5100  }
0x9: {  	s24 =	simm.s32 $0x5900;
	s25 =	simm.s32 $0x6100;
	s26 =	simm.s32 $0x6900  }
0xa: {  	s28 =	simm.s32 $0x7100;
	s29 =	simm.s32 $0x7900;
	s3 =	sand.u32 $0x1, s2  }
0xb: {  	s2 =	simm.s32 $0x0;
	s4 =	sshll.u32 s1, $0x6;
	s5 =	sshll.u32 s3, $0x5  }
0xc: {  	[smem:$0x7FF] =	sst s2;
	s9 =	ssub.s32 $0x2, s3;
	s3 =	sadd.s32 $0x900C00, s6  }
0xd: {  	s5 =	sor.u32 s5, s4;
	_ =	strace $0x8000004A;
	s31 =	sshrl.u32 s9, $0x1  }
0xe: {  	s4 =	sshrl.u32 s5, $0x3;
	s9 =	ssub.s32 s9, s31;
	s11 =	sshll.u32 s5, $0x6  }
0xf: {  	v2 =	vlaneseq.u32;
	s10 =	sadd.s32 s4, s6;
	s6 =	sadd.s32 $0x900D00, s6;
	s7 =	sadd.s32 s7, s11  }
0x10: {  	vm0 =	vmmov $0xffff;
	v1 =	vshrl.u32 v2, $0x3;
	s8 =	sadd.s32 s8, s11;
	s9 =	smax.u32 s9, $0x1;
	s11 =	simm.s32 $0x80  }
0x11: {  	v0 =	vand.u32 $0x7, v2;
	v2 =	vor.u32 $0x8, v2;
	v1 =	vmul.u32 $0x8, v1;
	s4 =	sadd.s32 $0x200, s10;
	s5 =	sadd.s32 $0x400, s10;
	s10 =	simm.s32 $0x2  }
.LBB2_1:
0x12: {  	[tilespmem:s2], [sflag:$0x2] =	stream.linear.gather [hbm4b:s4+s2], $0x20, $0x38;
	[tilespmem:$0x8100] =	vst v63  }
0x13: {  	_ =	swait.ge [sflag:s10], $0x20  }
0x14: {  	[sflag:s10] =	ssyncset.done $0x0  }
0x15: {  	[sflag:s10] =	ssyncadd.s32 $0xFFFFFFE0  }
0x16: {  	[tilespmem:s11], [sflag:$0x2] =	stream.linear.gather [hbm4b:s5+s2], $0x20, $0x38;
	[tilespmem:$0x8100] =	vst v63  }
0x17: {  	_ =	swait.ge [sflag:s10], $0x20  }
0x18: {  	[sflag:s10] =	ssyncset.done $0x0  }
0x19: {  	[sflag:s10] =	ssyncadd.s32 $0xFFFFFFE0  }
0x1a: {  	v3 =	vld [tilespmem:$0x0];
	_ =	sdelay $0x4  }
0x1b: {  	v4 =	vshll.u32 v3, $0x2  }
0x1c: {  	v3 =	vand.u32 $0x7, v3;
	v4 =	vand.u32 $0xFFFFFFE0, v4  }
0x1d: {  	v3 =	vor.u32 v3, v4  }
0x1e: {  	v4 =	vperm.xlane v3, v0;
	_ =	sdelay $0x1  }
0x1f: {  	v4 =	vadd.s32 v1, v4;
	_ =	sdelay $0x1  }
0x20: {  	v3 =	vperm.xlane v3, v2;
	_ =	sdelay $0x1  }
0x21: {  	v3 =	vadd.s32 v1, v3  }
0x22: {  	[tilespmem:s12], [sflag:$0x1] =	stream.indirect_vreg.gather [hbm4b:s3+s2], $0x80, v4, vm0, $0xb8;
	[tilespmem:$0x8100] =	vst v63  }
0x23: {  	_ = 	snop  }
0x24: {  	[tilespmem:s13], [sflag:$0x1] =	stream.indirect_vreg.gather [hbm4b:s6+s2], $0x80, v4, vm0, $0xb8;
	[tilespmem:$0x8100] =	vst v63  }
0x25: {  	_ = 	snop  }
0x26: {  	[tilespmem:s14], [sflag:$0x1] =	stream.indirect_vreg.gather [hbm4b:s3+s2], $0x80, v3, vm0, $0xb8;
	[tilespmem:$0x8100] =	vst v63  }
0x27: {  	_ = 	snop  }
0x28: {  	[tilespmem:s15], [sflag:$0x1] =	stream.indirect_vreg.gather [hbm4b:s6+s2], $0x80, v3, vm0, $0xb8;
	[tilespmem:$0x8100] =	vst v63  }
0x29: {  	v3 =	vld [tilespmem:$0x10];
	_ =	sdelay $0x4  }
0x2a: {  	v61 =	vshll.u32 v3, $0x2  }
0x2b: {  	v3 =	vand.u32 $0x7, v3;
	v4 =	vand.u32 $0xFFFFFFE0, v61  }
0x2c: {  	v3 =	vor.u32 v3, v4  }
0x2d: {  	v4 =	vperm.xlane v3, v0;
	_ =	sdelay $0x1  }
0x2e: {  	v4 =	vadd.s32 v1, v4;
	_ =	sdelay $0x1  }
0x2f: {  	v3 =	vperm.xlane v3, v2;
	_ =	sdelay $0x1  }
0x30: {  	v3 =	vadd.s32 v1, v3  }
0x31: {  	[tilespmem:s16], [sflag:$0x1] =	stream.indirect_vreg.gather [hbm4b:s3+s2], $0x80, v4, vm0, $0xb8;
	[tilespmem:$0x8100] =	vst v63  }
0x32: {  	_ = 	snop  }
0x33: {  	[tilespmem:s17], [sflag:$0x1] =	stream.indirect_vreg.gather [hbm4b:s6+s2], $0x80, v4, vm0, $0xb8;
	[tilespmem:$0x8100] =	vst v63  }
0x34: {  	_ = 	snop  }
0x35: {  	[tilespmem:s18], [sflag:$0x1] =	stream.indirect_vreg.gather [hbm4b:s3+s2], $0x80, v3, vm0, $0xb8;
	[tilespmem:$0x8100] =	vst v63  }
0x36: {  	_ = 	snop  }
0x37: {  	[tilespmem:s19], [sflag:$0x1] =	stream.indirect_vreg.gather [hbm4b:s6+s2], $0x80, v3, vm0, $0xb8;
	[tilespmem:$0x8100] =	vst v63  }
0x38: {  	_ =	swait.ge [sflag:s20], $0x4000  }
0x39: {  	[sflag:s20] =	ssyncset.done $0x0  }
0x3a: {  	[sflag:s20] =	ssyncadd.s32 $0xFFFFC000  }
0x3b: {  	v3 =	vld [tilespmem:$0x80];
	_ =	sdelay $0x4  }
0x3c: {  	v62 =	vshll.u32 v3, $0x2  }
0x3d: {  	v3 =	vand.u32 $0x7, v3;
	v4 =	vand.u32 $0xFFFFFFE0, v62  }
0x3e: {  	v3 =	vor.u32 v3, v4  }
0x3f: {  	v4 =	vperm.xlane v3, v0;
	_ =	sdelay $0x1  }
0x40: {  	v4 =	vadd.s32 v1, v4;
	_ =	sdelay $0x1  }
0x41: {  	v3 =	vperm.xlane v3, v2;
	_ =	sdelay $0x1  }
0x42: {  	v3 =	vadd.s32 v1, v3  }
0x43: {  	[tilespmem:s21], [sflag:$0x1] =	stream.indirect_vreg.gather [hbm4b:s3+s2], $0x80, v4, vm0, $0xb8;
	[tilespmem:$0x8100] =	vst v63  }
0x44: {  	_ = 	snop  }
0x45: {  	[tilespmem:s22], [sflag:$0x1] =	stream.indirect_vreg.gather [hbm4b:s6+s2], $0x80, v4, vm0, $0xb8;
	[tilespmem:$0x8100] =	vst v63  }
0x46: {  	_ = 	snop  }
0x47: {  	[tilespmem:s23], [sflag:$0x1] =	stream.indirect_vreg.gather [hbm4b:s3+s2], $0x80, v3, vm0, $0xb8;
	[tilespmem:$0x8100] =	vst v63  }
0x48: {  	_ = 	snop  }
0x49: {  	[tilespmem:s24], [sflag:$0x1] =	stream.indirect_vreg.gather [hbm4b:s6+s2], $0x80, v3, vm0, $0xb8;
	[tilespmem:$0x8100] =	vst v63  }
0x4a: {  	v3 =	vld [tilespmem:$0x90];
	_ =	sdelay $0x4  }
0x4b: {  	v63 =	vshll.u32 v3, $0x2  }
0x4c: {  	v3 =	vand.u32 $0x7, v3;
	v4 =	vand.u32 $0xFFFFFFE0, v63  }
0x4d: {  	v3 =	vor.u32 v3, v4  }
0x4e: {  	v4 =	vperm.xlane v3, v0;
	_ =	sdelay $0x1  }
0x4f: {  	v4 =	vadd.s32 v1, v4;
	_ =	sdelay $0x1  }
0x50: {  	v3 =	vperm.xlane v3, v2;
	_ =	sdelay $0x1  }
0x51: {  	v3 =	vadd.s32 v1, v3  }
0x52: {  	[tilespmem:s25], [sflag:$0x1] =	stream.indirect_vreg.gather [hbm4b:s3+s2], $0x80, v4, vm0, $0xb8;
	[tilespmem:$0x8100] =	vst v63  }
0x53: {  	_ = 	snop  }
0x54: {  	[tilespmem:s26], [sflag:$0x1] =	stream.indirect_vreg.gather [hbm4b:s6+s2], $0x80, v4, vm0, $0xb8;
	[tilespmem:$0x8100] =	vst v63  }
0x55: {  	_ = 	snop  }
0x56: {  	[tilespmem:s28], [sflag:$0x1] =	stream.indirect_vreg.gather [hbm4b:s3+s2], $0x80, v3, vm0, $0xb8;
	[tilespmem:$0x8100] =	vst v63  }
0x57: {  	_ = 	snop  }
0x58: {  	[tilespmem:s29], [sflag:$0x1] =	stream.indirect_vreg.gather [hbm4b:s6+s2], $0x80, v3, vm0, $0xb8;
	[tilespmem:$0x8100] =	vst v63  }
0x59: {  	_ =	swait.ge [sflag:s20], $0x4000  }
0x5a: {  	[sflag:s20] =	ssyncset.done $0x0  }
0x5b: {  	[sflag:s20] =	ssyncadd.s32 $0xFFFFC000  }
0x5c: {  	[hbm4b:s7+s2] =	stream.linear.scatter [tilespmem:s12], [sflag:$0x2], $0x4000, $0x38;
	[tilespmem:$0x8100] =	vst v63  }
0x5d: {  	_ =	swait.ge [sflag:s10], $0x4000  }
0x5e: {  	p0 =	sne.s32 s9, $0x1;
	[sflag:s10] =	ssyncset.done $0x0  }
.Ltmp0:
0x5f: {  	[sflag:s10] =	ssyncadd.s32 $0xFFFFC000;
	(pc) =	sbr.rel @p0 .LBB2_1-.Ltmp0, $4  }
0x60: {  	[hbm4b:s8+s2] =	stream.linear.scatter [tilespmem:s21], [sflag:$0x2], $0x4000, $0x38;
	[tilespmem:$0x8100] =	vst v63  }
0x61: {  	_ =	swait.ge [sflag:s10], $0x4000  }
0x62: {  	[sflag:s10] =	ssyncset.done $0x0  }
0x63: {  	s9 =	sadd.s32 $0xFFFFFFFF, s9;
	[sflag:s10] =	ssyncadd.s32 $0xFFFFC000  }
0x64: {  	_ =	sfence.sel $0x180000  }
0x65: {  	[bflag:$0x0] =	sbarrier.arrive $0xFFFF  }
0x66: {  	p0 =	sne.s32 s1, $0x0;
	_ =	strace $0x9000004A  }
0x67: {  	s0 =	sadd.s32 @!p0 $0x100000, s0;
	[bflag:$0x2] =	sbarrier.arrive $0xFFFF  }
0x68: {  	[sflag:s0] =	ssyncadd.tile.s32 @!p0 $0x1;
	_ =	shalt  }
.Lfunc_end2:
_tile_overlayer_lowered:
.L_overlay_start_2:
0x69: {  	(tag) =	ssettag $0x2  }
0x6a: {  	s0 =	rddreg [dreg:$0x0];
	s2 =	stileid.u32  }
0x6b: {  	s1 =	rddreg [dreg:$0x1];
	p0 =	sne.s32 s2, $0x0  }
0x6c: {  	s3 =	rddreg [dreg:$0x2];
	[bflag:$0x3] =	sbarrier.arrive $0xFFFF;
	s2 =	simm.s32 @!p0 $0x1C02  }
0x6d: {  	[timem:s3], [sflag:s2] =	dma.local @!p0 [hbm:s0], s1  }
0x6e: {  	s0 =	simm.s32 @!p0 $0x2  }
0x6f: {  	_ =	swait.ge @!p0 [sflag:s0], s1  }
0x70: {  	s1 =	ssub.s32 @!p0 $0x0, s1;
	[sflag:s0] =	ssyncset.done @!p0 $0x0  }
0x71: {  	[sflag:s0] =	ssyncadd.s32 @!p0 s1  }
0x72: {  	[bflag:$0x3] =	sbarrier.arrive $0xFFFF  }
0x73: {  	_ =	shalt  }

</sc_bundles>
